<compile_context>
chip_gen: v7x
topology: tpu7x:2x2x1
jax: 0.10.2.dev20260603
libtpu: 0.0.44.dev20260713+nightly
codegen_flags: <defaults>
</compile_context>

<pallas_src>
import math

import jax
import jax.numpy as jnp
from jax import lax
from jax.experimental import pallas as pl
from jax.experimental.pallas import tpu as pltpu
from jax.experimental.pallas import tpu_sc as plsc

B, D, L_H = 4096, 128, 20
NC, NS, LANES = 2, 16, 16
NW = NC * NS
UPW = B // NW
CHUNK = 4
NCHUNK = UPW // CHUNK
CL = CHUNK * L_H
NG = D // LANES
KBUF = 8


def _sc_knn_body(table_hbm, hist_hbm, nodes_hbm, out_hbm,
                 hist_v, nidx_v, new_v, old_v, res_v, sem_n, sems):
    wid = lax.axis_index("s") * NC + lax.axis_index("c")
    pltpu.sync_copy(nodes_hbm.at[wid], nidx_v)
    new_cp = pltpu.async_copy(table_hbm.at[nidx_v], new_v, sem_n)
    pltpu.sync_copy(hist_hbm.at[wid], hist_v)
    for b in range(KBUF):
        pltpu.async_copy(table_hbm.at[hist_v.at[b]], old_v.at[b], sems.at[b])
    new_cp.wait()

    def compute_chunk(ci, old_ref):
        def u_body(u, carry):
            urow = ci * CHUNK + u
            nvecs = [new_v[urow, pl.ds(j * LANES, LANES)] for j in range(NG)]
            d2s = []
            for l in range(L_H):
                row = u * L_H + l
                acc = None
                for j in range(NG):
                    dlt = old_ref[row, pl.ds(j * LANES, LANES)] - nvecs[j]
                    sq = dlt * dlt
                    acc = sq if acc is None else acc + sq
                d2s.append(jnp.sum(acc))
            while len(d2s) > 1:
                d2s = [jnp.minimum(d2s[2 * i], d2s[2 * i + 1])
                       for i in range(len(d2s) // 2)] + d2s[len(d2s) & ~1:]
            lane = lax.iota(jnp.int32, LANES)
            plsc.store_scatter(res_v, [jnp.full((LANES,), urow, jnp.int32)],
                               jnp.full((LANES,), d2s[0], jnp.float32),
                               mask=lane == 0)
            return carry

        lax.fori_loop(0, CHUNK, u_body, 0)

    def chunk_loop(ci, carry):
        b = lax.rem(ci, KBUF)
        pltpu.make_async_copy(table_hbm.at[hist_v.at[ci]],
                              old_v.at[b], sems.at[b]).wait()
        compute_chunk(ci, old_v.at[b])

        @pl.when(ci + KBUF < NCHUNK)
        def _():
            pltpu.async_copy(table_hbm.at[hist_v.at[ci + KBUF]],
                             old_v.at[b], sems.at[b])

        return carry

    lax.fori_loop(0, NCHUNK, chunk_loop, 0)
    pltpu.sync_copy(res_v, out_hbm.at[pl.ds(wid * UPW, UPW)])


def _sc_knn(v_embed, hist_items, nodes_v):
    hist_r = hist_items.reshape(NW, NCHUNK, CL)
    nodes_r = nodes_v.reshape(NW, UPW)
    mesh = plsc.VectorSubcoreMesh(core_axis_name="c", subcore_axis_name="s")
    f = pl.kernel(
        _sc_knn_body,
        out_type=jax.ShapeDtypeStruct((B,), jnp.float32),
        mesh=mesh,
        compiler_params=pltpu.CompilerParams(needs_layout_passes=False),
        scratch_types=[
            pltpu.VMEM((NCHUNK, CL), jnp.int32),
            pltpu.VMEM((UPW,), jnp.int32),
            pltpu.VMEM((UPW, D), jnp.float32),
            pltpu.VMEM((KBUF, CL, D), jnp.float32),
            pltpu.VMEM((UPW,), jnp.float32),
            pltpu.SemaphoreType.DMA,
            pltpu.SemaphoreType.DMA((KBUF,)),
        ],
    )
    return f(v_embed, hist_r, nodes_r)


def _bn(x, g, b):
    mu = jnp.mean(x, axis=0, keepdims=True)
    var = jnp.mean((x - mu) ** 2, axis=0, keepdims=True)
    return g * (x - mu) / jnp.sqrt(var + 1e-5) + b


def _dot_t(x, w):
    return lax.dot_general(x, w, (((1,), (1,)), ((), ())),
                           preferred_element_type=jnp.float32)


_S0 = math.exp(-4) + math.exp(-3) + math.exp(-2) + math.exp(-1)
_C1, _C2 = math.exp(-4) / _S0, math.exp(-3) / _S0
_C3, _C4 = math.exp(-2) / _S0, math.exp(-1) / _S0


def _tc_head_body(e1, e2, e3, e4, ev,
                  wur1, wur2, wvr1, wvr2, wuv1a, wuv1b, wuv2, wuv3,
                  bur1, bur2, bvr1, bvr2, buv1, buv2, buv3,
                  g1, be1, g2, be2, g3, be3, g4, be4, scores_out, cn_out):
    a1, a2, a3, a4 = e1[...], e2[...], e3[...], e4[...]
    c = (jnp.sqrt(jnp.sum((a1 - a2) ** 2, axis=1, keepdims=True))
         + jnp.sqrt(jnp.sum((a2 - a3) ** 2, axis=1, keepdims=True))
         + jnp.sqrt(jnp.sum((a3 - a4) ** 2, axis=1, keepdims=True))) / 3.0
    c_lo, c_hi = jnp.min(c), jnp.max(c)
    cn_out[...] = (c - c_lo) / (c_hi - c_lo)
    u = a1 * _C1 + a2 * _C2 + a3 * _C3 + a4 * _C4
    xu = jax.nn.relu(_bn(_dot_t(u, wur1[...]) + bur1[...], g1[...], be1[...]))
    xu = _dot_t(xu, wur2[...]) + bur2[...]
    xv = jax.nn.relu(_bn(_dot_t(ev[...], wvr1[...]) + bvr1[...], g2[...], be2[...]))
    xv = _dot_t(xv, wvr2[...]) + bvr2[...]
    x = _dot_t(xu, wuv1a[...]) + _dot_t(xv, wuv1b[...]) + buv1[...]
    x = jax.nn.relu(_bn(x, g3[...], be3[...]))
    x = jax.nn.relu(_bn(_dot_t(x, wuv2[...]) + buv2[...], g4[...], be4[...]))
    scores_out[...] = jnp.sum(x * wuv3[...], axis=1, keepdims=True) + buv3[0, 0]


def _tc_combine_body(scores, cn, d2, out):
    dmin = jnp.sqrt(d2[...])
    d_lo, d_hi = jnp.min(dmin), jnp.max(dmin)
    tmp = (dmin - d_lo) / (d_hi - d_lo)
    unexp = 6.0 * tmp * jnp.exp(-6.0 * tmp)
    out[...] = scores[...] + unexp * cn[...]


def kernel(embeds_u_1, embeds_u_2, embeds_u_3, embeds_u_4, embeds_v, v_embed,
           hist_items, nodes_v,
           W_ur1, b_ur1, W_ur2, b_ur2, W_vr1, b_vr1, W_vr2, b_vr2,
           W_uv1, b_uv1, W_uv2, b_uv2, W_uv3, b_uv3,
           g1, be1, g2, be2, g3, be3, g4, be4):
    d2 = _sc_knn(v_embed, hist_items, nodes_v)
    row = lambda v: v.reshape(1, -1)
    scores, cn = pl.pallas_call(
        _tc_head_body,
        out_shape=(jax.ShapeDtypeStruct((B, 1), jnp.float32),
                   jax.ShapeDtypeStruct((B, 1), jnp.float32)),
    )(embeds_u_1, embeds_u_2, embeds_u_3, embeds_u_4, embeds_v,
      W_ur1, W_ur2, W_vr1, W_vr2, W_uv1[:, :D], W_uv1[:, D:], W_uv2, W_uv3,
      row(b_ur1), row(b_ur2), row(b_vr1), row(b_vr2),
      row(b_uv1), row(b_uv2), row(b_uv3),
      row(g1), row(be1), row(g2), row(be2), row(g3), row(be3),
      row(g4), row(be4))
    ratings = pl.pallas_call(
        _tc_combine_body,
        out_shape=jax.ShapeDtypeStruct((NW, UPW), jnp.float32),
    )(scores.reshape(NW, UPW), cn.reshape(NW, UPW), d2.reshape(NW, UPW))
    return ratings.reshape(B)

# --- scband reference (transcript-rebuilt; emitter-appended) ---
"""Pipeline reference for scband-mtge-59923383714498 (READ-ONLY COPY).

The authoritative reference and input builder live on the scoring server;
editing this copy changes nothing except your own understanding.
"""

import jax, jax.numpy as jnp
import numpy as np

B, D, K, L = 4096, 128, 100000, 20


def _bn(x, g, b, eps=1e-5):
    mu = jnp.mean(x, axis=0)
    var = jnp.var(x, axis=0)
    return g * (x - mu) / jnp.sqrt(var + eps) + b


def setup_inputs(seed: int = 0) -> dict:
    key = jax.random.key(seed)
    ks = jax.random.split(key, 32)
    inp = {}
    inp['embeds_u_1'] = jax.random.normal(ks[0], (B, D), jnp.float32)
    inp['embeds_u_2'] = jax.random.normal(ks[1], (B, D), jnp.float32)
    inp['embeds_u_3'] = jax.random.normal(ks[2], (B, D), jnp.float32)
    inp['embeds_u_4'] = jax.random.normal(ks[3], (B, D), jnp.float32)
    inp['embeds_v'] = jax.random.normal(ks[4], (B, D), jnp.float32)
    inp['v_embed'] = jax.random.normal(ks[5], (K, D), jnp.float32) * 0.1
    inp['hist_items'] = jax.random.randint(ks[6], (B, L), 0, K, jnp.int32)
    inp['nodes_v'] = jax.random.randint(ks[7], (B,), 0, K, jnp.int32)
    inp['W_ur1'] = jax.random.normal(ks[8], (D, D), jnp.float32) * 0.05
    inp['b_ur1'] = jnp.zeros((D,), jnp.float32)
    inp['W_ur2'] = jax.random.normal(ks[9], (D, D), jnp.float32) * 0.05
    inp['b_ur2'] = jnp.zeros((D,), jnp.float32)
    inp['W_vr1'] = jax.random.normal(ks[10], (D, D), jnp.float32) * 0.05
    inp['b_vr1'] = jnp.zeros((D,), jnp.float32)
    inp['W_vr2'] = jax.random.normal(ks[11], (D, D), jnp.float32) * 0.05
    inp['b_vr2'] = jnp.zeros((D,), jnp.float32)
    inp['W_uv1'] = jax.random.normal(ks[12], (D, 2 * D), jnp.float32) * 0.05
    inp['b_uv1'] = jnp.zeros((D,), jnp.float32)
    inp['W_uv2'] = jax.random.normal(ks[13], (16, D), jnp.float32) * 0.05
    inp['b_uv2'] = jnp.zeros((16,), jnp.float32)
    inp['W_uv3'] = jax.random.normal(ks[14], (1, 16), jnp.float32) * 0.05
    inp['b_uv3'] = jnp.zeros((1,), jnp.float32)
    inp['g1'] = jnp.ones((D,), jnp.float32); inp['be1'] = jnp.zeros((D,), jnp.float32)
    inp['g2'] = jnp.ones((D,), jnp.float32); inp['be2'] = jnp.zeros((D,), jnp.float32)
    inp['g3'] = jnp.ones((D,), jnp.float32); inp['be3'] = jnp.zeros((D,), jnp.float32)
    inp['g4'] = jnp.ones((16,), jnp.float32); inp['be4'] = jnp.zeros((16,), jnp.float32)
    return inp


def reference(embeds_u_1, embeds_u_2, embeds_u_3, embeds_u_4, embeds_v, v_embed,
              hist_items, nodes_v,
              W_ur1, b_ur1, W_ur2, b_ur2, W_vr1, b_vr1, W_vr2, b_vr2,
              W_uv1, b_uv1, W_uv2, b_uv2, W_uv3, b_uv3,
              g1, be1, g2, be2, g3, be3, g4, be4):
    import math
    # brute-force nearest-neighbor over each user's history items (the knn core)
    new_v = jnp.take(v_embed, nodes_v, axis=0)            # [B, D]
    old_v = jnp.take(v_embed, hist_items, axis=0)         # [B, L, D]
    d = jnp.sqrt(jnp.sum((new_v[:, None, :] - old_v) ** 2, axis=-1))  # [B, L]
    d_min = jnp.min(d, axis=1)                            # [B]
    # temporal consistency c_u
    c = (jnp.sqrt(jnp.sum((embeds_u_1 - embeds_u_2) ** 2, axis=-1))
         + jnp.sqrt(jnp.sum((embeds_u_2 - embeds_u_3) ** 2, axis=-1))
         + jnp.sqrt(jnp.sum((embeds_u_3 - embeds_u_4) ** 2, axis=-1))) / 3.0
    sum_0 = math.exp(-4) + math.exp(-3) + math.exp(-2) + math.exp(-1)
    embeds_u = (embeds_u_1 * math.exp(-4) / sum_0 + embeds_u_2 * math.exp(-3) / sum_0
                + embeds_u_3 * math.exp(-2) / sum_0 + embeds_u_4 * math.exp(-1) / sum_0)
    x_u = jax.nn.relu(_bn(embeds_u @ W_ur1.T + b_ur1, g1, be1))
    x_u = x_u @ W_ur2.T + b_ur2
    x_v = jax.nn.relu(_bn(embeds_v @ W_vr1.T + b_vr1, g2, be2))
    x_v = x_v @ W_vr2.T + b_vr2
    x_uv = jnp.concatenate([x_u, x_v], axis=1)
    x = jax.nn.relu(_bn(x_uv @ W_uv1.T + b_uv1, g3, be3))
    x = jax.nn.relu(_bn(x @ W_uv2.T + b_uv2, g4, be4))
    scores = x @ W_uv3.T + b_uv3                          # [B, 1]
    # unexpectedness term
    interval0 = jnp.max(d_min) - jnp.min(d_min)
    tmp = (d_min - jnp.min(d_min)) / interval0
    unExp = 6.0 * tmp * jnp.exp(-6.0 * tmp)
    interval = jnp.max(c) - jnp.min(c)
    cn = (c - jnp.min(c)) / interval
    final_p = (unExp * cn)[:, None]
    ratings = scores + final_p
    return jnp.squeeze(ratings)

if __name__ == "__main__":
    import jax
    _d = setup_inputs()
    print(jax.jit(kernel)(*tuple(_d.values())))

</pallas_src>

<mosaic_0001>
#map = affine_map<(d0, d1) -> (0, 0)>
#map1 = affine_map<(d0, d1) -> (0, 0, 0)>
#map2 = affine_map<(d0, d1) -> (0)>
module attributes {stable_mosaic.version = 14 : i64} {
  func.func @_sc_knn_body(%arg0: i32, %arg1: i32, %arg2: memref<100000x128xf32, #tpu.memory_space<hbm>>, %arg3: memref<32x32x80xi32, #tpu.memory_space<hbm>>, %arg4: memref<32x128xi32, #tpu.memory_space<hbm>>, %arg5: memref<4096xf32, #tpu.memory_space<hbm>>, %arg6: memref<32x80xi32, #tpu.memory_space<vmem>>, %arg7: memref<128xi32, #tpu.memory_space<vmem>>, %arg8: memref<128x128xf32, #tpu.memory_space<vmem>>, %arg9: memref<8x80x128xf32, #tpu.memory_space<vmem>>, %arg10: memref<128xf32, #tpu.memory_space<vmem>>, %arg11: memref<!tpu.dma_semaphore, #tpu.memory_space<semaphore_mem>>, %arg12: memref<8x!tpu.dma_semaphore, #tpu.memory_space<semaphore_mem>>) attributes {dimension_semantics = [#tpu.dimension_semantics<core_parallel>, #tpu.dimension_semantics<subcore_parallel>], iteration_bounds = array<i64: 2, 16>, scalar_prefetch = 0 : i64, scratch_operands = 7 : i64, tpu.core_type = #tpu.core_type<sc_vector_subcore>, window_params = [{transform_indices = #map}, {transform_indices = #map1}, {transform_indices = #map}, {transform_indices = #map2}]} {
    %mul3A = arith.constant 2 : i32
    %mul3A_0 = arith.muli %arg1, %mul3A : i32
    %add3A = arith.addi %mul3A_0, %arg0 : i32
    "tpu.region"() ({
      %run_scoped3A = tpu.sem_alloc : memref<!tpu.dma_semaphore, #tpu.memory_space<semaphore_mem>>
      %dma_start3A_132 = arith.constant 0 : i32
      %dma_start3A_133 = tpu.memref_slice %arg4[%add3A, %dma_start3A_132] : memref<32x128xi32, #tpu.memory_space<hbm>> -> memref<1x128xi32, #tpu.memory_space<hbm>>
      %dma_start3A_134 = tpu.memref_squeeze %dma_start3A_133 : memref<1x128xi32, #tpu.memory_space<hbm>> -> memref<128xi32, #tpu.memory_space<hbm>>
      %dma_start3A_135 = arith.constant 0 : i32
      %dma_start3A_136 = tpu.memref_slice %arg4[%add3A, %dma_start3A_135] : memref<32x128xi32, #tpu.memory_space<hbm>> -> memref<1x128xi32, #tpu.memory_space<hbm>>
      %dma_start3A_137 = tpu.memref_squeeze %dma_start3A_136 : memref<1x128xi32, #tpu.memory_space<hbm>> -> memref<128xi32, #tpu.memory_space<hbm>>
      tpu.enqueue_dma source(%dma_start3A_137 : memref<128xi32, #tpu.memory_space<hbm>>) target(%arg7 : memref<128xi32, #tpu.memory_space<vmem>>) target_semaphore(%run_scoped3A : memref<!tpu.dma_semaphore, #tpu.memory_space<semaphore_mem>>)
      %dma_wait3A_138 = arith.constant 0 : i32
      %dma_wait3A_139 = tpu.memref_slice %arg4[%add3A, %dma_wait3A_138] : memref<32x128xi32, #tpu.memory_space<hbm>> -> memref<1x128xi32, #tpu.memory_space<hbm>>
      %dma_wait3A_140 = tpu.memref_squeeze %dma_wait3A_139 : memref<1x128xi32, #tpu.memory_space<hbm>> -> memref<128xi32, #tpu.memory_space<hbm>>
      %dma_wait3A_141 = arith.constant 0 : i32
      %dma_wait3A_142 = tpu.memref_slice %arg4[%add3A, %dma_wait3A_141] : memref<32x128xi32, #tpu.memory_space<hbm>> -> memref<1x128xi32, #tpu.memory_space<hbm>>
      %dma_wait3A_143 = tpu.memref_squeeze %dma_wait3A_142 : memref<1x128xi32, #tpu.memory_space<hbm>> -> memref<128xi32, #tpu.memory_space<hbm>>
      tpu.wait_dma2 semaphore(%run_scoped3A : memref<!tpu.dma_semaphore, #tpu.memory_space<semaphore_mem>>) src(%dma_wait3A_143 : memref<128xi32, #tpu.memory_space<hbm>>) dst(%arg7 : memref<128xi32, #tpu.memory_space<vmem>>)
      tpu.yield
    }) : () -> ()
    %dma_start3A = arith.constant 0 : i32
    %dma_start3A_1 = arith.constant 0 : i32
    %dma_start3A_2 = tpu.memref_slice %arg2[%dma_start3A, %dma_start3A_1] : memref<100000x128xf32, #tpu.memory_space<hbm>> -> memref<100000x128xf32, #tpu.memory_space<hbm>>
    tpu.enqueue_indirect_dma source(%dma_start3A_2 : memref<100000x128xf32, #tpu.memory_space<hbm>>) target(%arg8 : memref<128x128xf32, #tpu.memory_space<vmem>>) offsets(%arg7 : memref<128xi32, #tpu.memory_space<vmem>>) semaphore(%arg11 : memref<!tpu.dma_semaphore, #tpu.memory_space<semaphore_mem>>)
    "tpu.region"() ({
      %run_scoped3A = tpu.sem_alloc : memref<!tpu.dma_semaphore, #tpu.memory_space<semaphore_mem>>
      %dma_start3A_132 = arith.constant 0 : i32
      %dma_start3A_133 = arith.constant 0 : i32
      %dma_start3A_134 = tpu.memref_slice %arg3[%add3A, %dma_start3A_132, %dma_start3A_133] : memref<32x32x80xi32, #tpu.memory_space<hbm>> -> memref<1x32x80xi32, #tpu.memory_space<hbm>>
      %dma_start3A_135 = tpu.memref_squeeze %dma_start3A_134 : memref<1x32x80xi32, #tpu.memory_space<hbm>> -> memref<32x80xi32, #tpu.memory_space<hbm>>
      %dma_start3A_136 = arith.constant 0 : i32
      %dma_start3A_137 = arith.constant 0 : i32
      %dma_start3A_138 = tpu.memref_slice %arg3[%add3A, %dma_start3A_136, %dma_start3A_137] : memref<32x32x80xi32, #tpu.memory_space<hbm>> -> memref<1x32x80xi32, #tpu.memory_space<hbm>>
      %dma_start3A_139 = tpu.memref_squeeze %dma_start3A_138 : memref<1x32x80xi32, #tpu.memory_space<hbm>> -> memref<32x80xi32, #tpu.memory_space<hbm>>
      tpu.enqueue_dma source(%dma_start3A_139 : memref<32x80xi32, #tpu.memory_space<hbm>>) target(%arg6 : memref<32x80xi32, #tpu.memory_space<vmem>>) target_semaphore(%run_scoped3A : memref<!tpu.dma_semaphore, #tpu.memory_space<semaphore_mem>>)
      %dma_wait3A_140 = arith.constant 0 : i32
      %dma_wait3A_141 = arith.constant 0 : i32
      %dma_wait3A_142 = tpu.memref_slice %arg3[%add3A, %dma_wait3A_140, %dma_wait3A_141] : memref<32x32x80xi32, #tpu.memory_space<hbm>> -> memref<1x32x80xi32, #tpu.memory_space<hbm>>
      %dma_wait3A_143 = tpu.memref_squeeze %dma_wait3A_142 : memref<1x32x80xi32, #tpu.memory_space<hbm>> -> memref<32x80xi32, #tpu.memory_space<hbm>>
      %dma_wait3A_144 = arith.constant 0 : i32
      %dma_wait3A_145 = arith.constant 0 : i32
      %dma_wait3A_146 = tpu.memref_slice %arg3[%add3A, %dma_wait3A_144, %dma_wait3A_145] : memref<32x32x80xi32, #tpu.memory_space<hbm>> -> memref<1x32x80xi32, #tpu.memory_space<hbm>>
      %dma_wait3A_147 = tpu.memref_squeeze %dma_wait3A_146 : memref<1x32x80xi32, #tpu.memory_space<hbm>> -> memref<32x80xi32, #tpu.memory_space<hbm>>
      tpu.wait_dma2 semaphore(%run_scoped3A : memref<!tpu.dma_semaphore, #tpu.memory_space<semaphore_mem>>) src(%dma_wait3A_147 : memref<32x80xi32, #tpu.memory_space<hbm>>) dst(%arg6 : memref<32x80xi32, #tpu.memory_space<vmem>>)
      tpu.yield
    }) : () -> ()
    %dma_start3A_3 = arith.constant 0 : i32
    %dma_start3A_4 = arith.constant 0 : i32
    %dma_start3A_5 = arith.constant 0 : i32
    %dma_start3A_6 = arith.constant 0 : i32
    %dma_start3A_7 = arith.constant 0 : i32
    %dma_start3A_8 = tpu.memref_slice %arg9[%dma_start3A_4, %dma_start3A_6, %dma_start3A_7] : memref<8x80x128xf32, #tpu.memory_space<vmem>> -> memref<1x80x128xf32, #tpu.memory_space<vmem>>
    %dma_start3A_9 = tpu.memref_squeeze %dma_start3A_8 : memref<1x80x128xf32, #tpu.memory_space<vmem>> -> memref<80x128xf32, #tpu.memory_space<vmem>>
    %dma_start3A_10 = arith.constant 0 : i32
    %dma_start3A_11 = tpu.memref_slice %arg6[%dma_start3A_3, %dma_start3A_10] : memref<32x80xi32, #tpu.memory_space<vmem>> -> memref<1x80xi32, #tpu.memory_space<vmem>>
    %dma_start3A_12 = tpu.memref_squeeze %dma_start3A_11 : memref<1x80xi32, #tpu.memory_space<vmem>> -> memref<80xi32, #tpu.memory_space<vmem>>
    %dma_start3A_13 = arith.constant 0 : i32
    %dma_start3A_14 = arith.constant 0 : i32
    %dma_start3A_15 = tpu.memref_slice %arg2[%dma_start3A_13, %dma_start3A_14] : memref<100000x128xf32, #tpu.memory_space<hbm>> -> memref<100000x128xf32, #tpu.memory_space<hbm>>
    %dma_start3A_16 = tpu.memref_slice %arg12[%dma_start3A_5] : memref<8x!tpu.dma_semaphore, #tpu.memory_space<semaphore_mem>> -> memref<1x!tpu.dma_semaphore, #tpu.memory_space<semaphore_mem>>
    %dma_start3A_17 = tpu.memref_squeeze %dma_start3A_16 : memref<1x!tpu.dma_semaphore, #tpu.memory_space<semaphore_mem>> -> memref<!tpu.dma_semaphore, #tpu.memory_space<semaphore_mem>>
    tpu.enqueue_indirect_dma source(%dma_start3A_15 : memref<100000x128xf32, #tpu.memory_space<hbm>>) target(%dma_start3A_9 : memref<80x128xf32, #tpu.memory_space<vmem>>) offsets(%dma_start3A_12 : memref<80xi32, #tpu.memory_space<vmem>>) semaphore(%dma_start3A_17 : memref<!tpu.dma_semaphore, #tpu.memory_space<semaphore_mem>>)
    %dma_start3A_18 = arith.constant 1 : i32
    %dma_start3A_19 = arith.constant 1 : i32
    %dma_start3A_20 = arith.constant 1 : i32
    %dma_start3A_21 = arith.constant 0 : i32
    %dma_start3A_22 = arith.constant 0 : i32
    %dma_start3A_23 = tpu.memref_slice %arg9[%dma_start3A_19, %dma_start3A_21, %dma_start3A_22] : memref<8x80x128xf32, #tpu.memory_space<vmem>> -> memref<1x80x128xf32, #tpu.memory_space<vmem>>
    %dma_start3A_24 = tpu.memref_squeeze %dma_start3A_23 : memref<1x80x128xf32, #tpu.memory_space<vmem>> -> memref<80x128xf32, #tpu.memory_space<vmem>>
    %dma_start3A_25 = arith.constant 0 : i32
    %dma_start3A_26 = tpu.memref_slice %arg6[%dma_start3A_18, %dma_start3A_25] : memref<32x80xi32, #tpu.memory_space<vmem>> -> memref<1x80xi32, #tpu.memory_space<vmem>>
    %dma_start3A_27 = tpu.memref_squeeze %dma_start3A_26 : memref<1x80xi32, #tpu.memory_space<vmem>> -> memref<80xi32, #tpu.memory_space<vmem>>
    %dma_start3A_28 = arith.constant 0 : i32
    %dma_start3A_29 = arith.constant 0 : i32
    %dma_start3A_30 = tpu.memref_slice %arg2[%dma_start3A_28, %dma_start3A_29] : memref<100000x128xf32, #tpu.memory_space<hbm>> -> memref<100000x128xf32, #tpu.memory_space<hbm>>
    %dma_start3A_31 = tpu.memref_slice %arg12[%dma_start3A_20] : memref<8x!tpu.dma_semaphore, #tpu.memory_space<semaphore_mem>> -> memref<1x!tpu.dma_semaphore, #tpu.memory_space<semaphore_mem>>
    %dma_start3A_32 = tpu.memref_squeeze %dma_start3A_31 : memref<1x!tpu.dma_semaphore, #tpu.memory_space<semaphore_mem>> -> memref<!tpu.dma_semaphore, #tpu.memory_space<semaphore_mem>>
    tpu.enqueue_indirect_dma source(%dma_start3A_30 : memref<100000x128xf32, #tpu.memory_space<hbm>>) target(%dma_start3A_24 : memref<80x128xf32, #tpu.memory_space<vmem>>) offsets(%dma_start3A_27 : memref<80xi32, #tpu.memory_space<vmem>>) semaphore(%dma_start3A_32 : memref<!tpu.dma_semaphore, #tpu.memory_space<semaphore_mem>>)
    %dma_start3A_33 = arith.constant 2 : i32
    %dma_start3A_34 = arith.constant 2 : i32
    %dma_start3A_35 = arith.constant 2 : i32
    %dma_start3A_36 = arith.constant 0 : i32
    %dma_start3A_37 = arith.constant 0 : i32
    %dma_start3A_38 = tpu.memref_slice %arg9[%dma_start3A_34, %dma_start3A_36, %dma_start3A_37] : memref<8x80x128xf32, #tpu.memory_space<vmem>> -> memref<1x80x128xf32, #tpu.memory_space<vmem>>
    %dma_start3A_39 = tpu.memref_squeeze %dma_start3A_38 : memref<1x80x128xf32, #tpu.memory_space<vmem>> -> memref<80x128xf32, #tpu.memory_space<vmem>>
    %dma_start3A_40 = arith.constant 0 : i32
    %dma_start3A_41 = tpu.memref_slice %arg6[%dma_start3A_33, %dma_start3A_40] : memref<32x80xi32, #tpu.memory_space<vmem>> -> memref<1x80xi32, #tpu.memory_space<vmem>>
    %dma_start3A_42 = tpu.memref_squeeze %dma_start3A_41 : memref<1x80xi32, #tpu.memory_space<vmem>> -> memref<80xi32, #tpu.memory_space<vmem>>
    %dma_start3A_43 = arith.constant 0 : i32
    %dma_start3A_44 = arith.constant 0 : i32
    %dma_start3A_45 = tpu.memref_slice %arg2[%dma_start3A_43, %dma_start3A_44] : memref<100000x128xf32, #tpu.memory_space<hbm>> -> memref<100000x128xf32, #tpu.memory_space<hbm>>
    %dma_start3A_46 = tpu.memref_slice %arg12[%dma_start3A_35] : memref<8x!tpu.dma_semaphore, #tpu.memory_space<semaphore_mem>> -> memref<1x!tpu.dma_semaphore, #tpu.memory_space<semaphore_mem>>
    %dma_start3A_47 = tpu.memref_squeeze %dma_start3A_46 : memref<1x!tpu.dma_semaphore, #tpu.memory_space<semaphore_mem>> -> memref<!tpu.dma_semaphore, #tpu.memory_space<semaphore_mem>>
    tpu.enqueue_indirect_dma source(%dma_start3A_45 : memref<100000x128xf32, #tpu.memory_space<hbm>>) target(%dma_start3A_39 : memref<80x128xf32, #tpu.memory_space<vmem>>) offsets(%dma_start3A_42 : memref<80xi32, #tpu.memory_space<vmem>>) semaphore(%dma_start3A_47 : memref<!tpu.dma_semaphore, #tpu.memory_space<semaphore_mem>>)
    %dma_start3A_48 = arith.constant 3 : i32
    %dma_start3A_49 = arith.constant 3 : i32
    %dma_start3A_50 = arith.constant 3 : i32
    %dma_start3A_51 = arith.constant 0 : i32
    %dma_start3A_52 = arith.constant 0 : i32
    %dma_start3A_53 = tpu.memref_slice %arg9[%dma_start3A_49, %dma_start3A_51, %dma_start3A_52] : memref<8x80x128xf32, #tpu.memory_space<vmem>> -> memref<1x80x128xf32, #tpu.memory_space<vmem>>
    %dma_start3A_54 = tpu.memref_squeeze %dma_start3A_53 : memref<1x80x128xf32, #tpu.memory_space<vmem>> -> memref<80x128xf32, #tpu.memory_space<vmem>>
    %dma_start3A_55 = arith.constant 0 : i32
    %dma_start3A_56 = tpu.memref_slice %arg6[%dma_start3A_48, %dma_start3A_55] : memref<32x80xi32, #tpu.memory_space<vmem>> -> memref<1x80xi32, #tpu.memory_space<vmem>>
    %dma_start3A_57 = tpu.memref_squeeze %dma_start3A_56 : memref<1x80xi32, #tpu.memory_space<vmem>> -> memref<80xi32, #tpu.memory_space<vmem>>
    %dma_start3A_58 = arith.constant 0 : i32
    %dma_start3A_59 = arith.constant 0 : i32
    %dma_start3A_60 = tpu.memref_slice %arg2[%dma_start3A_58, %dma_start3A_59] : memref<100000x128xf32, #tpu.memory_space<hbm>> -> memref<100000x128xf32, #tpu.memory_space<hbm>>
    %dma_start3A_61 = tpu.memref_slice %arg12[%dma_start3A_50] : memref<8x!tpu.dma_semaphore, #tpu.memory_space<semaphore_mem>> -> memref<1x!tpu.dma_semaphore, #tpu.memory_space<semaphore_mem>>
    %dma_start3A_62 = tpu.memref_squeeze %dma_start3A_61 : memref<1x!tpu.dma_semaphore, #tpu.memory_space<semaphore_mem>> -> memref<!tpu.dma_semaphore, #tpu.memory_space<semaphore_mem>>
    tpu.enqueue_indirect_dma source(%dma_start3A_60 : memref<100000x128xf32, #tpu.memory_space<hbm>>) target(%dma_start3A_54 : memref<80x128xf32, #tpu.memory_space<vmem>>) offsets(%dma_start3A_57 : memref<80xi32, #tpu.memory_space<vmem>>) semaphore(%dma_start3A_62 : memref<!tpu.dma_semaphore, #tpu.memory_space<semaphore_mem>>)
    %dma_start3A_63 = arith.constant 4 : i32
    %dma_start3A_64 = arith.constant 4 : i32
    %dma_start3A_65 = arith.constant 4 : i32
    %dma_start3A_66 = arith.constant 0 : i32
    %dma_start3A_67 = arith.constant 0 : i32
    %dma_start3A_68 = tpu.memref_slice %arg9[%dma_start3A_64, %dma_start3A_66, %dma_start3A_67] : memref<8x80x128xf32, #tpu.memory_space<vmem>> -> memref<1x80x128xf32, #tpu.memory_space<vmem>>
    %dma_start3A_69 = tpu.memref_squeeze %dma_start3A_68 : memref<1x80x128xf32, #tpu.memory_space<vmem>> -> memref<80x128xf32, #tpu.memory_space<vmem>>
    %dma_start3A_70 = arith.constant 0 : i32
    %dma_start3A_71 = tpu.memref_slice %arg6[%dma_start3A_63, %dma_start3A_70] : memref<32x80xi32, #tpu.memory_space<vmem>> -> memref<1x80xi32, #tpu.memory_space<vmem>>
    %dma_start3A_72 = tpu.memref_squeeze %dma_start3A_71 : memref<1x80xi32, #tpu.memory_space<vmem>> -> memref<80xi32, #tpu.memory_space<vmem>>
    %dma_start3A_73 = arith.constant 0 : i32
    %dma_start3A_74 = arith.constant 0 : i32
    %dma_start3A_75 = tpu.memref_slice %arg2[%dma_start3A_73, %dma_start3A_74] : memref<100000x128xf32, #tpu.memory_space<hbm>> -> memref<100000x128xf32, #tpu.memory_space<hbm>>
    %dma_start3A_76 = tpu.memref_slice %arg12[%dma_start3A_65] : memref<8x!tpu.dma_semaphore, #tpu.memory_space<semaphore_mem>> -> memref<1x!tpu.dma_semaphore, #tpu.memory_space<semaphore_mem>>
    %dma_start3A_77 = tpu.memref_squeeze %dma_start3A_76 : memref<1x!tpu.dma_semaphore, #tpu.memory_space<semaphore_mem>> -> memref<!tpu.dma_semaphore, #tpu.memory_space<semaphore_mem>>
    tpu.enqueue_indirect_dma source(%dma_start3A_75 : memref<100000x128xf32, #tpu.memory_space<hbm>>) target(%dma_start3A_69 : memref<80x128xf32, #tpu.memory_space<vmem>>) offsets(%dma_start3A_72 : memref<80xi32, #tpu.memory_space<vmem>>) semaphore(%dma_start3A_77 : memref<!tpu.dma_semaphore, #tpu.memory_space<semaphore_mem>>)
    %dma_start3A_78 = arith.constant 5 : i32
    %dma_start3A_79 = arith.constant 5 : i32
    %dma_start3A_80 = arith.constant 5 : i32
    %dma_start3A_81 = arith.constant 0 : i32
    %dma_start3A_82 = arith.constant 0 : i32
    %dma_start3A_83 = tpu.memref_slice %arg9[%dma_start3A_79, %dma_start3A_81, %dma_start3A_82] : memref<8x80x128xf32, #tpu.memory_space<vmem>> -> memref<1x80x128xf32, #tpu.memory_space<vmem>>
    %dma_start3A_84 = tpu.memref_squeeze %dma_start3A_83 : memref<1x80x128xf32, #tpu.memory_space<vmem>> -> memref<80x128xf32, #tpu.memory_space<vmem>>
    %dma_start3A_85 = arith.constant 0 : i32
    %dma_start3A_86 = tpu.memref_slice %arg6[%dma_start3A_78, %dma_start3A_85] : memref<32x80xi32, #tpu.memory_space<vmem>> -> memref<1x80xi32, #tpu.memory_space<vmem>>
    %dma_start3A_87 = tpu.memref_squeeze %dma_start3A_86 : memref<1x80xi32, #tpu.memory_space<vmem>> -> memref<80xi32, #tpu.memory_space<vmem>>
    %dma_start3A_88 = arith.constant 0 : i32
    %dma_start3A_89 = arith.constant 0 : i32
    %dma_start3A_90 = tpu.memref_slice %arg2[%dma_start3A_88, %dma_start3A_89] : memref<100000x128xf32, #tpu.memory_space<hbm>> -> memref<100000x128xf32, #tpu.memory_space<hbm>>
    %dma_start3A_91 = tpu.memref_slice %arg12[%dma_start3A_80] : memref<8x!tpu.dma_semaphore, #tpu.memory_space<semaphore_mem>> -> memref<1x!tpu.dma_semaphore, #tpu.memory_space<semaphore_mem>>
    %dma_start3A_92 = tpu.memref_squeeze %dma_start3A_91 : memref<1x!tpu.dma_semaphore, #tpu.memory_space<semaphore_mem>> -> memref<!tpu.dma_semaphore, #tpu.memory_space<semaphore_mem>>
    tpu.enqueue_indirect_dma source(%dma_start3A_90 : memref<100000x128xf32, #tpu.memory_space<hbm>>) target(%dma_start3A_84 : memref<80x128xf32, #tpu.memory_space<vmem>>) offsets(%dma_start3A_87 : memref<80xi32, #tpu.memory_space<vmem>>) semaphore(%dma_start3A_92 : memref<!tpu.dma_semaphore, #tpu.memory_space<semaphore_mem>>)
    %dma_start3A_93 = arith.constant 6 : i32
    %dma_start3A_94 = arith.constant 6 : i32
    %dma_start3A_95 = arith.constant 6 : i32
    %dma_start3A_96 = arith.constant 0 : i32
    %dma_start3A_97 = arith.constant 0 : i32
    %dma_start3A_98 = tpu.memref_slice %arg9[%dma_start3A_94, %dma_start3A_96, %dma_start3A_97] : memref<8x80x128xf32, #tpu.memory_space<vmem>> -> memref<1x80x128xf32, #tpu.memory_space<vmem>>
    %dma_start3A_99 = tpu.memref_squeeze %dma_start3A_98 : memref<1x80x128xf32, #tpu.memory_space<vmem>> -> memref<80x128xf32, #tpu.memory_space<vmem>>
    %dma_start3A_100 = arith.constant 0 : i32
    %dma_start3A_101 = tpu.memref_slice %arg6[%dma_start3A_93, %dma_start3A_100] : memref<32x80xi32, #tpu.memory_space<vmem>> -> memref<1x80xi32, #tpu.memory_space<vmem>>
    %dma_start3A_102 = tpu.memref_squeeze %dma_start3A_101 : memref<1x80xi32, #tpu.memory_space<vmem>> -> memref<80xi32, #tpu.memory_space<vmem>>
    %dma_start3A_103 = arith.constant 0 : i32
    %dma_start3A_104 = arith.constant 0 : i32
    %dma_start3A_105 = tpu.memref_slice %arg2[%dma_start3A_103, %dma_start3A_104] : memref<100000x128xf32, #tpu.memory_space<hbm>> -> memref<100000x128xf32, #tpu.memory_space<hbm>>
    %dma_start3A_106 = tpu.memref_slice %arg12[%dma_start3A_95] : memref<8x!tpu.dma_semaphore, #tpu.memory_space<semaphore_mem>> -> memref<1x!tpu.dma_semaphore, #tpu.memory_space<semaphore_mem>>
    %dma_start3A_107 = tpu.memref_squeeze %dma_start3A_106 : memref<1x!tpu.dma_semaphore, #tpu.memory_space<semaphore_mem>> -> memref<!tpu.dma_semaphore, #tpu.memory_space<semaphore_mem>>
    tpu.enqueue_indirect_dma source(%dma_start3A_105 : memref<100000x128xf32, #tpu.memory_space<hbm>>) target(%dma_start3A_99 : memref<80x128xf32, #tpu.memory_space<vmem>>) offsets(%dma_start3A_102 : memref<80xi32, #tpu.memory_space<vmem>>) semaphore(%dma_start3A_107 : memref<!tpu.dma_semaphore, #tpu.memory_space<semaphore_mem>>)
    %dma_start3A_108 = arith.constant 7 : i32
    %dma_start3A_109 = arith.constant 7 : i32
    %dma_start3A_110 = arith.constant 7 : i32
    %dma_start3A_111 = arith.constant 0 : i32
    %dma_start3A_112 = arith.constant 0 : i32
    %dma_start3A_113 = tpu.memref_slice %arg9[%dma_start3A_109, %dma_start3A_111, %dma_start3A_112] : memref<8x80x128xf32, #tpu.memory_space<vmem>> -> memref<1x80x128xf32, #tpu.memory_space<vmem>>
    %dma_start3A_114 = tpu.memref_squeeze %dma_start3A_113 : memref<1x80x128xf32, #tpu.memory_space<vmem>> -> memref<80x128xf32, #tpu.memory_space<vmem>>
    %dma_start3A_115 = arith.constant 0 : i32
    %dma_start3A_116 = tpu.memref_slice %arg6[%dma_start3A_108, %dma_start3A_115] : memref<32x80xi32, #tpu.memory_space<vmem>> -> memref<1x80xi32, #tpu.memory_space<vmem>>
    %dma_start3A_117 = tpu.memref_squeeze %dma_start3A_116 : memref<1x80xi32, #tpu.memory_space<vmem>> -> memref<80xi32, #tpu.memory_space<vmem>>
    %dma_start3A_118 = arith.constant 0 : i32
    %dma_start3A_119 = arith.constant 0 : i32
    %dma_start3A_120 = tpu.memref_slice %arg2[%dma_start3A_118, %dma_start3A_119] : memref<100000x128xf32, #tpu.memory_space<hbm>> -> memref<100000x128xf32, #tpu.memory_space<hbm>>
    %dma_start3A_121 = tpu.memref_slice %arg12[%dma_start3A_110] : memref<8x!tpu.dma_semaphore, #tpu.memory_space<semaphore_mem>> -> memref<1x!tpu.dma_semaphore, #tpu.memory_space<semaphore_mem>>
    %dma_start3A_122 = tpu.memref_squeeze %dma_start3A_121 : memref<1x!tpu.dma_semaphore, #tpu.memory_space<semaphore_mem>> -> memref<!tpu.dma_semaphore, #tpu.memory_space<semaphore_mem>>
    tpu.enqueue_indirect_dma source(%dma_start3A_120 : memref<100000x128xf32, #tpu.memory_space<hbm>>) target(%dma_start3A_114 : memref<80x128xf32, #tpu.memory_space<vmem>>) offsets(%dma_start3A_117 : memref<80xi32, #tpu.memory_space<vmem>>) semaphore(%dma_start3A_122 : memref<!tpu.dma_semaphore, #tpu.memory_space<semaphore_mem>>)
    %dma_wait3A = arith.constant 0 : i32
    %dma_wait3A_123 = arith.constant 0 : i32
    %dma_wait3A_124 = tpu.memref_slice %arg2[%dma_wait3A, %dma_wait3A_123] : memref<100000x128xf32, #tpu.memory_space<hbm>> -> memref<100000x128xf32, #tpu.memory_space<hbm>>
    tpu.wait_indirect_dma semaphore(%arg11 : memref<!tpu.dma_semaphore, #tpu.memory_space<semaphore_mem>>) src(%dma_wait3A_124 : memref<100000x128xf32, #tpu.memory_space<hbm>>) dst(%arg8 : memref<128x128xf32, #tpu.memory_space<vmem>>)
    %scan3A = arith.constant 0 : i32
    %scan3A_125 = arith.constant 0 : i32
    %scan3A_126 = arith.constant 32 : i32
    %scan3A_127 = arith.addi %scan3A_125, %scan3A_126 : i32
    %scan3A_128 = arith.constant 1 : i32
    scf.for %scan3A_132 = %scan3A_125 to %scan3A_127 step %scan3A_128  : i32 {
      %rem3A = arith.constant 8 : i32
      %rem3A_133 = arith.remsi %scan3A_132, %rem3A : i32
      %dma_wait3A_134 = arith.constant 0 : i32
      %dma_wait3A_135 = arith.constant 0 : i32
      %dma_wait3A_136 = tpu.memref_slice %arg9[%rem3A_133, %dma_wait3A_134, %dma_wait3A_135] : memref<8x80x128xf32, #tpu.memory_space<vmem>> -> memref<1x80x128xf32, #tpu.memory_space<vmem>>
      %dma_wait3A_137 = tpu.memref_squeeze %dma_wait3A_136 : memref<1x80x128xf32, #tpu.memory_space<vmem>> -> memref<80x128xf32, #tpu.memory_space<vmem>>
      %dma_wait3A_138 = arith.constant 0 : i32
      %dma_wait3A_139 = tpu.memref_slice %arg6[%scan3A_132, %dma_wait3A_138] : memref<32x80xi32, #tpu.memory_space<vmem>> -> memref<1x80xi32, #tpu.memory_space<vmem>>
      %dma_wait3A_140 = tpu.memref_squeeze %dma_wait3A_139 : memref<1x80xi32, #tpu.memory_space<vmem>> -> memref<80xi32, #tpu.memory_space<vmem>>
      %dma_wait3A_141 = arith.constant 0 : i32
      %dma_wait3A_142 = arith.constant 0 : i32
      %dma_wait3A_143 = tpu.memref_slice %arg2[%dma_wait3A_141, %dma_wait3A_142] : memref<100000x128xf32, #tpu.memory_space<hbm>> -> memref<100000x128xf32, #tpu.memory_space<hbm>>
      %dma_wait3A_144 = tpu.memref_slice %arg12[%rem3A_133] : memref<8x!tpu.dma_semaphore, #tpu.memory_space<semaphore_mem>> -> memref<1x!tpu.dma_semaphore, #tpu.memory_space<semaphore_mem>>
      %dma_wait3A_145 = tpu.memref_squeeze %dma_wait3A_144 : memref<1x!tpu.dma_semaphore, #tpu.memory_space<semaphore_mem>> -> memref<!tpu.dma_semaphore, #tpu.memory_space<semaphore_mem>>
      tpu.wait_indirect_dma semaphore(%dma_wait3A_145 : memref<!tpu.dma_semaphore, #tpu.memory_space<semaphore_mem>>) src(%dma_wait3A_143 : memref<100000x128xf32, #tpu.memory_space<hbm>>) dst(%dma_wait3A_137 : memref<80x128xf32, #tpu.memory_space<vmem>>)
      %scan3A_146 = arith.constant 0 : i32
      %scan3A_147 = arith.constant 0 : i32
      %scan3A_148 = arith.constant 4 : i32
      %scan3A_149 = arith.addi %scan3A_147, %scan3A_148 : i32
      %scan3A_150 = arith.constant 1 : i32
      scf.for %scan3A_156 = %scan3A_147 to %scan3A_149 step %scan3A_150  : i32 {
        %mul3A_157 = arith.constant 4 : i32
        %mul3A_158 = arith.muli %scan3A_132, %mul3A_157 : i32
        %add3A_159 = arith.addi %mul3A_158, %scan3A_156 : i32
        %get3A = arith.index_cast %add3A_159 : i32 to index
        %get3A_160 = arith.constant 0 : index
        %get3A_161 = tpu.vector_load %arg8[%get3A, %get3A_160] {strides = array<i32>} : memref<128x128xf32, #tpu.memory_space<vmem>>, vector<16xf32>,
        %get3A_162 = arith.index_cast %add3A_159 : i32 to index
        %get3A_163 = arith.constant 16 : index
        %get3A_164 = tpu.vector_load %arg8[%get3A_162, %get3A_163] {strides = array<i32>} : memref<128x128xf32, #tpu.memory_space<vmem>>, vector<16xf32>,
        %get3A_165 = arith.index_cast %add3A_159 : i32 to index
        %get3A_166 = arith.constant 32 : index
        %get3A_167 = tpu.vector_load %arg8[%get3A_165, %get3A_166] {strides = array<i32>} : memref<128x128xf32, #tpu.memory_space<vmem>>, vector<16xf32>,
        %get3A_168 = arith.index_cast %add3A_159 : i32 to index
        %get3A_169 = arith.constant 48 : index
        %get3A_170 = tpu.vector_load %arg8[%get3A_168, %get3A_169] {strides = array<i32>} : memref<128x128xf32, #tpu.memory_space<vmem>>, vector<16xf32>,
        %get3A_171 = arith.index_cast %add3A_159 : i32 to index
        %get3A_172 = arith.constant 64 : index
        %get3A_173 = tpu.vector_load %arg8[%get3A_171, %get3A_172] {strides = array<i32>} : memref<128x128xf32, #tpu.memory_space<vmem>>, vector<16xf32>,
        %get3A_174 = arith.index_cast %add3A_159 : i32 to index
        %get3A_175 = arith.constant 80 : index
        %get3A_176 = tpu.vector_load %arg8[%get3A_174, %get3A_175] {strides = array<i32>} : memref<128x128xf32, #tpu.memory_space<vmem>>, vector<16xf32>,
        %get3A_177 = arith.index_cast %add3A_159 : i32 to index
        %get3A_178 = arith.constant 96 : index
        %get3A_179 = tpu.vector_load %arg8[%get3A_177, %get3A_178] {strides = array<i32>} : memref<128x128xf32, #tpu.memory_space<vmem>>, vector<16xf32>,
        %get3A_180 = arith.index_cast %add3A_159 : i32 to index
        %get3A_181 = arith.constant 112 : index
        %get3A_182 = tpu.vector_load %arg8[%get3A_180, %get3A_181] {strides = array<i32>} : memref<128x128xf32, #tpu.memory_space<vmem>>, vector<16xf32>,
        %mul3A_183 = arith.constant 20 : i32
        %mul3A_184 = arith.muli %scan3A_156, %mul3A_183 : i32
        %add3A_185 = arith.constant 0 : i32
        %add3A_186 = arith.addi %mul3A_184, %add3A_185 : i32
        %get3A_187 = arith.constant 0 : i32
        %get3A_188 = arith.constant 0 : i32
        %get3A_189 = tpu.memref_slice %arg9[%rem3A_133, %get3A_187, %get3A_188] : memref<8x80x128xf32, #tpu.memory_space<vmem>> -> memref<1x80x128xf32, #tpu.memory_space<vmem>>
        %get3A_190 = tpu.memref_squeeze %get3A_189 : memref<1x80x128xf32, #tpu.memory_space<vmem>> -> memref<80x128xf32, #tpu.memory_space<vmem>>
        %get3A_191 = arith.index_cast %add3A_186 : i32 to index
        %get3A_192 = arith.constant 0 : index
        %get3A_193 = tpu.vector_load %get3A_190[%get3A_191, %get3A_192] {strides = array<i32>} : memref<80x128xf32, #tpu.memory_space<vmem>>, vector<16xf32>,
        %sub3A = arith.subf %get3A_193, %get3A_161 : vector<16xf32>
        %mul3A_194 = arith.mulf %sub3A, %sub3A : vector<16xf32>
        %get3A_195 = arith.constant 0 : i32
        %get3A_196 = arith.constant 0 : i32
        %get3A_197 = tpu.memref_slice %arg9[%rem3A_133, %get3A_195, %get3A_196] : memref<8x80x128xf32, #tpu.memory_space<vmem>> -> memref<1x80x128xf32, #tpu.memory_space<vmem>>
        %get3A_198 = tpu.memref_squeeze %get3A_197 : memref<1x80x128xf32, #tpu.memory_space<vmem>> -> memref<80x128xf32, #tpu.memory_space<vmem>>
        %get3A_199 = arith.index_cast %add3A_186 : i32 to index
        %get3A_200 = arith.constant 16 : index
        %get3A_201 = tpu.vector_load %get3A_198[%get3A_199, %get3A_200] {strides = array<i32>} : memref<80x128xf32, #tpu.memory_space<vmem>>, vector<16xf32>,
        %sub3A_202 = arith.subf %get3A_201, %get3A_164 : vector<16xf32>
        %mul3A_203 = arith.mulf %sub3A_202, %sub3A_202 : vector<16xf32>
        %add3A_204 = arith.addf %mul3A_194, %mul3A_203 : vector<16xf32>
        %get3A_205 = arith.constant 0 : i32
        %get3A_206 = arith.constant 0 : i32
        %get3A_207 = tpu.memref_slice %arg9[%rem3A_133, %get3A_205, %get3A_206] : memref<8x80x128xf32, #tpu.memory_space<vmem>> -> memref<1x80x128xf32, #tpu.memory_space<vmem>>
        %get3A_208 = tpu.memref_squeeze %get3A_207 : memref<1x80x128xf32, #tpu.memory_space<vmem>> -> memref<80x128xf32, #tpu.memory_space<vmem>>
        %get3A_209 = arith.index_cast %add3A_186 : i32 to index
        %get3A_210 = arith.constant 32 : index
        %get3A_211 = tpu.vector_load %get3A_208[%get3A_209, %get3A_210] {strides = array<i32>} : memref<80x128xf32, #tpu.memory_space<vmem>>, vector<16xf32>,
        %sub3A_212 = arith.subf %get3A_211, %get3A_167 : vector<16xf32>
        %mul3A_213 = arith.mulf %sub3A_212, %sub3A_212 : vector<16xf32>
        %add3A_214 = arith.addf %add3A_204, %mul3A_213 : vector<16xf32>
        %get3A_215 = arith.constant 0 : i32
        %get3A_216 = arith.constant 0 : i32
        %get3A_217 = tpu.memref_slice %arg9[%rem3A_133, %get3A_215, %get3A_216] : memref<8x80x128xf32, #tpu.memory_space<vmem>> -> memref<1x80x128xf32, #tpu.memory_space<vmem>>
        %get3A_218 = tpu.memref_squeeze %get3A_217 : memref<1x80x128xf32, #tpu.memory_space<vmem>> -> memref<80x128xf32, #tpu.memory_space<vmem>>
        %get3A_219 = arith.index_cast %add3A_186 : i32 to index
        %get3A_220 = arith.constant 48 : index
        %get3A_221 = tpu.vector_load %get3A_218[%get3A_219, %get3A_220] {strides = array<i32>} : memref<80x128xf32, #tpu.memory_space<vmem>>, vector<16xf32>,
        %sub3A_222 = arith.subf %get3A_221, %get3A_170 : vector<16xf32>
        %mul3A_223 = arith.mulf %sub3A_222, %sub3A_222 : vector<16xf32>
        %add3A_224 = arith.addf %add3A_214, %mul3A_223 : vector<16xf32>
        %get3A_225 = arith.constant 0 : i32
        %get3A_226 = arith.constant 0 : i32
        %get3A_227 = tpu.memref_slice %arg9[%rem3A_133, %get3A_225, %get3A_226] : memref<8x80x128xf32, #tpu.memory_space<vmem>> -> memref<1x80x128xf32, #tpu.memory_space<vmem>>
        %get3A_228 = tpu.memref_squeeze %get3A_227 : memref<1x80x128xf32, #tpu.memory_space<vmem>> -> memref<80x128xf32, #tpu.memory_space<vmem>>
        %get3A_229 = arith.index_cast %add3A_186 : i32 to index
        %get3A_230 = arith.constant 64 : index
        %get3A_231 = tpu.vector_load %get3A_228[%get3A_229, %get3A_230] {strides = array<i32>} : memref<80x128xf32, #tpu.memory_space<vmem>>, vector<16xf32>,
        %sub3A_232 = arith.subf %get3A_231, %get3A_173 : vector<16xf32>
        %mul3A_233 = arith.mulf %sub3A_232, %sub3A_232 : vector<16xf32>
        %add3A_234 = arith.addf %add3A_224, %mul3A_233 : vector<16xf32>
        %get3A_235 = arith.constant 0 : i32
        %get3A_236 = arith.constant 0 : i32
        %get3A_237 = tpu.memref_slice %arg9[%rem3A_133, %get3A_235, %get3A_236] : memref<8x80x128xf32, #tpu.memory_space<vmem>> -> memref<1x80x128xf32, #tpu.memory_space<vmem>>
        %get3A_238 = tpu.memref_squeeze %get3A_237 : memref<1x80x128xf32, #tpu.memory_space<vmem>> -> memref<80x128xf32, #tpu.memory_space<vmem>>
        %get3A_239 = arith.index_cast %add3A_186 : i32 to index
        %get3A_240 = arith.constant 80 : index
        %get3A_241 = tpu.vector_load %get3A_238[%get3A_239, %get3A_240] {strides = array<i32>} : memref<80x128xf32, #tpu.memory_space<vmem>>, vector<16xf32>,
        %sub3A_242 = arith.subf %get3A_241, %get3A_176 : vector<16xf32>
        %mul3A_243 = arith.mulf %sub3A_242, %sub3A_242 : vector<16xf32>
        %add3A_244 = arith.addf %add3A_234, %mul3A_243 : vector<16xf32>
        %get3A_245 = arith.constant 0 : i32
        %get3A_246 = arith.constant 0 : i32
        %get3A_247 = tpu.memref_slice %arg9[%rem3A_133, %get3A_245, %get3A_246] : memref<8x80x128xf32, #tpu.memory_space<vmem>> -> memref<1x80x128xf32, #tpu.memory_space<vmem>>
        %get3A_248 = tpu.memref_squeeze %get3A_247 : memref<1x80x128xf32, #tpu.memory_space<vmem>> -> memref<80x128xf32, #tpu.memory_space<vmem>>
        %get3A_249 = arith.index_cast %add3A_186 : i32 to index
        %get3A_250 = arith.constant 96 : index
        %get3A_251 = tpu.vector_load %get3A_248[%get3A_249, %get3A_250] {strides = array<i32>} : memref<80x128xf32, #tpu.memory_space<vmem>>, vector<16xf32>,
        %sub3A_252 = arith.subf %get3A_251, %get3A_179 : vector<16xf32>
        %mul3A_253 = arith.mulf %sub3A_252, %sub3A_252 : vector<16xf32>
        %add3A_254 = arith.addf %add3A_244, %mul3A_253 : vector<16xf32>
        %get3A_255 = arith.constant 0 : i32
        %get3A_256 = arith.constant 0 : i32
        %get3A_257 = tpu.memref_slice %arg9[%rem3A_133, %get3A_255, %get3A_256] : memref<8x80x128xf32, #tpu.memory_space<vmem>> -> memref<1x80x128xf32, #tpu.memory_space<vmem>>
        %get3A_258 = tpu.memref_squeeze %get3A_257 : memref<1x80x128xf32, #tpu.memory_space<vmem>> -> memref<80x128xf32, #tpu.memory_space<vmem>>
        %get3A_259 = arith.index_cast %add3A_186 : i32 to index
        %get3A_260 = arith.constant 112 : index
        %get3A_261 = tpu.vector_load %get3A_258[%get3A_259, %get3A_260] {strides = array<i32>} : memref<80x128xf32, #tpu.memory_space<vmem>>, vector<16xf32>,
        %sub3A_262 = arith.subf %get3A_261, %get3A_182 : vector<16xf32>
        %mul3A_263 = arith.mulf %sub3A_262, %sub3A_262 : vector<16xf32>
        %add3A_264 = arith.addf %add3A_254, %mul3A_263 : vector<16xf32>
        %reduce_sum3A = arith.constant true
        %reduce_sum3A_265 = vector.broadcast %reduce_sum3A : i1 to vector<16xi1>
        %reduce_sum3A_266 = tpu.scan <sum>, %add3A_264 masked %reduce_sum3A_265 : vector<16xf32>, vector<16xi1> -> vector<16xf32>
        %reduce_sum3A_267 = vector.extract %reduce_sum3A_266[15] : f32 from vector<16xf32>
        %mul3A_268 = arith.constant 20 : i32
        %mul3A_269 = arith.muli %scan3A_156, %mul3A_268 : i32
        %add3A_270 = arith.constant 1 : i32
        %add3A_271 = arith.addi %mul3A_269, %add3A_270 : i32
        %get3A_272 = arith.constant 0 : i32
        %get3A_273 = arith.constant 0 : i32
        %get3A_274 = tpu.memref_slice %arg9[%rem3A_133, %get3A_272, %get3A_273] : memref<8x80x128xf32, #tpu.memory_space<vmem>> -> memref<1x80x128xf32, #tpu.memory_space<vmem>>
        %get3A_275 = tpu.memref_squeeze %get3A_274 : memref<1x80x128xf32, #tpu.memory_space<vmem>> -> memref<80x128xf32, #tpu.memory_space<vmem>>
        %get3A_276 = arith.index_cast %add3A_271 : i32 to index
        %get3A_277 = arith.constant 0 : index
        %get3A_278 = tpu.vector_load %get3A_275[%get3A_276, %get3A_277] {strides = array<i32>} : memref<80x128xf32, #tpu.memory_space<vmem>>, vector<16xf32>,
        %sub3A_279 = arith.subf %get3A_278, %get3A_161 : vector<16xf32>
        %mul3A_280 = arith.mulf %sub3A_279, %sub3A_279 : vector<16xf32>
        %get3A_281 = arith.constant 0 : i32
        %get3A_282 = arith.constant 0 : i32
        %get3A_283 = tpu.memref_slice %arg9[%rem3A_133, %get3A_281, %get3A_282] : memref<8x80x128xf32, #tpu.memory_space<vmem>> -> memref<1x80x128xf32, #tpu.memory_space<vmem>>
        %get3A_284 = tpu.memref_squeeze %get3A_283 : memref<1x80x128xf32, #tpu.memory_space<vmem>> -> memref<80x128xf32, #tpu.memory_space<vmem>>
        %get3A_285 = arith.index_cast %add3A_271 : i32 to index
        %get3A_286 = arith.constant 16 : index
        %get3A_287 = tpu.vector_load %get3A_284[%get3A_285, %get3A_286] {strides = array<i32>} : memref<80x128xf32, #tpu.memory_space<vmem>>, vector<16xf32>,
        %sub3A_288 = arith.subf %get3A_287, %get3A_164 : vector<16xf32>
        %mul3A_289 = arith.mulf %sub3A_288, %sub3A_288 : vector<16xf32>
        %add3A_290 = arith.addf %mul3A_280, %mul3A_289 : vector<16xf32>
        %get3A_291 = arith.constant 0 : i32
        %get3A_292 = arith.constant 0 : i32
        %get3A_293 = tpu.memref_slice %arg9[%rem3A_133, %get3A_291, %get3A_292] : memref<8x80x128xf32, #tpu.memory_space<vmem>> -> memref<1x80x128xf32, #tpu.memory_space<vmem>>
        %get3A_294 = tpu.memref_squeeze %get3A_293 : memref<1x80x128xf32, #tpu.memory_space<vmem>> -> memref<80x128xf32, #tpu.memory_space<vmem>>
        %get3A_295 = arith.index_cast %add3A_271 : i32 to index
        %get3A_296 = arith.constant 32 : index
        %get3A_297 = tpu.vector_load %get3A_294[%get3A_295, %get3A_296] {strides = array<i32>} : memref<80x128xf32, #tpu.memory_space<vmem>>, vector<16xf32>,
        %sub3A_298 = arith.subf %get3A_297, %get3A_167 : vector<16xf32>
        %mul3A_299 = arith.mulf %sub3A_298, %sub3A_298 : vector<16xf32>
        %add3A_300 = arith.addf %add3A_290, %mul3A_299 : vector<16xf32>
        %get3A_301 = arith.constant 0 : i32
        %get3A_302 = arith.constant 0 : i32
        %get3A_303 = tpu.memref_slice %arg9[%rem3A_133, %get3A_301, %get3A_302] : memref<8x80x128xf32, #tpu.memory_space<vmem>> -> memref<1x80x128xf32, #tpu.memory_space<vmem>>
        %get3A_304 = tpu.memref_squeeze %get3A_303 : memref<1x80x128xf32, #tpu.memory_space<vmem>> -> memref<80x128xf32, #tpu.memory_space<vmem>>
        %get3A_305 = arith.index_cast %add3A_271 : i32 to index
        %get3A_306 = arith.constant 48 : index
        %get3A_307 = tpu.vector_load %get3A_304[%get3A_305, %get3A_306] {strides = array<i32>} : memref<80x128xf32, #tpu.memory_space<vmem>>, vector<16xf32>,
        %sub3A_308 = arith.subf %get3A_307, %get3A_170 : vector<16xf32>
        %mul3A_309 = arith.mulf %sub3A_308, %sub3A_308 : vector<16xf32>
        %add3A_310 = arith.addf %add3A_300, %mul3A_309 : vector<16xf32>
        %get3A_311 = arith.constant 0 : i32
        %get3A_312 = arith.constant 0 : i32
        %get3A_313 = tpu.memref_slice %arg9[%rem3A_133, %get3A_311, %get3A_312] : memref<8x80x128xf32, #tpu.memory_space<vmem>> -> memref<1x80x128xf32, #tpu.memory_space<vmem>>
        %get3A_314 = tpu.memref_squeeze %get3A_313 : memref<1x80x128xf32, #tpu.memory_space<vmem>> -> memref<80x128xf32, #tpu.memory_space<vmem>>
        %get3A_315 = arith.index_cast %add3A_271 : i32 to index
        %get3A_316 = arith.constant 64 : index
        %get3A_317 = tpu.vector_load %get3A_314[%get3A_315, %get3A_316] {strides = array<i32>} : memref<80x128xf32, #tpu.memory_space<vmem>>, vector<16xf32>,
        %sub3A_318 = arith.subf %get3A_317, %get3A_173 : vector<16xf32>
        %mul3A_319 = arith.mulf %sub3A_318, %sub3A_318 : vector<16xf32>
        %add3A_320 = arith.addf %add3A_310, %mul3A_319 : vector<16xf32>
        %get3A_321 = arith.constant 0 : i32
        %get3A_322 = arith.constant 0 : i32
        %get3A_323 = tpu.memref_slice %arg9[%rem3A_133, %get3A_321, %get3A_322] : memref<8x80x128xf32, #tpu.memory_space<vmem>> -> memref<1x80x128xf32, #tpu.memory_space<vmem>>
        %get3A_324 = tpu.memref_squeeze %get3A_323 : memref<1x80x128xf32, #tpu.memory_space<vmem>> -> memref<80x128xf32, #tpu.memory_space<vmem>>
        %get3A_325 = arith.index_cast %add3A_271 : i32 to index
        %get3A_326 = arith.constant 80 : index
        %get3A_327 = tpu.vector_load %get3A_324[%get3A_325, %get3A_326] {strides = array<i32>} : memref<80x128xf32, #tpu.memory_space<vmem>>, vector<16xf32>,
        %sub3A_328 = arith.subf %get3A_327, %get3A_176 : vector<16xf32>
        %mul3A_329 = arith.mulf %sub3A_328, %sub3A_328 : vector<16xf32>
        %add3A_330 = arith.addf %add3A_320, %mul3A_329 : vector<16xf32>
        %get3A_331 = arith.constant 0 : i32
        %get3A_332 = arith.constant 0 : i32
        %get3A_333 = tpu.memref_slice %arg9[%rem3A_133, %get3A_331, %get3A_332] : memref<8x80x128xf32, #tpu.memory_space<vmem>> -> memref<1x80x128xf32, #tpu.memory_space<vmem>>
        %get3A_334 = tpu.memref_squeeze %get3A_333 : memref<1x80x128xf32, #tpu.memory_space<vmem>> -> memref<80x128xf32, #tpu.memory_space<vmem>>
        %get3A_335 = arith.index_cast %add3A_271 : i32 to index
        %get3A_336 = arith.constant 96 : index
        %get3A_337 = tpu.vector_load %get3A_334[%get3A_335, %get3A_336] {strides = array<i32>} : memref<80x128xf32, #tpu.memory_space<vmem>>, vector<16xf32>,
        %sub3A_338 = arith.subf %get3A_337, %get3A_179 : vector<16xf32>
        %mul3A_339 = arith.mulf %sub3A_338, %sub3A_338 : vector<16xf32>
        %add3A_340 = arith.addf %add3A_330, %mul3A_339 : vector<16xf32>
        %get3A_341 = arith.constant 0 : i32
        %get3A_342 = arith.constant 0 : i32
        %get3A_343 = tpu.memref_slice %arg9[%rem3A_133, %get3A_341, %get3A_342] : memref<8x80x128xf32, #tpu.memory_space<vmem>> -> memref<1x80x128xf32, #tpu.memory_space<vmem>>
        %get3A_344 = tpu.memref_squeeze %get3A_343 : memref<1x80x128xf32, #tpu.memory_space<vmem>> -> memref<80x128xf32, #tpu.memory_space<vmem>>
        %get3A_345 = arith.index_cast %add3A_271 : i32 to index
        %get3A_346 = arith.constant 112 : index
        %get3A_347 = tpu.vector_load %get3A_344[%get3A_345, %get3A_346] {strides = array<i32>} : memref<80x128xf32, #tpu.memory_space<vmem>>, vector<16xf32>,
        %sub3A_348 = arith.subf %get3A_347, %get3A_182 : vector<16xf32>
        %mul3A_349 = arith.mulf %sub3A_348, %sub3A_348 : vector<16xf32>
        %add3A_350 = arith.addf %add3A_340, %mul3A_349 : vector<16xf32>
        %reduce_sum3A_351 = arith.constant true
        %reduce_sum3A_352 = vector.broadcast %reduce_sum3A_351 : i1 to vector<16xi1>
        %reduce_sum3A_353 = tpu.scan <sum>, %add3A_350 masked %reduce_sum3A_352 : vector<16xf32>, vector<16xi1> -> vector<16xf32>
        %reduce_sum3A_354 = vector.extract %reduce_sum3A_353[15] : f32 from vector<16xf32>
        %mul3A_355 = arith.constant 20 : i32
        %mul3A_356 = arith.muli %scan3A_156, %mul3A_355 : i32
        %add3A_357 = arith.constant 2 : i32
        %add3A_358 = arith.addi %mul3A_356, %add3A_357 : i32
        %get3A_359 = arith.constant 0 : i32
        %get3A_360 = arith.constant 0 : i32
        %get3A_361 = tpu.memref_slice %arg9[%rem3A_133, %get3A_359, %get3A_360] : memref<8x80x128xf32, #tpu.memory_space<vmem>> -> memref<1x80x128xf32, #tpu.memory_space<vmem>>
        %get3A_362 = tpu.memref_squeeze %get3A_361 : memref<1x80x128xf32, #tpu.memory_space<vmem>> -> memref<80x128xf32, #tpu.memory_space<vmem>>
        %get3A_363 = arith.index_cast %add3A_358 : i32 to index
        %get3A_364 = arith.constant 0 : index
        %get3A_365 = tpu.vector_load %get3A_362[%get3A_363, %get3A_364] {strides = array<i32>} : memref<80x128xf32, #tpu.memory_space<vmem>>, vector<16xf32>,
        %sub3A_366 = arith.subf %get3A_365, %get3A_161 : vector<16xf32>
        %mul3A_367 = arith.mulf %sub3A_366, %sub3A_366 : vector<16xf32>
        %get3A_368 = arith.constant 0 : i32
        %get3A_369 = arith.constant 0 : i32
        %get3A_370 = tpu.memref_slice %arg9[%rem3A_133, %get3A_368, %get3A_369] : memref<8x80x128xf32, #tpu.memory_space<vmem>> -> memref<1x80x128xf32, #tpu.memory_space<vmem>>
        %get3A_371 = tpu.memref_squeeze %get3A_370 : memref<1x80x128xf32, #tpu.memory_space<vmem>> -> memref<80x128xf32, #tpu.memory_space<vmem>>
        %get3A_372 = arith.index_cast %add3A_358 : i32 to index
        %get3A_373 = arith.constant 16 : index
        %get3A_374 = tpu.vector_load %get3A_371[%get3A_372, %get3A_373] {strides = array<i32>} : memref<80x128xf32, #tpu.memory_space<vmem>>, vector<16xf32>,
        %sub3A_375 = arith.subf %get3A_374, %get3A_164 : vector<16xf32>
        %mul3A_376 = arith.mulf %sub3A_375, %sub3A_375 : vector<16xf32>
        %add3A_377 = arith.addf %mul3A_367, %mul3A_376 : vector<16xf32>
        %get3A_378 = arith.constant 0 : i32
        %get3A_379 = arith.constant 0 : i32
        %get3A_380 = tpu.memref_slice %arg9[%rem3A_133, %get3A_378, %get3A_379] : memref<8x80x128xf32, #tpu.memory_space<vmem>> -> memref<1x80x128xf32, #tpu.memory_space<vmem>>
        %get3A_381 = tpu.memref_squeeze %get3A_380 : memref<1x80x128xf32, #tpu.memory_space<vmem>> -> memref<80x128xf32, #tpu.memory_space<vmem>>
        %get3A_382 = arith.index_cast %add3A_358 : i32 to index
        %get3A_383 = arith.constant 32 : index
        %get3A_384 = tpu.vector_load %get3A_381[%get3A_382, %get3A_383] {strides = array<i32>} : memref<80x128xf32, #tpu.memory_space<vmem>>, vector<16xf32>,
        %sub3A_385 = arith.subf %get3A_384, %get3A_167 : vector<16xf32>
        %mul3A_386 = arith.mulf %sub3A_385, %sub3A_385 : vector<16xf32>
        %add3A_387 = arith.addf %add3A_377, %mul3A_386 : vector<16xf32>
        %get3A_388 = arith.constant 0 : i32
        %get3A_389 = arith.constant 0 : i32
        %get3A_390 = tpu.memref_slice %arg9[%rem3A_133, %get3A_388, %get3A_389] : memref<8x80x128xf32, #tpu.memory_space<vmem>> -> memref<1x80x128xf32, #tpu.memory_space<vmem>>
        %get3A_391 = tpu.memref_squeeze %get3A_390 : memref<1x80x128xf32, #tpu.memory_space<vmem>> -> memref<80x128xf32, #tpu.memory_space<vmem>>
        %get3A_392 = arith.index_cast %add3A_358 : i32 to index
        %get3A_393 = arith.constant 48 : index
        %get3A_394 = tpu.vector_load %get3A_391[%get3A_392, %get3A_393] {strides = array<i32>} : memref<80x128xf32, #tpu.memory_space<vmem>>, vector<16xf32>,
        %sub3A_395 = arith.subf %get3A_394, %get3A_170 : vector<16xf32>
        %mul3A_396 = arith.mulf %sub3A_395, %sub3A_395 : vector<16xf32>
        %add3A_397 = arith.addf %add3A_387, %mul3A_396 : vector<16xf32>
        %get3A_398 = arith.constant 0 : i32
        %get3A_399 = arith.constant 0 : i32
        %get3A_400 = tpu.memref_slice %arg9[%rem3A_133, %get3A_398, %get3A_399] : memref<8x80x128xf32, #tpu.memory_space<vmem>> -> memref<1x80x128xf32, #tpu.memory_space<vmem>>
        %get3A_401 = tpu.memref_squeeze %get3A_400 : memref<1x80x128xf32, #tpu.memory_space<vmem>> -> memref<80x128xf32, #tpu.memory_space<vmem>>
        %get3A_402 = arith.index_cast %add3A_358 : i32 to index
        %get3A_403 = arith.constant 64 : index
        %get3A_404 = tpu.vector_load %get3A_401[%get3A_402, %get3A_403] {strides = array<i32>} : memref<80x128xf32, #tpu.memory_space<vmem>>, vector<16xf32>,
        %sub3A_405 = arith.subf %get3A_404, %get3A_173 : vector<16xf32>
        %mul3A_406 = arith.mulf %sub3A_405, %sub3A_405 : vector<16xf32>
        %add3A_407 = arith.addf %add3A_397, %mul3A_406 : vector<16xf32>
        %get3A_408 = arith.constant 0 : i32
        %get3A_409 = arith.constant 0 : i32
        %get3A_410 = tpu.memref_slice %arg9[%rem3A_133, %get3A_408, %get3A_409] : memref<8x80x128xf32, #tpu.memory_space<vmem>> -> memref<1x80x128xf32, #tpu.memory_space<vmem>>
        %get3A_411 = tpu.memref_squeeze %get3A_410 : memref<1x80x128xf32, #tpu.memory_space<vmem>> -> memref<80x128xf32, #tpu.memory_space<vmem>>
        %get3A_412 = arith.index_cast %add3A_358 : i32 to index
        %get3A_413 = arith.constant 80 : index
        %get3A_414 = tpu.vector_load %get3A_411[%get3A_412, %get3A_413] {strides = array<i32>} : memref<80x128xf32, #tpu.memory_space<vmem>>, vector<16xf32>,
        %sub3A_415 = arith.subf %get3A_414, %get3A_176 : vector<16xf32>
        %mul3A_416 = arith.mulf %sub3A_415, %sub3A_415 : vector<16xf32>
        %add3A_417 = arith.addf %add3A_407, %mul3A_416 : vector<16xf32>
        %get3A_418 = arith.constant 0 : i32
        %get3A_419 = arith.constant 0 : i32
        %get3A_420 = tpu.memref_slice %arg9[%rem3A_133, %get3A_418, %get3A_419] : memref<8x80x128xf32, #tpu.memory_space<vmem>> -> memref<1x80x128xf32, #tpu.memory_space<vmem>>
        %get3A_421 = tpu.memref_squeeze %get3A_420 : memref<1x80x128xf32, #tpu.memory_space<vmem>> -> memref<80x128xf32, #tpu.memory_space<vmem>>
        %get3A_422 = arith.index_cast %add3A_358 : i32 to index
        %get3A_423 = arith.constant 96 : index
        %get3A_424 = tpu.vector_load %get3A_421[%get3A_422, %get3A_423] {strides = array<i32>} : memref<80x128xf32, #tpu.memory_space<vmem>>, vector<16xf32>,
        %sub3A_425 = arith.subf %get3A_424, %get3A_179 : vector<16xf32>
        %mul3A_426 = arith.mulf %sub3A_425, %sub3A_425 : vector<16xf32>
        %add3A_427 = arith.addf %add3A_417, %mul3A_426 : vector<16xf32>
        %get3A_428 = arith.constant 0 : i32
        %get3A_429 = arith.constant 0 : i32
        %get3A_430 = tpu.memref_slice %arg9[%rem3A_133, %get3A_428, %get3A_429] : memref<8x80x128xf32, #tpu.memory_space<vmem>> -> memref<1x80x128xf32, #tpu.memory_space<vmem>>
        %get3A_431 = tpu.memref_squeeze %get3A_430 : memref<1x80x128xf32, #tpu.memory_space<vmem>> -> memref<80x128xf32, #tpu.memory_space<vmem>>
        %get3A_432 = arith.index_cast %add3A_358 : i32 to index
        %get3A_433 = arith.constant 112 : index
        %get3A_434 = tpu.vector_load %get3A_431[%get3A_432, %get3A_433] {strides = array<i32>} : memref<80x128xf32, #tpu.memory_space<vmem>>, vector<16xf32>,
        %sub3A_435 = arith.subf %get3A_434, %get3A_182 : vector<16xf32>
        %mul3A_436 = arith.mulf %sub3A_435, %sub3A_435 : vector<16xf32>
        %add3A_437 = arith.addf %add3A_427, %mul3A_436 : vector<16xf32>
        %reduce_sum3A_438 = arith.constant true
        %reduce_sum3A_439 = vector.broadcast %reduce_sum3A_438 : i1 to vector<16xi1>
        %reduce_sum3A_440 = tpu.scan <sum>, %add3A_437 masked %reduce_sum3A_439 : vector<16xf32>, vector<16xi1> -> vector<16xf32>
        %reduce_sum3A_441 = vector.extract %reduce_sum3A_440[15] : f32 from vector<16xf32>
        %mul3A_442 = arith.constant 20 : i32
        %mul3A_443 = arith.muli %scan3A_156, %mul3A_442 : i32
        %add3A_444 = arith.constant 3 : i32
        %add3A_445 = arith.addi %mul3A_443, %add3A_444 : i32
        %get3A_446 = arith.constant 0 : i32
        %get3A_447 = arith.constant 0 : i32
        %get3A_448 = tpu.memref_slice %arg9[%rem3A_133, %get3A_446, %get3A_447] : memref<8x80x128xf32, #tpu.memory_space<vmem>> -> memref<1x80x128xf32, #tpu.memory_space<vmem>>
        %get3A_449 = tpu.memref_squeeze %get3A_448 : memref<1x80x128xf32, #tpu.memory_space<vmem>> -> memref<80x128xf32, #tpu.memory_space<vmem>>
        %get3A_450 = arith.index_cast %add3A_445 : i32 to index
        %get3A_451 = arith.constant 0 : index
        %get3A_452 = tpu.vector_load %get3A_449[%get3A_450, %get3A_451] {strides = array<i32>} : memref<80x128xf32, #tpu.memory_space<vmem>>, vector<16xf32>,
        %sub3A_453 = arith.subf %get3A_452, %get3A_161 : vector<16xf32>
        %mul3A_454 = arith.mulf %sub3A_453, %sub3A_453 : vector<16xf32>
        %get3A_455 = arith.constant 0 : i32
        %get3A_456 = arith.constant 0 : i32
        %get3A_457 = tpu.memref_slice %arg9[%rem3A_133, %get3A_455, %get3A_456] : memref<8x80x128xf32, #tpu.memory_space<vmem>> -> memref<1x80x128xf32, #tpu.memory_space<vmem>>
        %get3A_458 = tpu.memref_squeeze %get3A_457 : memref<1x80x128xf32, #tpu.memory_space<vmem>> -> memref<80x128xf32, #tpu.memory_space<vmem>>
        %get3A_459 = arith.index_cast %add3A_445 : i32 to index
        %get3A_460 = arith.constant 16 : index
        %get3A_461 = tpu.vector_load %get3A_458[%get3A_459, %get3A_460] {strides = array<i32>} : memref<80x128xf32, #tpu.memory_space<vmem>>, vector<16xf32>,
        %sub3A_462 = arith.subf %get3A_461, %get3A_164 : vector<16xf32>
        %mul3A_463 = arith.mulf %sub3A_462, %sub3A_462 : vector<16xf32>
        %add3A_464 = arith.addf %mul3A_454, %mul3A_463 : vector<16xf32>
        %get3A_465 = arith.constant 0 : i32
        %get3A_466 = arith.constant 0 : i32
        %get3A_467 = tpu.memref_slice %arg9[%rem3A_133, %get3A_465, %get3A_466] : memref<8x80x128xf32, #tpu.memory_space<vmem>> -> memref<1x80x128xf32, #tpu.memory_space<vmem>>
        %get3A_468 = tpu.memref_squeeze %get3A_467 : memref<1x80x128xf32, #tpu.memory_space<vmem>> -> memref<80x128xf32, #tpu.memory_space<vmem>>
        %get3A_469 = arith.index_cast %add3A_445 : i32 to index
        %get3A_470 = arith.constant 32 : index
        %get3A_471 = tpu.vector_load %get3A_468[%get3A_469, %get3A_470] {strides = array<i32>} : memref<80x128xf32, #tpu.memory_space<vmem>>, vector<16xf32>,
        %sub3A_472 = arith.subf %get3A_471, %get3A_167 : vector<16xf32>
        %mul3A_473 = arith.mulf %sub3A_472, %sub3A_472 : vector<16xf32>
        %add3A_474 = arith.addf %add3A_464, %mul3A_473 : vector<16xf32>
        %get3A_475 = arith.constant 0 : i32
        %get3A_476 = arith.constant 0 : i32
        %get3A_477 = tpu.memref_slice %arg9[%rem3A_133, %get3A_475, %get3A_476] : memref<8x80x128xf32, #tpu.memory_space<vmem>> -> memref<1x80x128xf32, #tpu.memory_space<vmem>>
        %get3A_478 = tpu.memref_squeeze %get3A_477 : memref<1x80x128xf32, #tpu.memory_space<vmem>> -> memref<80x128xf32, #tpu.memory_space<vmem>>
        %get3A_479 = arith.index_cast %add3A_445 : i32 to index
        %get3A_480 = arith.constant 48 : index
        %get3A_481 = tpu.vector_load %get3A_478[%get3A_479, %get3A_480] {strides = array<i32>} : memref<80x128xf32, #tpu.memory_space<vmem>>, vector<16xf32>,
        %sub3A_482 = arith.subf %get3A_481, %get3A_170 : vector<16xf32>
        %mul3A_483 = arith.mulf %sub3A_482, %sub3A_482 : vector<16xf32>
        %add3A_484 = arith.addf %add3A_474, %mul3A_483 : vector<16xf32>
        %get3A_485 = arith.constant 0 : i32
        %get3A_486 = arith.constant 0 : i32
        %get3A_487 = tpu.memref_slice %arg9[%rem3A_133, %get3A_485, %get3A_486] : memref<8x80x128xf32, #tpu.memory_space<vmem>> -> memref<1x80x128xf32, #tpu.memory_space<vmem>>
        %get3A_488 = tpu.memref_squeeze %get3A_487 : memref<1x80x128xf32, #tpu.memory_space<vmem>> -> memref<80x128xf32, #tpu.memory_space<vmem>>
        %get3A_489 = arith.index_cast %add3A_445 : i32 to index
        %get3A_490 = arith.constant 64 : index
        %get3A_491 = tpu.vector_load %get3A_488[%get3A_489, %get3A_490] {strides = array<i32>} : memref<80x128xf32, #tpu.memory_space<vmem>>, vector<16xf32>,
        %sub3A_492 = arith.subf %get3A_491, %get3A_173 : vector<16xf32>
        %mul3A_493 = arith.mulf %sub3A_492, %sub3A_492 : vector<16xf32>
        %add3A_494 = arith.addf %add3A_484, %mul3A_493 : vector<16xf32>
        %get3A_495 = arith.constant 0 : i32
        %get3A_496 = arith.constant 0 : i32
        %get3A_497 = tpu.memref_slice %arg9[%rem3A_133, %get3A_495, %get3A_496] : memref<8x80x128xf32, #tpu.memory_space<vmem>> -> memref<1x80x128xf32, #tpu.memory_space<vmem>>
        %get3A_498 = tpu.memref_squeeze %get3A_497 : memref<1x80x128xf32, #tpu.memory_space<vmem>> -> memref<80x128xf32, #tpu.memory_space<vmem>>
        %get3A_499 = arith.index_cast %add3A_445 : i32 to index
        %get3A_500 = arith.constant 80 : index
        %get3A_501 = tpu.vector_load %get3A_498[%get3A_499, %get3A_500] {strides = array<i32>} : memref<80x128xf32, #tpu.memory_space<vmem>>, vector<16xf32>,
        %sub3A_502 = arith.subf %get3A_501, %get3A_176 : vector<16xf32>
        %mul3A_503 = arith.mulf %sub3A_502, %sub3A_502 : vector<16xf32>
        %add3A_504 = arith.addf %add3A_494, %mul3A_503 : vector<16xf32>
        %get3A_505 = arith.constant 0 : i32
        %get3A_506 = arith.constant 0 : i32
        %get3A_507 = tpu.memref_slice %arg9[%rem3A_133, %get3A_505, %get3A_506] : memref<8x80x128xf32, #tpu.memory_space<vmem>> -> memref<1x80x128xf32, #tpu.memory_space<vmem>>
        %get3A_508 = tpu.memref_squeeze %get3A_507 : memref<1x80x128xf32, #tpu.memory_space<vmem>> -> memref<80x128xf32, #tpu.memory_space<vmem>>
        %get3A_509 = arith.index_cast %add3A_445 : i32 to index
        %get3A_510 = arith.constant 96 : index
        %get3A_511 = tpu.vector_load %get3A_508[%get3A_509, %get3A_510] {strides = array<i32>} : memref<80x128xf32, #tpu.memory_space<vmem>>, vector<16xf32>,
        %sub3A_512 = arith.subf %get3A_511, %get3A_179 : vector<16xf32>
        %mul3A_513 = arith.mulf %sub3A_512, %sub3A_512 : vector<16xf32>
        %add3A_514 = arith.addf %add3A_504, %mul3A_513 : vector<16xf32>
        %get3A_515 = arith.constant 0 : i32
        %get3A_516 = arith.constant 0 : i32
        %get3A_517 = tpu.memref_slice %arg9[%rem3A_133, %get3A_515, %get3A_516] : memref<8x80x128xf32, #tpu.memory_space<vmem>> -> memref<1x80x128xf32, #tpu.memory_space<vmem>>
        %get3A_518 = tpu.memref_squeeze %get3A_517 : memref<1x80x128xf32, #tpu.memory_space<vmem>> -> memref<80x128xf32, #tpu.memory_space<vmem>>
        %get3A_519 = arith.index_cast %add3A_445 : i32 to index
        %get3A_520 = arith.constant 112 : index
        %get3A_521 = tpu.vector_load %get3A_518[%get3A_519, %get3A_520] {strides = array<i32>} : memref<80x128xf32, #tpu.memory_space<vmem>>, vector<16xf32>,
        %sub3A_522 = arith.subf %get3A_521, %get3A_182 : vector<16xf32>
        %mul3A_523 = arith.mulf %sub3A_522, %sub3A_522 : vector<16xf32>
        %add3A_524 = arith.addf %add3A_514, %mul3A_523 : vector<16xf32>
        %reduce_sum3A_525 = arith.constant true
        %reduce_sum3A_526 = vector.broadcast %reduce_sum3A_525 : i1 to vector<16xi1>
        %reduce_sum3A_527 = tpu.scan <sum>, %add3A_524 masked %reduce_sum3A_526 : vector<16xf32>, vector<16xi1> -> vector<16xf32>
        %reduce_sum3A_528 = vector.extract %reduce_sum3A_527[15] : f32 from vector<16xf32>
        %mul3A_529 = arith.constant 20 : i32
        %mul3A_530 = arith.muli %scan3A_156, %mul3A_529 : i32
        %add3A_531 = arith.constant 4 : i32
        %add3A_532 = arith.addi %mul3A_530, %add3A_531 : i32
        %get3A_533 = arith.constant 0 : i32
        %get3A_534 = arith.constant 0 : i32
        %get3A_535 = tpu.memref_slice %arg9[%rem3A_133, %get3A_533, %get3A_534] : memref<8x80x128xf32, #tpu.memory_space<vmem>> -> memref<1x80x128xf32, #tpu.memory_space<vmem>>
        %get3A_536 = tpu.memref_squeeze %get3A_535 : memref<1x80x128xf32, #tpu.memory_space<vmem>> -> memref<80x128xf32, #tpu.memory_space<vmem>>
        %get3A_537 = arith.index_cast %add3A_532 : i32 to index
        %get3A_538 = arith.constant 0 : index
        %get3A_539 = tpu.vector_load %get3A_536[%get3A_537, %get3A_538] {strides = array<i32>} : memref<80x128xf32, #tpu.memory_space<vmem>>, vector<16xf32>,
        %sub3A_540 = arith.subf %get3A_539, %get3A_161 : vector<16xf32>
        %mul3A_541 = arith.mulf %sub3A_540, %sub3A_540 : vector<16xf32>
        %get3A_542 = arith.constant 0 : i32
        %get3A_543 = arith.constant 0 : i32
        %get3A_544 = tpu.memref_slice %arg9[%rem3A_133, %get3A_542, %get3A_543] : memref<8x80x128xf32, #tpu.memory_space<vmem>> -> memref<1x80x128xf32, #tpu.memory_space<vmem>>
        %get3A_545 = tpu.memref_squeeze %get3A_544 : memref<1x80x128xf32, #tpu.memory_space<vmem>> -> memref<80x128xf32, #tpu.memory_space<vmem>>
        %get3A_546 = arith.index_cast %add3A_532 : i32 to index
        %get3A_547 = arith.constant 16 : index
        %get3A_548 = tpu.vector_load %get3A_545[%get3A_546, %get3A_547] {strides = array<i32>} : memref<80x128xf32, #tpu.memory_space<vmem>>, vector<16xf32>,
        %sub3A_549 = arith.subf %get3A_548, %get3A_164 : vector<16xf32>
        %mul3A_550 = arith.mulf %sub3A_549, %sub3A_549 : vector<16xf32>
        %add3A_551 = arith.addf %mul3A_541, %mul3A_550 : vector<16xf32>
        %get3A_552 = arith.constant 0 : i32
        %get3A_553 = arith.constant 0 : i32
        %get3A_554 = tpu.memref_slice %arg9[%rem3A_133, %get3A_552, %get3A_553] : memref<8x80x128xf32, #tpu.memory_space<vmem>> -> memref<1x80x128xf32, #tpu.memory_space<vmem>>
        %get3A_555 = tpu.memref_squeeze %get3A_554 : memref<1x80x128xf32, #tpu.memory_space<vmem>> -> memref<80x128xf32, #tpu.memory_space<vmem>>
        %get3A_556 = arith.index_cast %add3A_532 : i32 to index
        %get3A_557 = arith.constant 32 : index
        %get3A_558 = tpu.vector_load %get3A_555[%get3A_556, %get3A_557] {strides = array<i32>} : memref<80x128xf32, #tpu.memory_space<vmem>>, vector<16xf32>,
        %sub3A_559 = arith.subf %get3A_558, %get3A_167 : vector<16xf32>
        %mul3A_560 = arith.mulf %sub3A_559, %sub3A_559 : vector<16xf32>
        %add3A_561 = arith.addf %add3A_551, %mul3A_560 : vector<16xf32>
        %get3A_562 = arith.constant 0 : i32
        %get3A_563 = arith.constant 0 : i32
        %get3A_564 = tpu.memref_slice %arg9[%rem3A_133, %get3A_562, %get3A_563] : memref<8x80x128xf32, #tpu.memory_space<vmem>> -> memref<1x80x128xf32, #tpu.memory_space<vmem>>
        %get3A_565 = tpu.memref_squeeze %get3A_564 : memref<1x80x128xf32, #tpu.memory_space<vmem>> -> memref<80x128xf32, #tpu.memory_space<vmem>>
        %get3A_566 = arith.index_cast %add3A_532 : i32 to index
        %get3A_567 = arith.constant 48 : index
        %get3A_568 = tpu.vector_load %get3A_565[%get3A_566, %get3A_567] {strides = array<i32>} : memref<80x128xf32, #tpu.memory_space<vmem>>, vector<16xf32>,
        %sub3A_569 = arith.subf %get3A_568, %get3A_170 : vector<16xf32>
        %mul3A_570 = arith.mulf %sub3A_569, %sub3A_569 : vector<16xf32>
        %add3A_571 = arith.addf %add3A_561, %mul3A_570 : vector<16xf32>
        %get3A_572 = arith.constant 0 : i32
        %get3A_573 = arith.constant 0 : i32
        %get3A_574 = tpu.memref_slice %arg9[%rem3A_133, %get3A_572, %get3A_573] : memref<8x80x128xf32, #tpu.memory_space<vmem>> -> memref<1x80x128xf32, #tpu.memory_space<vmem>>
        %get3A_575 = tpu.memref_squeeze %get3A_574 : memref<1x80x128xf32, #tpu.memory_space<vmem>> -> memref<80x128xf32, #tpu.memory_space<vmem>>
        %get3A_576 = arith.index_cast %add3A_532 : i32 to index
        %get3A_577 = arith.constant 64 : index
        %get3A_578 = tpu.vector_load %get3A_575[%get3A_576, %get3A_577] {strides = array<i32>} : memref<80x128xf32, #tpu.memory_space<vmem>>, vector<16xf32>,
        %sub3A_579 = arith.subf %get3A_578, %get3A_173 : vector<16xf32>
        %mul3A_580 = arith.mulf %sub3A_579, %sub3A_579 : vector<16xf32>
        %add3A_581 = arith.addf %add3A_571, %mul3A_580 : vector<16xf32>
        %get3A_582 = arith.constant 0 : i32
        %get3A_583 = arith.constant 0 : i32
        %get3A_584 = tpu.memref_slice %arg9[%rem3A_133, %get3A_582, %get3A_583] : memref<8x80x128xf32, #tpu.memory_space<vmem>> -> memref<1x80x128xf32, #tpu.memory_space<vmem>>
        %get3A_585 = tpu.memref_squeeze %get3A_584 : memref<1x80x128xf32, #tpu.memory_space<vmem>> -> memref<80x128xf32, #tpu.memory_space<vmem>>
        %get3A_586 = arith.index_cast %add3A_532 : i32 to index
        %get3A_587 = arith.constant 80 : index
        %get3A_588 = tpu.vector_load %get3A_585[%get3A_586, %get3A_587] {strides = array<i32>} : memref<80x128xf32, #tpu.memory_space<vmem>>, vector<16xf32>,
        %sub3A_589 = arith.subf %get3A_588, %get3A_176 : vector<16xf32>
        %mul3A_590 = arith.mulf %sub3A_589, %sub3A_589 : vector<16xf32>
        %add3A_591 = arith.addf %add3A_581, %mul3A_590 : vector<16xf32>
        %get3A_592 = arith.constant 0 : i32
        %get3A_593 = arith.constant 0 : i32
        %get3A_594 = tpu.memref_slice %arg9[%rem3A_133, %get3A_592, %get3A_593] : memref<8x80x128xf32, #tpu.memory_space<vmem>> -> memref<1x80x128xf32, #tpu.memory_space<vmem>>
        %get3A_595 = tpu.memref_squeeze %get3A_594 : memref<1x80x128xf32, #tpu.memory_space<vmem>> -> memref<80x128xf32, #tpu.memory_space<vmem>>
        %get3A_596 = arith.index_cast %add3A_532 : i32 to index
        %get3A_597 = arith.constant 96 : index
        %get3A_598 = tpu.vector_load %get3A_595[%get3A_596, %get3A_597] {strides = array<i32>} : memref<80x128xf32, #tpu.memory_space<vmem>>, vector<16xf32>,
        %sub3A_599 = arith.subf %get3A_598, %get3A_179 : vector<16xf32>
        %mul3A_600 = arith.mulf %sub3A_599, %sub3A_599 : vector<16xf32>
        %add3A_601 = arith.addf %add3A_591, %mul3A_600 : vector<16xf32>
        %get3A_602 = arith.constant 0 : i32
        %get3A_603 = arith.constant 0 : i32
        %get3A_604 = tpu.memref_slice %arg9[%rem3A_133, %get3A_602, %get3A_603] : memref<8x80x128xf32, #tpu.memory_space<vmem>> -> memref<1x80x128xf32, #tpu.memory_space<vmem>>
        %get3A_605 = tpu.memref_squeeze %get3A_604 : memref<1x80x128xf32, #tpu.memory_space<vmem>> -> memref<80x128xf32, #tpu.memory_space<vmem>>
        %get3A_606 = arith.index_cast %add3A_532 : i32 to index
        %get3A_607 = arith.constant 112 : index
        %get3A_608 = tpu.vector_load %get3A_605[%get3A_606, %get3A_607] {strides = array<i32>} : memref<80x128xf32, #tpu.memory_space<vmem>>, vector<16xf32>,
        %sub3A_609 = arith.subf %get3A_608, %get3A_182 : vector<16xf32>
        %mul3A_610 = arith.mulf %sub3A_609, %sub3A_609 : vector<16xf32>
        %add3A_611 = arith.addf %add3A_601, %mul3A_610 : vector<16xf32>
        %reduce_sum3A_612 = arith.constant true
        %reduce_sum3A_613 = vector.broadcast %reduce_sum3A_612 : i1 to vector<16xi1>
        %reduce_sum3A_614 = tpu.scan <sum>, %add3A_611 masked %reduce_sum3A_613 : vector<16xf32>, vector<16xi1> -> vector<16xf32>
        %reduce_sum3A_615 = vector.extract %reduce_sum3A_614[15] : f32 from vector<16xf32>
        %mul3A_616 = arith.constant 20 : i32
        %mul3A_617 = arith.muli %scan3A_156, %mul3A_616 : i32
        %add3A_618 = arith.constant 5 : i32
        %add3A_619 = arith.addi %mul3A_617, %add3A_618 : i32
        %get3A_620 = arith.constant 0 : i32
        %get3A_621 = arith.constant 0 : i32
        %get3A_622 = tpu.memref_slice %arg9[%rem3A_133, %get3A_620, %get3A_621] : memref<8x80x128xf32, #tpu.memory_space<vmem>> -> memref<1x80x128xf32, #tpu.memory_space<vmem>>
        %get3A_623 = tpu.memref_squeeze %get3A_622 : memref<1x80x128xf32, #tpu.memory_space<vmem>> -> memref<80x128xf32, #tpu.memory_space<vmem>>
        %get3A_624 = arith.index_cast %add3A_619 : i32 to index
        %get3A_625 = arith.constant 0 : index
        %get3A_626 = tpu.vector_load %get3A_623[%get3A_624, %get3A_625] {strides = array<i32>} : memref<80x128xf32, #tpu.memory_space<vmem>>, vector<16xf32>,
        %sub3A_627 = arith.subf %get3A_626, %get3A_161 : vector<16xf32>
        %mul3A_628 = arith.mulf %sub3A_627, %sub3A_627 : vector<16xf32>
        %get3A_629 = arith.constant 0 : i32
        %get3A_630 = arith.constant 0 : i32
        %get3A_631 = tpu.memref_slice %arg9[%rem3A_133, %get3A_629, %get3A_630] : memref<8x80x128xf32, #tpu.memory_space<vmem>> -> memref<1x80x128xf32, #tpu.memory_space<vmem>>
        %get3A_632 = tpu.memref_squeeze %get3A_631 : memref<1x80x128xf32, #tpu.memory_space<vmem>> -> memref<80x128xf32, #tpu.memory_space<vmem>>
        %get3A_633 = arith.index_cast %add3A_619 : i32 to index
        %get3A_634 = arith.constant 16 : index
        %get3A_635 = tpu.vector_load %get3A_632[%get3A_633, %get3A_634] {strides = array<i32>} : memref<80x128xf32, #tpu.memory_space<vmem>>, vector<16xf32>,
        %sub3A_636 = arith.subf %get3A_635, %get3A_164 : vector<16xf32>
        %mul3A_637 = arith.mulf %sub3A_636, %sub3A_636 : vector<16xf32>
        %add3A_638 = arith.addf %mul3A_628, %mul3A_637 : vector<16xf32>
        %get3A_639 = arith.constant 0 : i32
        %get3A_640 = arith.constant 0 : i32
        %get3A_641 = tpu.memref_slice %arg9[%rem3A_133, %get3A_639, %get3A_640] : memref<8x80x128xf32, #tpu.memory_space<vmem>> -> memref<1x80x128xf32, #tpu.memory_space<vmem>>
        %get3A_642 = tpu.memref_squeeze %get3A_641 : memref<1x80x128xf32, #tpu.memory_space<vmem>> -> memref<80x128xf32, #tpu.memory_space<vmem>>
        %get3A_643 = arith.index_cast %add3A_619 : i32 to index
        %get3A_644 = arith.constant 32 : index
        %get3A_645 = tpu.vector_load %get3A_642[%get3A_643, %get3A_644] {strides = array<i32>} : memref<80x128xf32, #tpu.memory_space<vmem>>, vector<16xf32>,
        %sub3A_646 = arith.subf %get3A_645, %get3A_167 : vector<16xf32>
        %mul3A_647 = arith.mulf %sub3A_646, %sub3A_646 : vector<16xf32>
        %add3A_648 = arith.addf %add3A_638, %mul3A_647 : vector<16xf32>
        %get3A_649 = arith.constant 0 : i32
        %get3A_650 = arith.constant 0 : i32
        %get3A_651 = tpu.memref_slice %arg9[%rem3A_133, %get3A_649, %get3A_650] : memref<8x80x128xf32, #tpu.memory_space<vmem>> -> memref<1x80x128xf32, #tpu.memory_space<vmem>>
        %get3A_652 = tpu.memref_squeeze %get3A_651 : memref<1x80x128xf32, #tpu.memory_space<vmem>> -> memref<80x128xf32, #tpu.memory_space<vmem>>
        %get3A_653 = arith.index_cast %add3A_619 : i32 to index
        %get3A_654 = arith.constant 48 : index
        %get3A_655 = tpu.vector_load %get3A_652[%get3A_653, %get3A_654] {strides = array<i32>} : memref<80x128xf32, #tpu.memory_space<vmem>>, vector<16xf32>,
        %sub3A_656 = arith.subf %get3A_655, %get3A_170 : vector<16xf32>
        %mul3A_657 = arith.mulf %sub3A_656, %sub3A_656 : vector<16xf32>
        %add3A_658 = arith.addf %add3A_648, %mul3A_657 : vector<16xf32>
        %get3A_659 = arith.constant 0 : i32
        %get3A_660 = arith.constant 0 : i32
        %get3A_661 = tpu.memref_slice %arg9[%rem3A_133, %get3A_659, %get3A_660] : memref<8x80x128xf32, #tpu.memory_space<vmem>> -> memref<1x80x128xf32, #tpu.memory_space<vmem>>
        %get3A_662 = tpu.memref_squeeze %get3A_661 : memref<1x80x128xf32, #tpu.memory_space<vmem>> -> memref<80x128xf32, #tpu.memory_space<vmem>>
        %get3A_663 = arith.index_cast %add3A_619 : i32 to index
        %get3A_664 = arith.constant 64 : index
        %get3A_665 = tpu.vector_load %get3A_662[%get3A_663, %get3A_664] {strides = array<i32>} : memref<80x128xf32, #tpu.memory_space<vmem>>, vector<16xf32>,
        %sub3A_666 = arith.subf %get3A_665, %get3A_173 : vector<16xf32>
        %mul3A_667 = arith.mulf %sub3A_666, %sub3A_666 : vector<16xf32>
        %add3A_668 = arith.addf %add3A_658, %mul3A_667 : vector<16xf32>
        %get3A_669 = arith.constant 0 : i32
        %get3A_670 = arith.constant 0 : i32
        %get3A_671 = tpu.memref_slice %arg9[%rem3A_133, %get3A_669, %get3A_670] : memref<8x80x128xf32, #tpu.memory_space<vmem>> -> memref<1x80x128xf32, #tpu.memory_space<vmem>>
        %get3A_672 = tpu.memref_squeeze %get3A_671 : memref<1x80x128xf32, #tpu.memory_space<vmem>> -> memref<80x128xf32, #tpu.memory_space<vmem>>
        %get3A_673 = arith.index_cast %add3A_619 : i32 to index
        %get3A_674 = arith.constant 80 : index
        %get3A_675 = tpu.vector_load %get3A_672[%get3A_673, %get3A_674] {strides = array<i32>} : memref<80x128xf32, #tpu.memory_space<vmem>>, vector<16xf32>,
        %sub3A_676 = arith.subf %get3A_675, %get3A_176 : vector<16xf32>
        %mul3A_677 = arith.mulf %sub3A_676, %sub3A_676 : vector<16xf32>
        %add3A_678 = arith.addf %add3A_668, %mul3A_677 : vector<16xf32>
        %get3A_679 = arith.constant 0 : i32
        %get3A_680 = arith.constant 0 : i32
        %get3A_681 = tpu.memref_slice %arg9[%rem3A_133, %get3A_679, %get3A_680] : memref<8x80x128xf32, #tpu.memory_space<vmem>> -> memref<1x80x128xf32, #tpu.memory_space<vmem>>
        %get3A_682 = tpu.memref_squeeze %get3A_681 : memref<1x80x128xf32, #tpu.memory_space<vmem>> -> memref<80x128xf32, #tpu.memory_space<vmem>>
        %get3A_683 = arith.index_cast %add3A_619 : i32 to index
        %get3A_684 = arith.constant 96 : index
        %get3A_685 = tpu.vector_load %get3A_682[%get3A_683, %get3A_684] {strides = array<i32>} : memref<80x128xf32, #tpu.memory_space<vmem>>, vector<16xf32>,
        %sub3A_686 = arith.subf %get3A_685, %get3A_179 : vector<16xf32>
        %mul3A_687 = arith.mulf %sub3A_686, %sub3A_686 : vector<16xf32>
        %add3A_688 = arith.addf %add3A_678, %mul3A_687 : vector<16xf32>
        %get3A_689 = arith.constant 0 : i32
        %get3A_690 = arith.constant 0 : i32
        %get3A_691 = tpu.memref_slice %arg9[%rem3A_133, %get3A_689, %get3A_690] : memref<8x80x128xf32, #tpu.memory_space<vmem>> -> memref<1x80x128xf32, #tpu.memory_space<vmem>>
        %get3A_692 = tpu.memref_squeeze %get3A_691 : memref<1x80x128xf32, #tpu.memory_space<vmem>> -> memref<80x128xf32, #tpu.memory_space<vmem>>
        %get3A_693 = arith.index_cast %add3A_619 : i32 to index
        %get3A_694 = arith.constant 112 : index
        %get3A_695 = tpu.vector_load %get3A_692[%get3A_693, %get3A_694] {strides = array<i32>} : memref<80x128xf32, #tpu.memory_space<vmem>>, vector<16xf32>,
        %sub3A_696 = arith.subf %get3A_695, %get3A_182 : vector<16xf32>
        %mul3A_697 = arith.mulf %sub3A_696, %sub3A_696 : vector<16xf32>
        %add3A_698 = arith.addf %add3A_688, %mul3A_697 : vector<16xf32>
        %reduce_sum3A_699 = arith.constant true
        %reduce_sum3A_700 = vector.broadcast %reduce_sum3A_699 : i1 to vector<16xi1>
        %reduce_sum3A_701 = tpu.scan <sum>, %add3A_698 masked %reduce_sum3A_700 : vector<16xf32>, vector<16xi1> -> vector<16xf32>
        %reduce_sum3A_702 = vector.extract %reduce_sum3A_701[15] : f32 from vector<16xf32>
        %mul3A_703 = arith.constant 20 : i32
        %mul3A_704 = arith.muli %scan3A_156, %mul3A_703 : i32
        %add3A_705 = arith.constant 6 : i32
        %add3A_706 = arith.addi %mul3A_704, %add3A_705 : i32
        %get3A_707 = arith.constant 0 : i32
        %get3A_708 = arith.constant 0 : i32
        %get3A_709 = tpu.memref_slice %arg9[%rem3A_133, %get3A_707, %get3A_708] : memref<8x80x128xf32, #tpu.memory_space<vmem>> -> memref<1x80x128xf32, #tpu.memory_space<vmem>>
        %get3A_710 = tpu.memref_squeeze %get3A_709 : memref<1x80x128xf32, #tpu.memory_space<vmem>> -> memref<80x128xf32, #tpu.memory_space<vmem>>
        %get3A_711 = arith.index_cast %add3A_706 : i32 to index
        %get3A_712 = arith.constant 0 : index
        %get3A_713 = tpu.vector_load %get3A_710[%get3A_711, %get3A_712] {strides = array<i32>} : memref<80x128xf32, #tpu.memory_space<vmem>>, vector<16xf32>,
        %sub3A_714 = arith.subf %get3A_713, %get3A_161 : vector<16xf32>
        %mul3A_715 = arith.mulf %sub3A_714, %sub3A_714 : vector<16xf32>
        %get3A_716 = arith.constant 0 : i32
        %get3A_717 = arith.constant 0 : i32
        %get3A_718 = tpu.memref_slice %arg9[%rem3A_133, %get3A_716, %get3A_717] : memref<8x80x128xf32, #tpu.memory_space<vmem>> -> memref<1x80x128xf32, #tpu.memory_space<vmem>>
        %get3A_719 = tpu.memref_squeeze %get3A_718 : memref<1x80x128xf32, #tpu.memory_space<vmem>> -> memref<80x128xf32, #tpu.memory_space<vmem>>
        %get3A_720 = arith.index_cast %add3A_706 : i32 to index
        %get3A_721 = arith.constant 16 : index
        %get3A_722 = tpu.vector_load %get3A_719[%get3A_720, %get3A_721] {strides = array<i32>} : memref<80x128xf32, #tpu.memory_space<vmem>>, vector<16xf32>,
        %sub3A_723 = arith.subf %get3A_722, %get3A_164 : vector<16xf32>
        %mul3A_724 = arith.mulf %sub3A_723, %sub3A_723 : vector<16xf32>
        %add3A_725 = arith.addf %mul3A_715, %mul3A_724 : vector<16xf32>
        %get3A_726 = arith.constant 0 : i32
        %get3A_727 = arith.constant 0 : i32
        %get3A_728 = tpu.memref_slice %arg9[%rem3A_133, %get3A_726, %get3A_727] : memref<8x80x128xf32, #tpu.memory_space<vmem>> -> memref<1x80x128xf32, #tpu.memory_space<vmem>>
        %get3A_729 = tpu.memref_squeeze %get3A_728 : memref<1x80x128xf32, #tpu.memory_space<vmem>> -> memref<80x128xf32, #tpu.memory_space<vmem>>
        %get3A_730 = arith.index_cast %add3A_706 : i32 to index
        %get3A_731 = arith.constant 32 : index
        %get3A_732 = tpu.vector_load %get3A_729[%get3A_730, %get3A_731] {strides = array<i32>} : memref<80x128xf32, #tpu.memory_space<vmem>>, vector<16xf32>,
        %sub3A_733 = arith.subf %get3A_732, %get3A_167 : vector<16xf32>
        %mul3A_734 = arith.mulf %sub3A_733, %sub3A_733 : vector<16xf32>
        %add3A_735 = arith.addf %add3A_725, %mul3A_734 : vector<16xf32>
        %get3A_736 = arith.constant 0 : i32
        %get3A_737 = arith.constant 0 : i32
        %get3A_738 = tpu.memref_slice %arg9[%rem3A_133, %get3A_736, %get3A_737] : memref<8x80x128xf32, #tpu.memory_space<vmem>> -> memref<1x80x128xf32, #tpu.memory_space<vmem>>
        %get3A_739 = tpu.memref_squeeze %get3A_738 : memref<1x80x128xf32, #tpu.memory_space<vmem>> -> memref<80x128xf32, #tpu.memory_space<vmem>>
        %get3A_740 = arith.index_cast %add3A_706 : i32 to index
        %get3A_741 = arith.constant 48 : index
        %get3A_742 = tpu.vector_load %get3A_739[%get3A_740, %get3A_741] {strides = array<i32>} : memref<80x128xf32, #tpu.memory_space<vmem>>, vector<16xf32>,
        %sub3A_743 = arith.subf %get3A_742, %get3A_170 : vector<16xf32>
        %mul3A_744 = arith.mulf %sub3A_743, %sub3A_743 : vector<16xf32>
        %add3A_745 = arith.addf %add3A_735, %mul3A_744 : vector<16xf32>
        %get3A_746 = arith.constant 0 : i32
        %get3A_747 = arith.constant 0 : i32
        %get3A_748 = tpu.memref_slice %arg9[%rem3A_133, %get3A_746, %get3A_747] : memref<8x80x128xf32, #tpu.memory_space<vmem>> -> memref<1x80x128xf32, #tpu.memory_space<vmem>>
        %get3A_749 = tpu.memref_squeeze %get3A_748 : memref<1x80x128xf32, #tpu.memory_space<vmem>> -> memref<80x128xf32, #tpu.memory_space<vmem>>
        %get3A_750 = arith.index_cast %add3A_706 : i32 to index
        %get3A_751 = arith.constant 64 : index
        %get3A_752 = tpu.vector_load %get3A_749[%get3A_750, %get3A_751] {strides = array<i32>} : memref<80x128xf32, #tpu.memory_space<vmem>>, vector<16xf32>,
        %sub3A_753 = arith.subf %get3A_752, %get3A_173 : vector<16xf32>
        %mul3A_754 = arith.mulf %sub3A_753, %sub3A_753 : vector<16xf32>
        %add3A_755 = arith.addf %add3A_745, %mul3A_754 : vector<16xf32>
        %get3A_756 = arith.constant 0 : i32
        %get3A_757 = arith.constant 0 : i32
        %get3A_758 = tpu.memref_slice %arg9[%rem3A_133, %get3A_756, %get3A_757] : memref<8x80x128xf32, #tpu.memory_space<vmem>> -> memref<1x80x128xf32, #tpu.memory_space<vmem>>
        %get3A_759 = tpu.memref_squeeze %get3A_758 : memref<1x80x128xf32, #tpu.memory_space<vmem>> -> memref<80x128xf32, #tpu.memory_space<vmem>>
        %get3A_760 = arith.index_cast %add3A_706 : i32 to index
        %get3A_761 = arith.constant 80 : index
        %get3A_762 = tpu.vector_load %get3A_759[%get3A_760, %get3A_761] {strides = array<i32>} : memref<80x128xf32, #tpu.memory_space<vmem>>, vector<16xf32>,
        %sub3A_763 = arith.subf %get3A_762, %get3A_176 : vector<16xf32>
        %mul3A_764 = arith.mulf %sub3A_763, %sub3A_763 : vector<16xf32>
        %add3A_765 = arith.addf %add3A_755, %mul3A_764 : vector<16xf32>
        %get3A_766 = arith.constant 0 : i32
        %get3A_767 = arith.constant 0 : i32
        %get3A_768 = tpu.memref_slice %arg9[%rem3A_133, %get3A_766, %get3A_767] : memref<8x80x128xf32, #tpu.memory_space<vmem>> -> memref<1x80x128xf32, #tpu.memory_space<vmem>>
        %get3A_769 = tpu.memref_squeeze %get3A_768 : memref<1x80x128xf32, #tpu.memory_space<vmem>> -> memref<80x128xf32, #tpu.memory_space<vmem>>
        %get3A_770 = arith.index_cast %add3A_706 : i32 to index
        %get3A_771 = arith.constant 96 : index
        %get3A_772 = tpu.vector_load %get3A_769[%get3A_770, %get3A_771] {strides = array<i32>} : memref<80x128xf32, #tpu.memory_space<vmem>>, vector<16xf32>,
        %sub3A_773 = arith.subf %get3A_772, %get3A_179 : vector<16xf32>
        %mul3A_774 = arith.mulf %sub3A_773, %sub3A_773 : vector<16xf32>
        %add3A_775 = arith.addf %add3A_765, %mul3A_774 : vector<16xf32>
        %get3A_776 = arith.constant 0 : i32
        %get3A_777 = arith.constant 0 : i32
        %get3A_778 = tpu.memref_slice %arg9[%rem3A_133, %get3A_776, %get3A_777] : memref<8x80x128xf32, #tpu.memory_space<vmem>> -> memref<1x80x128xf32, #tpu.memory_space<vmem>>
        %get3A_779 = tpu.memref_squeeze %get3A_778 : memref<1x80x128xf32, #tpu.memory_space<vmem>> -> memref<80x128xf32, #tpu.memory_space<vmem>>
        %get3A_780 = arith.index_cast %add3A_706 : i32 to index
        %get3A_781 = arith.constant 112 : index
        %get3A_782 = tpu.vector_load %get3A_779[%get3A_780, %get3A_781] {strides = array<i32>} : memref<80x128xf32, #tpu.memory_space<vmem>>, vector<16xf32>,
        %sub3A_783 = arith.subf %get3A_782, %get3A_182 : vector<16xf32>
        %mul3A_784 = arith.mulf %sub3A_783, %sub3A_783 : vector<16xf32>
        %add3A_785 = arith.addf %add3A_775, %mul3A_784 : vector<16xf32>
        %reduce_sum3A_786 = arith.constant true
        %reduce_sum3A_787 = vector.broadcast %reduce_sum3A_786 : i1 to vector<16xi1>
        %reduce_sum3A_788 = tpu.scan <sum>, %add3A_785 masked %reduce_sum3A_787 : vector<16xf32>, vector<16xi1> -> vector<16xf32>
        %reduce_sum3A_789 = vector.extract %reduce_sum3A_788[15] : f32 from vector<16xf32>
        %mul3A_790 = arith.constant 20 : i32
        %mul3A_791 = arith.muli %scan3A_156, %mul3A_790 : i32
        %add3A_792 = arith.constant 7 : i32
        %add3A_793 = arith.addi %mul3A_791, %add3A_792 : i32
        %get3A_794 = arith.constant 0 : i32
        %get3A_795 = arith.constant 0 : i32
        %get3A_796 = tpu.memref_slice %arg9[%rem3A_133, %get3A_794, %get3A_795] : memref<8x80x128xf32, #tpu.memory_space<vmem>> -> memref<1x80x128xf32, #tpu.memory_space<vmem>>
        %get3A_797 = tpu.memref_squeeze %get3A_796 : memref<1x80x128xf32, #tpu.memory_space<vmem>> -> memref<80x128xf32, #tpu.memory_space<vmem>>
        %get3A_798 = arith.index_cast %add3A_793 : i32 to index
        %get3A_799 = arith.constant 0 : index
        %get3A_800 = tpu.vector_load %get3A_797[%get3A_798, %get3A_799] {strides = array<i32>} : memref<80x128xf32, #tpu.memory_space<vmem>>, vector<16xf32>,
        %sub3A_801 = arith.subf %get3A_800, %get3A_161 : vector<16xf32>
        %mul3A_802 = arith.mulf %sub3A_801, %sub3A_801 : vector<16xf32>
        %get3A_803 = arith.constant 0 : i32
        %get3A_804 = arith.constant 0 : i32
        %get3A_805 = tpu.memref_slice %arg9[%rem3A_133, %get3A_803, %get3A_804] : memref<8x80x128xf32, #tpu.memory_space<vmem>> -> memref<1x80x128xf32, #tpu.memory_space<vmem>>
        %get3A_806 = tpu.memref_squeeze %get3A_805 : memref<1x80x128xf32, #tpu.memory_space<vmem>> -> memref<80x128xf32, #tpu.memory_space<vmem>>
        %get3A_807 = arith.index_cast %add3A_793 : i32 to index
        %get3A_808 = arith.constant 16 : index
        %get3A_809 = tpu.vector_load %get3A_806[%get3A_807, %get3A_808] {strides = array<i32>} : memref<80x128xf32, #tpu.memory_space<vmem>>, vector<16xf32>,
        %sub3A_810 = arith.subf %get3A_809, %get3A_164 : vector<16xf32>
        %mul3A_811 = arith.mulf %sub3A_810, %sub3A_810 : vector<16xf32>
        %add3A_812 = arith.addf %mul3A_802, %mul3A_811 : vector<16xf32>
        %get3A_813 = arith.constant 0 : i32
        %get3A_814 = arith.constant 0 : i32
        %get3A_815 = tpu.memref_slice %arg9[%rem3A_133, %get3A_813, %get3A_814] : memref<8x80x128xf32, #tpu.memory_space<vmem>> -> memref<1x80x128xf32, #tpu.memory_space<vmem>>
        %get3A_816 = tpu.memref_squeeze %get3A_815 : memref<1x80x128xf32, #tpu.memory_space<vmem>> -> memref<80x128xf32, #tpu.memory_space<vmem>>
        %get3A_817 = arith.index_cast %add3A_793 : i32 to index
        %get3A_818 = arith.constant 32 : index
        %get3A_819 = tpu.vector_load %get3A_816[%get3A_817, %get3A_818] {strides = array<i32>} : memref<80x128xf32, #tpu.memory_space<vmem>>, vector<16xf32>,
        %sub3A_820 = arith.subf %get3A_819, %get3A_167 : vector<16xf32>
        %mul3A_821 = arith.mulf %sub3A_820, %sub3A_820 : vector<16xf32>
        %add3A_822 = arith.addf %add3A_812, %mul3A_821 : vector<16xf32>
        %get3A_823 = arith.constant 0 : i32
        %get3A_824 = arith.constant 0 : i32
        %get3A_825 = tpu.memref_slice %arg9[%rem3A_133, %get3A_823, %get3A_824] : memref<8x80x128xf32, #tpu.memory_space<vmem>> -> memref<1x80x128xf32, #tpu.memory_space<vmem>>
        %get3A_826 = tpu.memref_squeeze %get3A_825 : memref<1x80x128xf32, #tpu.memory_space<vmem>> -> memref<80x128xf32, #tpu.memory_space<vmem>>
        %get3A_827 = arith.index_cast %add3A_793 : i32 to index
        %get3A_828 = arith.constant 48 : index
        %get3A_829 = tpu.vector_load %get3A_826[%get3A_827, %get3A_828] {strides = array<i32>} : memref<80x128xf32, #tpu.memory_space<vmem>>, vector<16xf32>,
        %sub3A_830 = arith.subf %get3A_829, %get3A_170 : vector<16xf32>
        %mul3A_831 = arith.mulf %sub3A_830, %sub3A_830 : vector<16xf32>
        %add3A_832 = arith.addf %add3A_822, %mul3A_831 : vector<16xf32>
        %get3A_833 = arith.constant 0 : i32
        %get3A_834 = arith.constant 0 : i32
        %get3A_835 = tpu.memref_slice %arg9[%rem3A_133, %get3A_833, %get3A_834] : memref<8x80x128xf32, #tpu.memory_space<vmem>> -> memref<1x80x128xf32, #tpu.memory_space<vmem>>
        %get3A_836 = tpu.memref_squeeze %get3A_835 : memref<1x80x128xf32, #tpu.memory_space<vmem>> -> memref<80x128xf32, #tpu.memory_space<vmem>>
        %get3A_837 = arith.index_cast %add3A_793 : i32 to index
        %get3A_838 = arith.constant 64 : index
        %get3A_839 = tpu.vector_load %get3A_836[%get3A_837, %get3A_838] {strides = array<i32>} : memref<80x128xf32, #tpu.memory_space<vmem>>, vector<16xf32>,
        %sub3A_840 = arith.subf %get3A_839, %get3A_173 : vector<16xf32>
        %mul3A_841 = arith.mulf %sub3A_840, %sub3A_840 : vector<16xf32>
        %add3A_842 = arith.addf %add3A_832, %mul3A_841 : vector<16xf32>
        %get3A_843 = arith.constant 0 : i32
        %get3A_844 = arith.constant 0 : i32
        %get3A_845 = tpu.memref_slice %arg9[%rem3A_133, %get3A_843, %get3A_844] : memref<8x80x128xf32, #tpu.memory_space<vmem>> -> memref<1x80x128xf32, #tpu.memory_space<vmem>>
        %get3A_846 = tpu.memref_squeeze %get3A_845 : memref<1x80x128xf32, #tpu.memory_space<vmem>> -> memref<80x128xf32, #tpu.memory_space<vmem>>
        %get3A_847 = arith.index_cast %add3A_793 : i32 to index
        %get3A_848 = arith.constant 80 : index
        %get3A_849 = tpu.vector_load %get3A_846[%get3A_847, %get3A_848] {strides = array<i32>} : memref<80x128xf32, #tpu.memory_space<vmem>>, vector<16xf32>,
        %sub3A_850 = arith.subf %get3A_849, %get3A_176 : vector<16xf32>
        %mul3A_851 = arith.mulf %sub3A_850, %sub3A_850 : vector<16xf32>
        %add3A_852 = arith.addf %add3A_842, %mul3A_851 : vector<16xf32>
        %get3A_853 = arith.constant 0 : i32
        %get3A_854 = arith.constant 0 : i32
        %get3A_855 = tpu.memref_slice %arg9[%rem3A_133, %get3A_853, %get3A_854] : memref<8x80x128xf32, #tpu.memory_space<vmem>> -> memref<1x80x128xf32, #tpu.memory_space<vmem>>
        %get3A_856 = tpu.memref_squeeze %get3A_855 : memref<1x80x128xf32, #tpu.memory_space<vmem>> -> memref<80x128xf32, #tpu.memory_space<vmem>>
        %get3A_857 = arith.index_cast %add3A_793 : i32 to index
        %get3A_858 = arith.constant 96 : index
        %get3A_859 = tpu.vector_load %get3A_856[%get3A_857, %get3A_858] {strides = array<i32>} : memref<80x128xf32, #tpu.memory_space<vmem>>, vector<16xf32>,
        %sub3A_860 = arith.subf %get3A_859, %get3A_179 : vector<16xf32>
        %mul3A_861 = arith.mulf %sub3A_860, %sub3A_860 : vector<16xf32>
        %add3A_862 = arith.addf %add3A_852, %mul3A_861 : vector<16xf32>
        %get3A_863 = arith.constant 0 : i32
        %get3A_864 = arith.constant 0 : i32
        %get3A_865 = tpu.memref_slice %arg9[%rem3A_133, %get3A_863, %get3A_864] : memref<8x80x128xf32, #tpu.memory_space<vmem>> -> memref<1x80x128xf32, #tpu.memory_space<vmem>>
        %get3A_866 = tpu.memref_squeeze %get3A_865 : memref<1x80x128xf32, #tpu.memory_space<vmem>> -> memref<80x128xf32, #tpu.memory_space<vmem>>
        %get3A_867 = arith.index_cast %add3A_793 : i32 to index
        %get3A_868 = arith.constant 112 : index
        %get3A_869 = tpu.vector_load %get3A_866[%get3A_867, %get3A_868] {strides = array<i32>} : memref<80x128xf32, #tpu.memory_space<vmem>>, vector<16xf32>,
        %sub3A_870 = arith.subf %get3A_869, %get3A_182 : vector<16xf32>
        %mul3A_871 = arith.mulf %sub3A_870, %sub3A_870 : vector<16xf32>
        %add3A_872 = arith.addf %add3A_862, %mul3A_871 : vector<16xf32>
        %reduce_sum3A_873 = arith.constant true
        %reduce_sum3A_874 = vector.broadcast %reduce_sum3A_873 : i1 to vector<16xi1>
        %reduce_sum3A_875 = tpu.scan <sum>, %add3A_872 masked %reduce_sum3A_874 : vector<16xf32>, vector<16xi1> -> vector<16xf32>
        %reduce_sum3A_876 = vector.extract %reduce_sum3A_875[15] : f32 from vector<16xf32>
        %mul3A_877 = arith.constant 20 : i32
        %mul3A_878 = arith.muli %scan3A_156, %mul3A_877 : i32
        %add3A_879 = arith.constant 8 : i32
        %add3A_880 = arith.addi %mul3A_878, %add3A_879 : i32
        %get3A_881 = arith.constant 0 : i32
        %get3A_882 = arith.constant 0 : i32
        %get3A_883 = tpu.memref_slice %arg9[%rem3A_133, %get3A_881, %get3A_882] : memref<8x80x128xf32, #tpu.memory_space<vmem>> -> memref<1x80x128xf32, #tpu.memory_space<vmem>>
        %get3A_884 = tpu.memref_squeeze %get3A_883 : memref<1x80x128xf32, #tpu.memory_space<vmem>> -> memref<80x128xf32, #tpu.memory_space<vmem>>
        %get3A_885 = arith.index_cast %add3A_880 : i32 to index
        %get3A_886 = arith.constant 0 : index
        %get3A_887 = tpu.vector_load %get3A_884[%get3A_885, %get3A_886] {strides = array<i32>} : memref<80x128xf32, #tpu.memory_space<vmem>>, vector<16xf32>,
        %sub3A_888 = arith.subf %get3A_887, %get3A_161 : vector<16xf32>
        %mul3A_889 = arith.mulf %sub3A_888, %sub3A_888 : vector<16xf32>
        %get3A_890 = arith.constant 0 : i32
        %get3A_891 = arith.constant 0 : i32
        %get3A_892 = tpu.memref_slice %arg9[%rem3A_133, %get3A_890, %get3A_891] : memref<8x80x128xf32, #tpu.memory_space<vmem>> -> memref<1x80x128xf32, #tpu.memory_space<vmem>>
        %get3A_893 = tpu.memref_squeeze %get3A_892 : memref<1x80x128xf32, #tpu.memory_space<vmem>> -> memref<80x128xf32, #tpu.memory_space<vmem>>
        %get3A_894 = arith.index_cast %add3A_880 : i32 to index
        %get3A_895 = arith.constant 16 : index
        %get3A_896 = tpu.vector_load %get3A_893[%get3A_894, %get3A_895] {strides = array<i32>} : memref<80x128xf32, #tpu.memory_space<vmem>>, vector<16xf32>,
        %sub3A_897 = arith.subf %get3A_896, %get3A_164 : vector<16xf32>
        %mul3A_898 = arith.mulf %sub3A_897, %sub3A_897 : vector<16xf32>
        %add3A_899 = arith.addf %mul3A_889, %mul3A_898 : vector<16xf32>
        %get3A_900 = arith.constant 0 : i32
        %get3A_901 = arith.constant 0 : i32
        %get3A_902 = tpu.memref_slice %arg9[%rem3A_133, %get3A_900, %get3A_901] : memref<8x80x128xf32, #tpu.memory_space<vmem>> -> memref<1x80x128xf32, #tpu.memory_space<vmem>>
        %get3A_903 = tpu.memref_squeeze %get3A_902 : memref<1x80x128xf32, #tpu.memory_space<vmem>> -> memref<80x128xf32, #tpu.memory_space<vmem>>
        %get3A_904 = arith.index_cast %add3A_880 : i32 to index
        %get3A_905 = arith.constant 32 : index
        %get3A_906 = tpu.vector_load %get3A_903[%get3A_904, %get3A_905] {strides = array<i32>} : memref<80x128xf32, #tpu.memory_space<vmem>>, vector<16xf32>,
        %sub3A_907 = arith.subf %get3A_906, %get3A_167 : vector<16xf32>
        %mul3A_908 = arith.mulf %sub3A_907, %sub3A_907 : vector<16xf32>
        %add3A_909 = arith.addf %add3A_899, %mul3A_908 : vector<16xf32>
        %get3A_910 = arith.constant 0 : i32
        %get3A_911 = arith.constant 0 : i32
        %get3A_912 = tpu.memref_slice %arg9[%rem3A_133, %get3A_910, %get3A_911] : memref<8x80x128xf32, #tpu.memory_space<vmem>> -> memref<1x80x128xf32, #tpu.memory_space<vmem>>
        %get3A_913 = tpu.memref_squeeze %get3A_912 : memref<1x80x128xf32, #tpu.memory_space<vmem>> -> memref<80x128xf32, #tpu.memory_space<vmem>>
        %get3A_914 = arith.index_cast %add3A_880 : i32 to index
        %get3A_915 = arith.constant 48 : index
        %get3A_916 = tpu.vector_load %get3A_913[%get3A_914, %get3A_915] {strides = array<i32>} : memref<80x128xf32, #tpu.memory_space<vmem>>, vector<16xf32>,
        %sub3A_917 = arith.subf %get3A_916, %get3A_170 : vector<16xf32>
        %mul3A_918 = arith.mulf %sub3A_917, %sub3A_917 : vector<16xf32>
        %add3A_919 = arith.addf %add3A_909, %mul3A_918 : vector<16xf32>
        %get3A_920 = arith.constant 0 : i32
        %get3A_921 = arith.constant 0 : i32
        %get3A_922 = tpu.memref_slice %arg9[%rem3A_133, %get3A_920, %get3A_921] : memref<8x80x128xf32, #tpu.memory_space<vmem>> -> memref<1x80x128xf32, #tpu.memory_space<vmem>>
        %get3A_923 = tpu.memref_squeeze %get3A_922 : memref<1x80x128xf32, #tpu.memory_space<vmem>> -> memref<80x128xf32, #tpu.memory_space<vmem>>
        %get3A_924 = arith.index_cast %add3A_880 : i32 to index
        %get3A_925 = arith.constant 64 : index
        %get3A_926 = tpu.vector_load %get3A_923[%get3A_924, %get3A_925] {strides = array<i32>} : memref<80x128xf32, #tpu.memory_space<vmem>>, vector<16xf32>,
        %sub3A_927 = arith.subf %get3A_926, %get3A_173 : vector<16xf32>
        %mul3A_928 = arith.mulf %sub3A_927, %sub3A_927 : vector<16xf32>
        %add3A_929 = arith.addf %add3A_919, %mul3A_928 : vector<16xf32>
        %get3A_930 = arith.constant 0 : i32
        %get3A_931 = arith.constant 0 : i32
        %get3A_932 = tpu.memref_slice %arg9[%rem3A_133, %get3A_930, %get3A_931] : memref<8x80x128xf32, #tpu.memory_space<vmem>> -> memref<1x80x128xf32, #tpu.memory_space<vmem>>
        %get3A_933 = tpu.memref_squeeze %get3A_932 : memref<1x80x128xf32, #tpu.memory_space<vmem>> -> memref<80x128xf32, #tpu.memory_space<vmem>>
        %get3A_934 = arith.index_cast %add3A_880 : i32 to index
        %get3A_935 = arith.constant 80 : index
        %get3A_936 = tpu.vector_load %get3A_933[%get3A_934, %get3A_935] {strides = array<i32>} : memref<80x128xf32, #tpu.memory_space<vmem>>, vector<16xf32>,
        %sub3A_937 = arith.subf %get3A_936, %get3A_176 : vector<16xf32>
        %mul3A_938 = arith.mulf %sub3A_937, %sub3A_937 : vector<16xf32>
        %add3A_939 = arith.addf %add3A_929, %mul3A_938 : vector<16xf32>
        %get3A_940 = arith.constant 0 : i32
        %get3A_941 = arith.constant 0 : i32
        %get3A_942 = tpu.memref_slice %arg9[%rem3A_133, %get3A_940, %get3A_941] : memref<8x80x128xf32, #tpu.memory_space<vmem>> -> memref<1x80x128xf32, #tpu.memory_space<vmem>>
        %get3A_943 = tpu.memref_squeeze %get3A_942 : memref<1x80x128xf32, #tpu.memory_space<vmem>> -> memref<80x128xf32, #tpu.memory_space<vmem>>
        %get3A_944 = arith.index_cast %add3A_880 : i32 to index
        %get3A_945 = arith.constant 96 : index
        %get3A_946 = tpu.vector_load %get3A_943[%get3A_944, %get3A_945] {strides = array<i32>} : memref<80x128xf32, #tpu.memory_space<vmem>>, vector<16xf32>,
        %sub3A_947 = arith.subf %get3A_946, %get3A_179 : vector<16xf32>
        %mul3A_948 = arith.mulf %sub3A_947, %sub3A_947 : vector<16xf32>
        %add3A_949 = arith.addf %add3A_939, %mul3A_948 : vector<16xf32>
        %get3A_950 = arith.constant 0 : i32
        %get3A_951 = arith.constant 0 : i32
        %get3A_952 = tpu.memref_slice %arg9[%rem3A_133, %get3A_950, %get3A_951] : memref<8x80x128xf32, #tpu.memory_space<vmem>> -> memref<1x80x128xf32, #tpu.memory_space<vmem>>
        %get3A_953 = tpu.memref_squeeze %get3A_952 : memref<1x80x128xf32, #tpu.memory_space<vmem>> -> memref<80x128xf32, #tpu.memory_space<vmem>>
        %get3A_954 = arith.index_cast %add3A_880 : i32 to index
        %get3A_955 = arith.constant 112 : index
        %get3A_956 = tpu.vector_load %get3A_953[%get3A_954, %get3A_955] {strides = array<i32>} : memref<80x128xf32, #tpu.memory_space<vmem>>, vector<16xf32>,
        %sub3A_957 = arith.subf %get3A_956, %get3A_182 : vector<16xf32>
        %mul3A_958 = arith.mulf %sub3A_957, %sub3A_957 : vector<16xf32>
        %add3A_959 = arith.addf %add3A_949, %mul3A_958 : vector<16xf32>
        %reduce_sum3A_960 = arith.constant true
        %reduce_sum3A_961 = vector.broadcast %reduce_sum3A_960 : i1 to vector<16xi1>
        %reduce_sum3A_962 = tpu.scan <sum>, %add3A_959 masked %reduce_sum3A_961 : vector<16xf32>, vector<16xi1> -> vector<16xf32>
        %reduce_sum3A_963 = vector.extract %reduce_sum3A_962[15] : f32 from vector<16xf32>
        %mul3A_964 = arith.constant 20 : i32
        %mul3A_965 = arith.muli %scan3A_156, %mul3A_964 : i32
        %add3A_966 = arith.constant 9 : i32
        %add3A_967 = arith.addi %mul3A_965, %add3A_966 : i32
        %get3A_968 = arith.constant 0 : i32
        %get3A_969 = arith.constant 0 : i32
        %get3A_970 = tpu.memref_slice %arg9[%rem3A_133, %get3A_968, %get3A_969] : memref<8x80x128xf32, #tpu.memory_space<vmem>> -> memref<1x80x128xf32, #tpu.memory_space<vmem>>
        %get3A_971 = tpu.memref_squeeze %get3A_970 : memref<1x80x128xf32, #tpu.memory_space<vmem>> -> memref<80x128xf32, #tpu.memory_space<vmem>>
        %get3A_972 = arith.index_cast %add3A_967 : i32 to index
        %get3A_973 = arith.constant 0 : index
        %get3A_974 = tpu.vector_load %get3A_971[%get3A_972, %get3A_973] {strides = array<i32>} : memref<80x128xf32, #tpu.memory_space<vmem>>, vector<16xf32>,
        %sub3A_975 = arith.subf %get3A_974, %get3A_161 : vector<16xf32>
        %mul3A_976 = arith.mulf %sub3A_975, %sub3A_975 : vector<16xf32>
        %get3A_977 = arith.constant 0 : i32
        %get3A_978 = arith.constant 0 : i32
        %get3A_979 = tpu.memref_slice %arg9[%rem3A_133, %get3A_977, %get3A_978] : memref<8x80x128xf32, #tpu.memory_space<vmem>> -> memref<1x80x128xf32, #tpu.memory_space<vmem>>
        %get3A_980 = tpu.memref_squeeze %get3A_979 : memref<1x80x128xf32, #tpu.memory_space<vmem>> -> memref<80x128xf32, #tpu.memory_space<vmem>>
        %get3A_981 = arith.index_cast %add3A_967 : i32 to index
        %get3A_982 = arith.constant 16 : index
        %get3A_983 = tpu.vector_load %get3A_980[%get3A_981, %get3A_982] {strides = array<i32>} : memref<80x128xf32, #tpu.memory_space<vmem>>, vector<16xf32>,
        %sub3A_984 = arith.subf %get3A_983, %get3A_164 : vector<16xf32>
        %mul3A_985 = arith.mulf %sub3A_984, %sub3A_984 : vector<16xf32>
        %add3A_986 = arith.addf %mul3A_976, %mul3A_985 : vector<16xf32>
        %get3A_987 = arith.constant 0 : i32
        %get3A_988 = arith.constant 0 : i32
        %get3A_989 = tpu.memref_slice %arg9[%rem3A_133, %get3A_987, %get3A_988] : memref<8x80x128xf32, #tpu.memory_space<vmem>> -> memref<1x80x128xf32, #tpu.memory_space<vmem>>
        %get3A_990 = tpu.memref_squeeze %get3A_989 : memref<1x80x128xf32, #tpu.memory_space<vmem>> -> memref<80x128xf32, #tpu.memory_space<vmem>>
        %get3A_991 = arith.index_cast %add3A_967 : i32 to index
        %get3A_992 = arith.constant 32 : index
        %get3A_993 = tpu.vector_load %get3A_990[%get3A_991, %get3A_992] {strides = array<i32>} : memref<80x128xf32, #tpu.memory_space<vmem>>, vector<16xf32>,
        %sub3A_994 = arith.subf %get3A_993, %get3A_167 : vector<16xf32>
        %mul3A_995 = arith.mulf %sub3A_994, %sub3A_994 : vector<16xf32>
        %add3A_996 = arith.addf %add3A_986, %mul3A_995 : vector<16xf32>
        %get3A_997 = arith.constant 0 : i32
        %get3A_998 = arith.constant 0 : i32
        %get3A_999 = tpu.memref_slice %arg9[%rem3A_133, %get3A_997, %get3A_998] : memref<8x80x128xf32, #tpu.memory_space<vmem>> -> memref<1x80x128xf32, #tpu.memory_space<vmem>>
        %get3A_1000 = tpu.memref_squeeze %get3A_999 : memref<1x80x128xf32, #tpu.memory_space<vmem>> -> memref<80x128xf32, #tpu.memory_space<vmem>>
        %get3A_1001 = arith.index_cast %add3A_967 : i32 to index
        %get3A_1002 = arith.constant 48 : index
        %get3A_1003 = tpu.vector_load %get3A_1000[%get3A_1001, %get3A_1002] {strides = array<i32>} : memref<80x128xf32, #tpu.memory_space<vmem>>, vector<16xf32>,
        %sub3A_1004 = arith.subf %get3A_1003, %get3A_170 : vector<16xf32>
        %mul3A_1005 = arith.mulf %sub3A_1004, %sub3A_1004 : vector<16xf32>
        %add3A_1006 = arith.addf %add3A_996, %mul3A_1005 : vector<16xf32>
        %get3A_1007 = arith.constant 0 : i32
        %get3A_1008 = arith.constant 0 : i32
        %get3A_1009 = tpu.memref_slice %arg9[%rem3A_133, %get3A_1007, %get3A_1008] : memref<8x80x128xf32, #tpu.memory_space<vmem>> -> memref<1x80x128xf32, #tpu.memory_space<vmem>>
        %get3A_1010 = tpu.memref_squeeze %get3A_1009 : memref<1x80x128xf32, #tpu.memory_space<vmem>> -> memref<80x128xf32, #tpu.memory_space<vmem>>
        %get3A_1011 = arith.index_cast %add3A_967 : i32 to index
        %get3A_1012 = arith.constant 64 : index
        %get3A_1013 = tpu.vector_load %get3A_1010[%get3A_1011, %get3A_1012] {strides = array<i32>} : memref<80x128xf32, #tpu.memory_space<vmem>>, vector<16xf32>,
        %sub3A_1014 = arith.subf %get3A_1013, %get3A_173 : vector<16xf32>
        %mul3A_1015 = arith.mulf %sub3A_1014, %sub3A_1014 : vector<16xf32>
        %add3A_1016 = arith.addf %add3A_1006, %mul3A_1015 : vector<16xf32>
        %get3A_1017 = arith.constant 0 : i32
        %get3A_1018 = arith.constant 0 : i32
        %get3A_1019 = tpu.memref_slice %arg9[%rem3A_133, %get3A_1017, %get3A_1018] : memref<8x80x128xf32, #tpu.memory_space<vmem>> -> memref<1x80x128xf32, #tpu.memory_space<vmem>>
        %get3A_1020 = tpu.memref_squeeze %get3A_1019 : memref<1x80x128xf32, #tpu.memory_space<vmem>> -> memref<80x128xf32, #tpu.memory_space<vmem>>
        %get3A_1021 = arith.index_cast %add3A_967 : i32 to index
        %get3A_1022 = arith.constant 80 : index
        %get3A_1023 = tpu.vector_load %get3A_1020[%get3A_1021, %get3A_1022] {strides = array<i32>} : memref<80x128xf32, #tpu.memory_space<vmem>>, vector<16xf32>,
        %sub3A_1024 = arith.subf %get3A_1023, %get3A_176 : vector<16xf32>
        %mul3A_1025 = arith.mulf %sub3A_1024, %sub3A_1024 : vector<16xf32>
        %add3A_1026 = arith.addf %add3A_1016, %mul3A_1025 : vector<16xf32>
        %get3A_1027 = arith.constant 0 : i32
        %get3A_1028 = arith.constant 0 : i32
        %get3A_1029 = tpu.memref_slice %arg9[%rem3A_133, %get3A_1027, %get3A_1028] : memref<8x80x128xf32, #tpu.memory_space<vmem>> -> memref<1x80x128xf32, #tpu.memory_space<vmem>>
        %get3A_1030 = tpu.memref_squeeze %get3A_1029 : memref<1x80x128xf32, #tpu.memory_space<vmem>> -> memref<80x128xf32, #tpu.memory_space<vmem>>
        %get3A_1031 = arith.index_cast %add3A_967 : i32 to index
        %get3A_1032 = arith.constant 96 : index
        %get3A_1033 = tpu.vector_load %get3A_1030[%get3A_1031, %get3A_1032] {strides = array<i32>} : memref<80x128xf32, #tpu.memory_space<vmem>>, vector<16xf32>,
        %sub3A_1034 = arith.subf %get3A_1033, %get3A_179 : vector<16xf32>
        %mul3A_1035 = arith.mulf %sub3A_1034, %sub3A_1034 : vector<16xf32>
        %add3A_1036 = arith.addf %add3A_1026, %mul3A_1035 : vector<16xf32>
        %get3A_1037 = arith.constant 0 : i32
        %get3A_1038 = arith.constant 0 : i32
        %get3A_1039 = tpu.memref_slice %arg9[%rem3A_133, %get3A_1037, %get3A_1038] : memref<8x80x128xf32, #tpu.memory_space<vmem>> -> memref<1x80x128xf32, #tpu.memory_space<vmem>>
        %get3A_1040 = tpu.memref_squeeze %get3A_1039 : memref<1x80x128xf32, #tpu.memory_space<vmem>> -> memref<80x128xf32, #tpu.memory_space<vmem>>
        %get3A_1041 = arith.index_cast %add3A_967 : i32 to index
        %get3A_1042 = arith.constant 112 : index
        %get3A_1043 = tpu.vector_load %get3A_1040[%get3A_1041, %get3A_1042] {strides = array<i32>} : memref<80x128xf32, #tpu.memory_space<vmem>>, vector<16xf32>,
        %sub3A_1044 = arith.subf %get3A_1043, %get3A_182 : vector<16xf32>
        %mul3A_1045 = arith.mulf %sub3A_1044, %sub3A_1044 : vector<16xf32>
        %add3A_1046 = arith.addf %add3A_1036, %mul3A_1045 : vector<16xf32>
        %reduce_sum3A_1047 = arith.constant true
        %reduce_sum3A_1048 = vector.broadcast %reduce_sum3A_1047 : i1 to vector<16xi1>
        %reduce_sum3A_1049 = tpu.scan <sum>, %add3A_1046 masked %reduce_sum3A_1048 : vector<16xf32>, vector<16xi1> -> vector<16xf32>
        %reduce_sum3A_1050 = vector.extract %reduce_sum3A_1049[15] : f32 from vector<16xf32>
        %mul3A_1051 = arith.constant 20 : i32
        %mul3A_1052 = arith.muli %scan3A_156, %mul3A_1051 : i32
        %add3A_1053 = arith.constant 10 : i32
        %add3A_1054 = arith.addi %mul3A_1052, %add3A_1053 : i32
        %get3A_1055 = arith.constant 0 : i32
        %get3A_1056 = arith.constant 0 : i32
        %get3A_1057 = tpu.memref_slice %arg9[%rem3A_133, %get3A_1055, %get3A_1056] : memref<8x80x128xf32, #tpu.memory_space<vmem>> -> memref<1x80x128xf32, #tpu.memory_space<vmem>>
        %get3A_1058 = tpu.memref_squeeze %get3A_1057 : memref<1x80x128xf32, #tpu.memory_space<vmem>> -> memref<80x128xf32, #tpu.memory_space<vmem>>
        %get3A_1059 = arith.index_cast %add3A_1054 : i32 to index
        %get3A_1060 = arith.constant 0 : index
        %get3A_1061 = tpu.vector_load %get3A_1058[%get3A_1059, %get3A_1060] {strides = array<i32>} : memref<80x128xf32, #tpu.memory_space<vmem>>, vector<16xf32>,
        %sub3A_1062 = arith.subf %get3A_1061, %get3A_161 : vector<16xf32>
        %mul3A_1063 = arith.mulf %sub3A_1062, %sub3A_1062 : vector<16xf32>
        %get3A_1064 = arith.constant 0 : i32
        %get3A_1065 = arith.constant 0 : i32
        %get3A_1066 = tpu.memref_slice %arg9[%rem3A_133, %get3A_1064, %get3A_1065] : memref<8x80x128xf32, #tpu.memory_space<vmem>> -> memref<1x80x128xf32, #tpu.memory_space<vmem>>
        %get3A_1067 = tpu.memref_squeeze %get3A_1066 : memref<1x80x128xf32, #tpu.memory_space<vmem>> -> memref<80x128xf32, #tpu.memory_space<vmem>>
        %get3A_1068 = arith.index_cast %add3A_1054 : i32 to index
        %get3A_1069 = arith.constant 16 : index
        %get3A_1070 = tpu.vector_load %get3A_1067[%get3A_1068, %get3A_1069] {strides = array<i32>} : memref<80x128xf32, #tpu.memory_space<vmem>>, vector<16xf32>,
        %sub3A_1071 = arith.subf %get3A_1070, %get3A_164 : vector<16xf32>
        %mul3A_1072 = arith.mulf %sub3A_1071, %sub3A_1071 : vector<16xf32>
        %add3A_1073 = arith.addf %mul3A_1063, %mul3A_1072 : vector<16xf32>
        %get3A_1074 = arith.constant 0 : i32
        %get3A_1075 = arith.constant 0 : i32
        %get3A_1076 = tpu.memref_slice %arg9[%rem3A_133, %get3A_1074, %get3A_1075] : memref<8x80x128xf32, #tpu.memory_space<vmem>> -> memref<1x80x128xf32, #tpu.memory_space<vmem>>
        %get3A_1077 = tpu.memref_squeeze %get3A_1076 : memref<1x80x128xf32, #tpu.memory_space<vmem>> -> memref<80x128xf32, #tpu.memory_space<vmem>>
        %get3A_1078 = arith.index_cast %add3A_1054 : i32 to index
        %get3A_1079 = arith.constant 32 : index
        %get3A_1080 = tpu.vector_load %get3A_1077[%get3A_1078, %get3A_1079] {strides = array<i32>} : memref<80x128xf32, #tpu.memory_space<vmem>>, vector<16xf32>,
        %sub3A_1081 = arith.subf %get3A_1080, %get3A_167 : vector<16xf32>
        %mul3A_1082 = arith.mulf %sub3A_1081, %sub3A_1081 : vector<16xf32>
        %add3A_1083 = arith.addf %add3A_1073, %mul3A_1082 : vector<16xf32>
        %get3A_1084 = arith.constant 0 : i32
        %get3A_1085 = arith.constant 0 : i32
        %get3A_1086 = tpu.memref_slice %arg9[%rem3A_133, %get3A_1084, %get3A_1085] : memref<8x80x128xf32, #tpu.memory_space<vmem>> -> memref<1x80x128xf32, #tpu.memory_space<vmem>>
        %get3A_1087 = tpu.memref_squeeze %get3A_1086 : memref<1x80x128xf32, #tpu.memory_space<vmem>> -> memref<80x128xf32, #tpu.memory_space<vmem>>
        %get3A_1088 = arith.index_cast %add3A_1054 : i32 to index
        %get3A_1089 = arith.constant 48 : index
        %get3A_1090 = tpu.vector_load %get3A_1087[%get3A_1088, %get3A_1089] {strides = array<i32>} : memref<80x128xf32, #tpu.memory_space<vmem>>, vector<16xf32>,
        %sub3A_1091 = arith.subf %get3A_1090, %get3A_170 : vector<16xf32>
        %mul3A_1092 = arith.mulf %sub3A_1091, %sub3A_1091 : vector<16xf32>
        %add3A_1093 = arith.addf %add3A_1083, %mul3A_1092 : vector<16xf32>
        %get3A_1094 = arith.constant 0 : i32
        %get3A_1095 = arith.constant 0 : i32
        %get3A_1096 = tpu.memref_slice %arg9[%rem3A_133, %get3A_1094, %get3A_1095] : memref<8x80x128xf32, #tpu.memory_space<vmem>> -> memref<1x80x128xf32, #tpu.memory_space<vmem>>
        %get3A_1097 = tpu.memref_squeeze %get3A_1096 : memref<1x80x128xf32, #tpu.memory_space<vmem>> -> memref<80x128xf32, #tpu.memory_space<vmem>>
        %get3A_1098 = arith.index_cast %add3A_1054 : i32 to index
        %get3A_1099 = arith.constant 64 : index
        %get3A_1100 = tpu.vector_load %get3A_1097[%get3A_1098, %get3A_1099] {strides = array<i32>} : memref<80x128xf32, #tpu.memory_space<vmem>>, vector<16xf32>,
        %sub3A_1101 = arith.subf %get3A_1100, %get3A_173 : vector<16xf32>
        %mul3A_1102 = arith.mulf %sub3A_1101, %sub3A_1101 : vector<16xf32>
        %add3A_1103 = arith.addf %add3A_1093, %mul3A_1102 : vector<16xf32>
        %get3A_1104 = arith.constant 0 : i32
        %get3A_1105 = arith.constant 0 : i32
        %get3A_1106 = tpu.memref_slice %arg9[%rem3A_133, %get3A_1104, %get3A_1105] : memref<8x80x128xf32, #tpu.memory_space<vmem>> -> memref<1x80x128xf32, #tpu.memory_space<vmem>>
        %get3A_1107 = tpu.memref_squeeze %get3A_1106 : memref<1x80x128xf32, #tpu.memory_space<vmem>> -> memref<80x128xf32, #tpu.memory_space<vmem>>
        %get3A_1108 = arith.index_cast %add3A_1054 : i32 to index
        %get3A_1109 = arith.constant 80 : index
        %get3A_1110 = tpu.vector_load %get3A_1107[%get3A_1108, %get3A_1109] {strides = array<i32>} : memref<80x128xf32, #tpu.memory_space<vmem>>, vector<16xf32>,
        %sub3A_1111 = arith.subf %get3A_1110, %get3A_176 : vector<16xf32>
        %mul3A_1112 = arith.mulf %sub3A_1111, %sub3A_1111 : vector<16xf32>
        %add3A_1113 = arith.addf %add3A_1103, %mul3A_1112 : vector<16xf32>
        %get3A_1114 = arith.constant 0 : i32
        %get3A_1115 = arith.constant 0 : i32
        %get3A_1116 = tpu.memref_slice %arg9[%rem3A_133, %get3A_1114, %get3A_1115] : memref<8x80x128xf32, #tpu.memory_space<vmem>> -> memref<1x80x128xf32, #tpu.memory_space<vmem>>
        %get3A_1117 = tpu.memref_squeeze %get3A_1116 : memref<1x80x128xf32, #tpu.memory_space<vmem>> -> memref<80x128xf32, #tpu.memory_space<vmem>>
        %get3A_1118 = arith.index_cast %add3A_1054 : i32 to index
        %get3A_1119 = arith.constant 96 : index
        %get3A_1120 = tpu.vector_load %get3A_1117[%get3A_1118, %get3A_1119] {strides = array<i32>} : memref<80x128xf32, #tpu.memory_space<vmem>>, vector<16xf32>,
        %sub3A_1121 = arith.subf %get3A_1120, %get3A_179 : vector<16xf32>
        %mul3A_1122 = arith.mulf %sub3A_1121, %sub3A_1121 : vector<16xf32>
        %add3A_1123 = arith.addf %add3A_1113, %mul3A_1122 : vector<16xf32>
        %get3A_1124 = arith.constant 0 : i32
        %get3A_1125 = arith.constant 0 : i32
        %get3A_1126 = tpu.memref_slice %arg9[%rem3A_133, %get3A_1124, %get3A_1125] : memref<8x80x128xf32, #tpu.memory_space<vmem>> -> memref<1x80x128xf32, #tpu.memory_space<vmem>>
        %get3A_1127 = tpu.memref_squeeze %get3A_1126 : memref<1x80x128xf32, #tpu.memory_space<vmem>> -> memref<80x128xf32, #tpu.memory_space<vmem>>
        %get3A_1128 = arith.index_cast %add3A_1054 : i32 to index
        %get3A_1129 = arith.constant 112 : index
        %get3A_1130 = tpu.vector_load %get3A_1127[%get3A_1128, %get3A_1129] {strides = array<i32>} : memref<80x128xf32, #tpu.memory_space<vmem>>, vector<16xf32>,
        %sub3A_1131 = arith.subf %get3A_1130, %get3A_182 : vector<16xf32>
        %mul3A_1132 = arith.mulf %sub3A_1131, %sub3A_1131 : vector<16xf32>
        %add3A_1133 = arith.addf %add3A_1123, %mul3A_1132 : vector<16xf32>
        %reduce_sum3A_1134 = arith.constant true
        %reduce_sum3A_1135 = vector.broadcast %reduce_sum3A_1134 : i1 to vector<16xi1>
        %reduce_sum3A_1136 = tpu.scan <sum>, %add3A_1133 masked %reduce_sum3A_1135 : vector<16xf32>, vector<16xi1> -> vector<16xf32>
        %reduce_sum3A_1137 = vector.extract %reduce_sum3A_1136[15] : f32 from vector<16xf32>
        %mul3A_1138 = arith.constant 20 : i32
        %mul3A_1139 = arith.muli %scan3A_156, %mul3A_1138 : i32
        %add3A_1140 = arith.constant 11 : i32
        %add3A_1141 = arith.addi %mul3A_1139, %add3A_1140 : i32
        %get3A_1142 = arith.constant 0 : i32
        %get3A_1143 = arith.constant 0 : i32
        %get3A_1144 = tpu.memref_slice %arg9[%rem3A_133, %get3A_1142, %get3A_1143] : memref<8x80x128xf32, #tpu.memory_space<vmem>> -> memref<1x80x128xf32, #tpu.memory_space<vmem>>
        %get3A_1145 = tpu.memref_squeeze %get3A_1144 : memref<1x80x128xf32, #tpu.memory_space<vmem>> -> memref<80x128xf32, #tpu.memory_space<vmem>>
        %get3A_1146 = arith.index_cast %add3A_1141 : i32 to index
        %get3A_1147 = arith.constant 0 : index
        %get3A_1148 = tpu.vector_load %get3A_1145[%get3A_1146, %get3A_1147] {strides = array<i32>} : memref<80x128xf32, #tpu.memory_space<vmem>>, vector<16xf32>,
        %sub3A_1149 = arith.subf %get3A_1148, %get3A_161 : vector<16xf32>
        %mul3A_1150 = arith.mulf %sub3A_1149, %sub3A_1149 : vector<16xf32>
        %get3A_1151 = arith.constant 0 : i32
        %get3A_1152 = arith.constant 0 : i32
        %get3A_1153 = tpu.memref_slice %arg9[%rem3A_133, %get3A_1151, %get3A_1152] : memref<8x80x128xf32, #tpu.memory_space<vmem>> -> memref<1x80x128xf32, #tpu.memory_space<vmem>>
        %get3A_1154 = tpu.memref_squeeze %get3A_1153 : memref<1x80x128xf32, #tpu.memory_space<vmem>> -> memref<80x128xf32, #tpu.memory_space<vmem>>
        %get3A_1155 = arith.index_cast %add3A_1141 : i32 to index
        %get3A_1156 = arith.constant 16 : index
        %get3A_1157 = tpu.vector_load %get3A_1154[%get3A_1155, %get3A_1156] {strides = array<i32>} : memref<80x128xf32, #tpu.memory_space<vmem>>, vector<16xf32>,
        %sub3A_1158 = arith.subf %get3A_1157, %get3A_164 : vector<16xf32>
        %mul3A_1159 = arith.mulf %sub3A_1158, %sub3A_1158 : vector<16xf32>
        %add3A_1160 = arith.addf %mul3A_1150, %mul3A_1159 : vector<16xf32>
        %get3A_1161 = arith.constant 0 : i32
        %get3A_1162 = arith.constant 0 : i32
        %get3A_1163 = tpu.memref_slice %arg9[%rem3A_133, %get3A_1161, %get3A_1162] : memref<8x80x128xf32, #tpu.memory_space<vmem>> -> memref<1x80x128xf32, #tpu.memory_space<vmem>>
        %get3A_1164 = tpu.memref_squeeze %get3A_1163 : memref<1x80x128xf32, #tpu.memory_space<vmem>> -> memref<80x128xf32, #tpu.memory_space<vmem>>
        %get3A_1165 = arith.index_cast %add3A_1141 : i32 to index
        %get3A_1166 = arith.constant 32 : index
        %get3A_1167 = tpu.vector_load %get3A_1164[%get3A_1165, %get3A_1166] {strides = array<i32>} : memref<80x128xf32, #tpu.memory_space<vmem>>, vector<16xf32>,
        %sub3A_1168 = arith.subf %get3A_1167, %get3A_167 : vector<16xf32>
        %mul3A_1169 = arith.mulf %sub3A_1168, %sub3A_1168 : vector<16xf32>
        %add3A_1170 = arith.addf %add3A_1160, %mul3A_1169 : vector<16xf32>
        %get3A_1171 = arith.constant 0 : i32
        %get3A_1172 = arith.constant 0 : i32
        %get3A_1173 = tpu.memref_slice %arg9[%rem3A_133, %get3A_1171, %get3A_1172] : memref<8x80x128xf32, #tpu.memory_space<vmem>> -> memref<1x80x128xf32, #tpu.memory_space<vmem>>
        %get3A_1174 = tpu.memref_squeeze %get3A_1173 : memref<1x80x128xf32, #tpu.memory_space<vmem>> -> memref<80x128xf32, #tpu.memory_space<vmem>>
        %get3A_1175 = arith.index_cast %add3A_1141 : i32 to index
        %get3A_1176 = arith.constant 48 : index
        %get3A_1177 = tpu.vector_load %get3A_1174[%get3A_1175, %get3A_1176] {strides = array<i32>} : memref<80x128xf32, #tpu.memory_space<vmem>>, vector<16xf32>,
        %sub3A_1178 = arith.subf %get3A_1177, %get3A_170 : vector<16xf32>
        %mul3A_1179 = arith.mulf %sub3A_1178, %sub3A_1178 : vector<16xf32>
        %add3A_1180 = arith.addf %add3A_1170, %mul3A_1179 : vector<16xf32>
        %get3A_1181 = arith.constant 0 : i32
        %get3A_1182 = arith.constant 0 : i32
        %get3A_1183 = tpu.memref_slice %arg9[%rem3A_133, %get3A_1181, %get3A_1182] : memref<8x80x128xf32, #tpu.memory_space<vmem>> -> memref<1x80x128xf32, #tpu.memory_space<vmem>>
        %get3A_1184 = tpu.memref_squeeze %get3A_1183 : memref<1x80x128xf32, #tpu.memory_space<vmem>> -> memref<80x128xf32, #tpu.memory_space<vmem>>
        %get3A_1185 = arith.index_cast %add3A_1141 : i32 to index
        %get3A_1186 = arith.constant 64 : index
        %get3A_1187 = tpu.vector_load %get3A_1184[%get3A_1185, %get3A_1186] {strides = array<i32>} : memref<80x128xf32, #tpu.memory_space<vmem>>, vector<16xf32>,
        %sub3A_1188 = arith.subf %get3A_1187, %get3A_173 : vector<16xf32>
        %mul3A_1189 = arith.mulf %sub3A_1188, %sub3A_1188 : vector<16xf32>
        %add3A_1190 = arith.addf %add3A_1180, %mul3A_1189 : vector<16xf32>
        %get3A_1191 = arith.constant 0 : i32
        %get3A_1192 = arith.constant 0 : i32
        %get3A_1193 = tpu.memref_slice %arg9[%rem3A_133, %get3A_1191, %get3A_1192] : memref<8x80x128xf32, #tpu.memory_space<vmem>> -> memref<1x80x128xf32, #tpu.memory_space<vmem>>
        %get3A_1194 = tpu.memref_squeeze %get3A_1193 : memref<1x80x128xf32, #tpu.memory_space<vmem>> -> memref<80x128xf32, #tpu.memory_space<vmem>>
        %get3A_1195 = arith.index_cast %add3A_1141 : i32 to index
        %get3A_1196 = arith.constant 80 : index
        %get3A_1197 = tpu.vector_load %get3A_1194[%get3A_1195, %get3A_1196] {strides = array<i32>} : memref<80x128xf32, #tpu.memory_space<vmem>>, vector<16xf32>,
        %sub3A_1198 = arith.subf %get3A_1197, %get3A_176 : vector<16xf32>
        %mul3A_1199 = arith.mulf %sub3A_1198, %sub3A_1198 : vector<16xf32>
        %add3A_1200 = arith.addf %add3A_1190, %mul3A_1199 : vector<16xf32>
        %get3A_1201 = arith.constant 0 : i32
        %get3A_1202 = arith.constant 0 : i32
        %get3A_1203 = tpu.memref_slice %arg9[%rem3A_133, %get3A_1201, %get3A_1202] : memref<8x80x128xf32, #tpu.memory_space<vmem>> -> memref<1x80x128xf32, #tpu.memory_space<vmem>>
        %get3A_1204 = tpu.memref_squeeze %get3A_1203 : memref<1x80x128xf32, #tpu.memory_space<vmem>> -> memref<80x128xf32, #tpu.memory_space<vmem>>
        %get3A_1205 = arith.index_cast %add3A_1141 : i32 to index
        %get3A_1206 = arith.constant 96 : index
        %get3A_1207 = tpu.vector_load %get3A_1204[%get3A_1205, %get3A_1206] {strides = array<i32>} : memref<80x128xf32, #tpu.memory_space<vmem>>, vector<16xf32>,
        %sub3A_1208 = arith.subf %get3A_1207, %get3A_179 : vector<16xf32>
        %mul3A_1209 = arith.mulf %sub3A_1208, %sub3A_1208 : vector<16xf32>
        %add3A_1210 = arith.addf %add3A_1200, %mul3A_1209 : vector<16xf32>
        %get3A_1211 = arith.constant 0 : i32
        %get3A_1212 = arith.constant 0 : i32
        %get3A_1213 = tpu.memref_slice %arg9[%rem3A_133, %get3A_1211, %get3A_1212] : memref<8x80x128xf32, #tpu.memory_space<vmem>> -> memref<1x80x128xf32, #tpu.memory_space<vmem>>
        %get3A_1214 = tpu.memref_squeeze %get3A_1213 : memref<1x80x128xf32, #tpu.memory_space<vmem>> -> memref<80x128xf32, #tpu.memory_space<vmem>>
        %get3A_1215 = arith.index_cast %add3A_1141 : i32 to index
        %get3A_1216 = arith.constant 112 : index
        %get3A_1217 = tpu.vector_load %get3A_1214[%get3A_1215, %get3A_1216] {strides = array<i32>} : memref<80x128xf32, #tpu.memory_space<vmem>>, vector<16xf32>,
        %sub3A_1218 = arith.subf %get3A_1217, %get3A_182 : vector<16xf32>
        %mul3A_1219 = arith.mulf %sub3A_1218, %sub3A_1218 : vector<16xf32>
        %add3A_1220 = arith.addf %add3A_1210, %mul3A_1219 : vector<16xf32>
        %reduce_sum3A_1221 = arith.constant true
        %reduce_sum3A_1222 = vector.broadcast %reduce_sum3A_1221 : i1 to vector<16xi1>
        %reduce_sum3A_1223 = tpu.scan <sum>, %add3A_1220 masked %reduce_sum3A_1222 : vector<16xf32>, vector<16xi1> -> vector<16xf32>
        %reduce_sum3A_1224 = vector.extract %reduce_sum3A_1223[15] : f32 from vector<16xf32>
        %mul3A_1225 = arith.constant 20 : i32
        %mul3A_1226 = arith.muli %scan3A_156, %mul3A_1225 : i32
        %add3A_1227 = arith.constant 12 : i32
        %add3A_1228 = arith.addi %mul3A_1226, %add3A_1227 : i32
        %get3A_1229 = arith.constant 0 : i32
        %get3A_1230 = arith.constant 0 : i32
        %get3A_1231 = tpu.memref_slice %arg9[%rem3A_133, %get3A_1229, %get3A_1230] : memref<8x80x128xf32, #tpu.memory_space<vmem>> -> memref<1x80x128xf32, #tpu.memory_space<vmem>>
        %get3A_1232 = tpu.memref_squeeze %get3A_1231 : memref<1x80x128xf32, #tpu.memory_space<vmem>> -> memref<80x128xf32, #tpu.memory_space<vmem>>
        %get3A_1233 = arith.index_cast %add3A_1228 : i32 to index
        %get3A_1234 = arith.constant 0 : index
        %get3A_1235 = tpu.vector_load %get3A_1232[%get3A_1233, %get3A_1234] {strides = array<i32>} : memref<80x128xf32, #tpu.memory_space<vmem>>, vector<16xf32>,
        %sub3A_1236 = arith.subf %get3A_1235, %get3A_161 : vector<16xf32>
        %mul3A_1237 = arith.mulf %sub3A_1236, %sub3A_1236 : vector<16xf32>
        %get3A_1238 = arith.constant 0 : i32
        %get3A_1239 = arith.constant 0 : i32
        %get3A_1240 = tpu.memref_slice %arg9[%rem3A_133, %get3A_1238, %get3A_1239] : memref<8x80x128xf32, #tpu.memory_space<vmem>> -> memref<1x80x128xf32, #tpu.memory_space<vmem>>
        %get3A_1241 = tpu.memref_squeeze %get3A_1240 : memref<1x80x128xf32, #tpu.memory_space<vmem>> -> memref<80x128xf32, #tpu.memory_space<vmem>>
        %get3A_1242 = arith.index_cast %add3A_1228 : i32 to index
        %get3A_1243 = arith.constant 16 : index
        %get3A_1244 = tpu.vector_load %get3A_1241[%get3A_1242, %get3A_1243] {strides = array<i32>} : memref<80x128xf32, #tpu.memory_space<vmem>>, vector<16xf32>,
        %sub3A_1245 = arith.subf %get3A_1244, %get3A_164 : vector<16xf32>
        %mul3A_1246 = arith.mulf %sub3A_1245, %sub3A_1245 : vector<16xf32>
        %add3A_1247 = arith.addf %mul3A_1237, %mul3A_1246 : vector<16xf32>
        %get3A_1248 = arith.constant 0 : i32
        %get3A_1249 = arith.constant 0 : i32
        %get3A_1250 = tpu.memref_slice %arg9[%rem3A_133, %get3A_1248, %get3A_1249] : memref<8x80x128xf32, #tpu.memory_space<vmem>> -> memref<1x80x128xf32, #tpu.memory_space<vmem>>
        %get3A_1251 = tpu.memref_squeeze %get3A_1250 : memref<1x80x128xf32, #tpu.memory_space<vmem>> -> memref<80x128xf32, #tpu.memory_space<vmem>>
        %get3A_1252 = arith.index_cast %add3A_1228 : i32 to index
        %get3A_1253 = arith.constant 32 : index
        %get3A_1254 = tpu.vector_load %get3A_1251[%get3A_1252, %get3A_1253] {strides = array<i32>} : memref<80x128xf32, #tpu.memory_space<vmem>>, vector<16xf32>,
        %sub3A_1255 = arith.subf %get3A_1254, %get3A_167 : vector<16xf32>
        %mul3A_1256 = arith.mulf %sub3A_1255, %sub3A_1255 : vector<16xf32>
        %add3A_1257 = arith.addf %add3A_1247, %mul3A_1256 : vector<16xf32>
        %get3A_1258 = arith.constant 0 : i32
        %get3A_1259 = arith.constant 0 : i32
        %get3A_1260 = tpu.memref_slice %arg9[%rem3A_133, %get3A_1258, %get3A_1259] : memref<8x80x128xf32, #tpu.memory_space<vmem>> -> memref<1x80x128xf32, #tpu.memory_space<vmem>>
        %get3A_1261 = tpu.memref_squeeze %get3A_1260 : memref<1x80x128xf32, #tpu.memory_space<vmem>> -> memref<80x128xf32, #tpu.memory_space<vmem>>
        %get3A_1262 = arith.index_cast %add3A_1228 : i32 to index
        %get3A_1263 = arith.constant 48 : index
        %get3A_1264 = tpu.vector_load %get3A_1261[%get3A_1262, %get3A_1263] {strides = array<i32>} : memref<80x128xf32, #tpu.memory_space<vmem>>, vector<16xf32>,
        %sub3A_1265 = arith.subf %get3A_1264, %get3A_170 : vector<16xf32>
        %mul3A_1266 = arith.mulf %sub3A_1265, %sub3A_1265 : vector<16xf32>
        %add3A_1267 = arith.addf %add3A_1257, %mul3A_1266 : vector<16xf32>
        %get3A_1268 = arith.constant 0 : i32
        %get3A_1269 = arith.constant 0 : i32
        %get3A_1270 = tpu.memref_slice %arg9[%rem3A_133, %get3A_1268, %get3A_1269] : memref<8x80x128xf32, #tpu.memory_space<vmem>> -> memref<1x80x128xf32, #tpu.memory_space<vmem>>
        %get3A_1271 = tpu.memref_squeeze %get3A_1270 : memref<1x80x128xf32, #tpu.memory_space<vmem>> -> memref<80x128xf32, #tpu.memory_space<vmem>>
        %get3A_1272 = arith.index_cast %add3A_1228 : i32 to index
        %get3A_1273 = arith.constant 64 : index
        %get3A_1274 = tpu.vector_load %get3A_1271[%get3A_1272, %get3A_1273] {strides = array<i32>} : memref<80x128xf32, #tpu.memory_space<vmem>>, vector<16xf32>,
        %sub3A_1275 = arith.subf %get3A_1274, %get3A_173 : vector<16xf32>
        %mul3A_1276 = arith.mulf %sub3A_1275, %sub3A_1275 : vector<16xf32>
        %add3A_1277 = arith.addf %add3A_1267, %mul3A_1276 : vector<16xf32>
        %get3A_1278 = arith.constant 0 : i32
        %get3A_1279 = arith.constant 0 : i32
        %get3A_1280 = tpu.memref_slice %arg9[%rem3A_133, %get3A_1278, %get3A_1279] : memref<8x80x128xf32, #tpu.memory_space<vmem>> -> memref<1x80x128xf32, #tpu.memory_space<vmem>>
        %get3A_1281 = tpu.memref_squeeze %get3A_1280 : memref<1x80x128xf32, #tpu.memory_space<vmem>> -> memref<80x128xf32, #tpu.memory_space<vmem>>
        %get3A_1282 = arith.index_cast %add3A_1228 : i32 to index
        %get3A_1283 = arith.constant 80 : index
        %get3A_1284 = tpu.vector_load %get3A_1281[%get3A_1282, %get3A_1283] {strides = array<i32>} : memref<80x128xf32, #tpu.memory_space<vmem>>, vector<16xf32>,
        %sub3A_1285 = arith.subf %get3A_1284, %get3A_176 : vector<16xf32>
        %mul3A_1286 = arith.mulf %sub3A_1285, %sub3A_1285 : vector<16xf32>
        %add3A_1287 = arith.addf %add3A_1277, %mul3A_1286 : vector<16xf32>
        %get3A_1288 = arith.constant 0 : i32
        %get3A_1289 = arith.constant 0 : i32
        %get3A_1290 = tpu.memref_slice %arg9[%rem3A_133, %get3A_1288, %get3A_1289] : memref<8x80x128xf32, #tpu.memory_space<vmem>> -> memref<1x80x128xf32, #tpu.memory_space<vmem>>
        %get3A_1291 = tpu.memref_squeeze %get3A_1290 : memref<1x80x128xf32, #tpu.memory_space<vmem>> -> memref<80x128xf32, #tpu.memory_space<vmem>>
        %get3A_1292 = arith.index_cast %add3A_1228 : i32 to index
        %get3A_1293 = arith.constant 96 : index
        %get3A_1294 = tpu.vector_load %get3A_1291[%get3A_1292, %get3A_1293] {strides = array<i32>} : memref<80x128xf32, #tpu.memory_space<vmem>>, vector<16xf32>,
        %sub3A_1295 = arith.subf %get3A_1294, %get3A_179 : vector<16xf32>
        %mul3A_1296 = arith.mulf %sub3A_1295, %sub3A_1295 : vector<16xf32>
        %add3A_1297 = arith.addf %add3A_1287, %mul3A_1296 : vector<16xf32>
        %get3A_1298 = arith.constant 0 : i32
        %get3A_1299 = arith.constant 0 : i32
        %get3A_1300 = tpu.memref_slice %arg9[%rem3A_133, %get3A_1298, %get3A_1299] : memref<8x80x128xf32, #tpu.memory_space<vmem>> -> memref<1x80x128xf32, #tpu.memory_space<vmem>>
        %get3A_1301 = tpu.memref_squeeze %get3A_1300 : memref<1x80x128xf32, #tpu.memory_space<vmem>> -> memref<80x128xf32, #tpu.memory_space<vmem>>
        %get3A_1302 = arith.index_cast %add3A_1228 : i32 to index
        %get3A_1303 = arith.constant 112 : index
        %get3A_1304 = tpu.vector_load %get3A_1301[%get3A_1302, %get3A_1303] {strides = array<i32>} : memref<80x128xf32, #tpu.memory_space<vmem>>, vector<16xf32>,
        %sub3A_1305 = arith.subf %get3A_1304, %get3A_182 : vector<16xf32>
        %mul3A_1306 = arith.mulf %sub3A_1305, %sub3A_1305 : vector<16xf32>
        %add3A_1307 = arith.addf %add3A_1297, %mul3A_1306 : vector<16xf32>
        %reduce_sum3A_1308 = arith.constant true
        %reduce_sum3A_1309 = vector.broadcast %reduce_sum3A_1308 : i1 to vector<16xi1>
        %reduce_sum3A_1310 = tpu.scan <sum>, %add3A_1307 masked %reduce_sum3A_1309 : vector<16xf32>, vector<16xi1> -> vector<16xf32>
        %reduce_sum3A_1311 = vector.extract %reduce_sum3A_1310[15] : f32 from vector<16xf32>
        %mul3A_1312 = arith.constant 20 : i32
        %mul3A_1313 = arith.muli %scan3A_156, %mul3A_1312 : i32
        %add3A_1314 = arith.constant 13 : i32
        %add3A_1315 = arith.addi %mul3A_1313, %add3A_1314 : i32
        %get3A_1316 = arith.constant 0 : i32
        %get3A_1317 = arith.constant 0 : i32
        %get3A_1318 = tpu.memref_slice %arg9[%rem3A_133, %get3A_1316, %get3A_1317] : memref<8x80x128xf32, #tpu.memory_space<vmem>> -> memref<1x80x128xf32, #tpu.memory_space<vmem>>
        %get3A_1319 = tpu.memref_squeeze %get3A_1318 : memref<1x80x128xf32, #tpu.memory_space<vmem>> -> memref<80x128xf32, #tpu.memory_space<vmem>>
        %get3A_1320 = arith.index_cast %add3A_1315 : i32 to index
        %get3A_1321 = arith.constant 0 : index
        %get3A_1322 = tpu.vector_load %get3A_1319[%get3A_1320, %get3A_1321] {strides = array<i32>} : memref<80x128xf32, #tpu.memory_space<vmem>>, vector<16xf32>,
        %sub3A_1323 = arith.subf %get3A_1322, %get3A_161 : vector<16xf32>
        %mul3A_1324 = arith.mulf %sub3A_1323, %sub3A_1323 : vector<16xf32>
        %get3A_1325 = arith.constant 0 : i32
        %get3A_1326 = arith.constant 0 : i32
        %get3A_1327 = tpu.memref_slice %arg9[%rem3A_133, %get3A_1325, %get3A_1326] : memref<8x80x128xf32, #tpu.memory_space<vmem>> -> memref<1x80x128xf32, #tpu.memory_space<vmem>>
        %get3A_1328 = tpu.memref_squeeze %get3A_1327 : memref<1x80x128xf32, #tpu.memory_space<vmem>> -> memref<80x128xf32, #tpu.memory_space<vmem>>
        %get3A_1329 = arith.index_cast %add3A_1315 : i32 to index
        %get3A_1330 = arith.constant 16 : index
        %get3A_1331 = tpu.vector_load %get3A_1328[%get3A_1329, %get3A_1330] {strides = array<i32>} : memref<80x128xf32, #tpu.memory_space<vmem>>, vector<16xf32>,
        %sub3A_1332 = arith.subf %get3A_1331, %get3A_164 : vector<16xf32>
        %mul3A_1333 = arith.mulf %sub3A_1332, %sub3A_1332 : vector<16xf32>
        %add3A_1334 = arith.addf %mul3A_1324, %mul3A_1333 : vector<16xf32>
        %get3A_1335 = arith.constant 0 : i32
        %get3A_1336 = arith.constant 0 : i32
        %get3A_1337 = tpu.memref_slice %arg9[%rem3A_133, %get3A_1335, %get3A_1336] : memref<8x80x128xf32, #tpu.memory_space<vmem>> -> memref<1x80x128xf32, #tpu.memory_space<vmem>>
        %get3A_1338 = tpu.memref_squeeze %get3A_1337 : memref<1x80x128xf32, #tpu.memory_space<vmem>> -> memref<80x128xf32, #tpu.memory_space<vmem>>
        %get3A_1339 = arith.index_cast %add3A_1315 : i32 to index
        %get3A_1340 = arith.constant 32 : index
        %get3A_1341 = tpu.vector_load %get3A_1338[%get3A_1339, %get3A_1340] {strides = array<i32>} : memref<80x128xf32, #tpu.memory_space<vmem>>, vector<16xf32>,
        %sub3A_1342 = arith.subf %get3A_1341, %get3A_167 : vector<16xf32>
        %mul3A_1343 = arith.mulf %sub3A_1342, %sub3A_1342 : vector<16xf32>
        %add3A_1344 = arith.addf %add3A_1334, %mul3A_1343 : vector<16xf32>
        %get3A_1345 = arith.constant 0 : i32
        %get3A_1346 = arith.constant 0 : i32
        %get3A_1347 = tpu.memref_slice %arg9[%rem3A_133, %get3A_1345, %get3A_1346] : memref<8x80x128xf32, #tpu.memory_space<vmem>> -> memref<1x80x128xf32, #tpu.memory_space<vmem>>
        %get3A_1348 = tpu.memref_squeeze %get3A_1347 : memref<1x80x128xf32, #tpu.memory_space<vmem>> -> memref<80x128xf32, #tpu.memory_space<vmem>>
        %get3A_1349 = arith.index_cast %add3A_1315 : i32 to index
        %get3A_1350 = arith.constant 48 : index
        %get3A_1351 = tpu.vector_load %get3A_1348[%get3A_1349, %get3A_1350] {strides = array<i32>} : memref<80x128xf32, #tpu.memory_space<vmem>>, vector<16xf32>,
        %sub3A_1352 = arith.subf %get3A_1351, %get3A_170 : vector<16xf32>
        %mul3A_1353 = arith.mulf %sub3A_1352, %sub3A_1352 : vector<16xf32>
        %add3A_1354 = arith.addf %add3A_1344, %mul3A_1353 : vector<16xf32>
        %get3A_1355 = arith.constant 0 : i32
        %get3A_1356 = arith.constant 0 : i32
        %get3A_1357 = tpu.memref_slice %arg9[%rem3A_133, %get3A_1355, %get3A_1356] : memref<8x80x128xf32, #tpu.memory_space<vmem>> -> memref<1x80x128xf32, #tpu.memory_space<vmem>>
        %get3A_1358 = tpu.memref_squeeze %get3A_1357 : memref<1x80x128xf32, #tpu.memory_space<vmem>> -> memref<80x128xf32, #tpu.memory_space<vmem>>
        %get3A_1359 = arith.index_cast %add3A_1315 : i32 to index
        %get3A_1360 = arith.constant 64 : index
        %get3A_1361 = tpu.vector_load %get3A_1358[%get3A_1359, %get3A_1360] {strides = array<i32>} : memref<80x128xf32, #tpu.memory_space<vmem>>, vector<16xf32>,
        %sub3A_1362 = arith.subf %get3A_1361, %get3A_173 : vector<16xf32>
        %mul3A_1363 = arith.mulf %sub3A_1362, %sub3A_1362 : vector<16xf32>
        %add3A_1364 = arith.addf %add3A_1354, %mul3A_1363 : vector<16xf32>
        %get3A_1365 = arith.constant 0 : i32
        %get3A_1366 = arith.constant 0 : i32
        %get3A_1367 = tpu.memref_slice %arg9[%rem3A_133, %get3A_1365, %get3A_1366] : memref<8x80x128xf32, #tpu.memory_space<vmem>> -> memref<1x80x128xf32, #tpu.memory_space<vmem>>
        %get3A_1368 = tpu.memref_squeeze %get3A_1367 : memref<1x80x128xf32, #tpu.memory_space<vmem>> -> memref<80x128xf32, #tpu.memory_space<vmem>>
        %get3A_1369 = arith.index_cast %add3A_1315 : i32 to index
        %get3A_1370 = arith.constant 80 : index
        %get3A_1371 = tpu.vector_load %get3A_1368[%get3A_1369, %get3A_1370] {strides = array<i32>} : memref<80x128xf32, #tpu.memory_space<vmem>>, vector<16xf32>,
        %sub3A_1372 = arith.subf %get3A_1371, %get3A_176 : vector<16xf32>
        %mul3A_1373 = arith.mulf %sub3A_1372, %sub3A_1372 : vector<16xf32>
        %add3A_1374 = arith.addf %add3A_1364, %mul3A_1373 : vector<16xf32>
        %get3A_1375 = arith.constant 0 : i32
        %get3A_1376 = arith.constant 0 : i32
        %get3A_1377 = tpu.memref_slice %arg9[%rem3A_133, %get3A_1375, %get3A_1376] : memref<8x80x128xf32, #tpu.memory_space<vmem>> -> memref<1x80x128xf32, #tpu.memory_space<vmem>>
        %get3A_1378 = tpu.memref_squeeze %get3A_1377 : memref<1x80x128xf32, #tpu.memory_space<vmem>> -> memref<80x128xf32, #tpu.memory_space<vmem>>
        %get3A_1379 = arith.index_cast %add3A_1315 : i32 to index
        %get3A_1380 = arith.constant 96 : index
        %get3A_1381 = tpu.vector_load %get3A_1378[%get3A_1379, %get3A_1380] {strides = array<i32>} : memref<80x128xf32, #tpu.memory_space<vmem>>, vector<16xf32>,
        %sub3A_1382 = arith.subf %get3A_1381, %get3A_179 : vector<16xf32>
        %mul3A_1383 = arith.mulf %sub3A_1382, %sub3A_1382 : vector<16xf32>
        %add3A_1384 = arith.addf %add3A_1374, %mul3A_1383 : vector<16xf32>
        %get3A_1385 = arith.constant 0 : i32
        %get3A_1386 = arith.constant 0 : i32
        %get3A_1387 = tpu.memref_slice %arg9[%rem3A_133, %get3A_1385, %get3A_1386] : memref<8x80x128xf32, #tpu.memory_space<vmem>> -> memref<1x80x128xf32, #tpu.memory_space<vmem>>
        %get3A_1388 = tpu.memref_squeeze %get3A_1387 : memref<1x80x128xf32, #tpu.memory_space<vmem>> -> memref<80x128xf32, #tpu.memory_space<vmem>>
        %get3A_1389 = arith.index_cast %add3A_1315 : i32 to index
        %get3A_1390 = arith.constant 112 : index
        %get3A_1391 = tpu.vector_load %get3A_1388[%get3A_1389, %get3A_1390] {strides = array<i32>} : memref<80x128xf32, #tpu.memory_space<vmem>>, vector<16xf32>,
        %sub3A_1392 = arith.subf %get3A_1391, %get3A_182 : vector<16xf32>
        %mul3A_1393 = arith.mulf %sub3A_1392, %sub3A_1392 : vector<16xf32>
        %add3A_1394 = arith.addf %add3A_1384, %mul3A_1393 : vector<16xf32>
        %reduce_sum3A_1395 = arith.constant true
        %reduce_sum3A_1396 = vector.broadcast %reduce_sum3A_1395 : i1 to vector<16xi1>
        %reduce_sum3A_1397 = tpu.scan <sum>, %add3A_1394 masked %reduce_sum3A_1396 : vector<16xf32>, vector<16xi1> -> vector<16xf32>
        %reduce_sum3A_1398 = vector.extract %reduce_sum3A_1397[15] : f32 from vector<16xf32>
        %mul3A_1399 = arith.constant 20 : i32
        %mul3A_1400 = arith.muli %scan3A_156, %mul3A_1399 : i32
        %add3A_1401 = arith.constant 14 : i32
        %add3A_1402 = arith.addi %mul3A_1400, %add3A_1401 : i32
        %get3A_1403 = arith.constant 0 : i32
        %get3A_1404 = arith.constant 0 : i32
        %get3A_1405 = tpu.memref_slice %arg9[%rem3A_133, %get3A_1403, %get3A_1404] : memref<8x80x128xf32, #tpu.memory_space<vmem>> -> memref<1x80x128xf32, #tpu.memory_space<vmem>>
        %get3A_1406 = tpu.memref_squeeze %get3A_1405 : memref<1x80x128xf32, #tpu.memory_space<vmem>> -> memref<80x128xf32, #tpu.memory_space<vmem>>
        %get3A_1407 = arith.index_cast %add3A_1402 : i32 to index
        %get3A_1408 = arith.constant 0 : index
        %get3A_1409 = tpu.vector_load %get3A_1406[%get3A_1407, %get3A_1408] {strides = array<i32>} : memref<80x128xf32, #tpu.memory_space<vmem>>, vector<16xf32>,
        %sub3A_1410 = arith.subf %get3A_1409, %get3A_161 : vector<16xf32>
        %mul3A_1411 = arith.mulf %sub3A_1410, %sub3A_1410 : vector<16xf32>
        %get3A_1412 = arith.constant 0 : i32
        %get3A_1413 = arith.constant 0 : i32
        %get3A_1414 = tpu.memref_slice %arg9[%rem3A_133, %get3A_1412, %get3A_1413] : memref<8x80x128xf32, #tpu.memory_space<vmem>> -> memref<1x80x128xf32, #tpu.memory_space<vmem>>
        %get3A_1415 = tpu.memref_squeeze %get3A_1414 : memref<1x80x128xf32, #tpu.memory_space<vmem>> -> memref<80x128xf32, #tpu.memory_space<vmem>>
        %get3A_1416 = arith.index_cast %add3A_1402 : i32 to index
        %get3A_1417 = arith.constant 16 : index
        %get3A_1418 = tpu.vector_load %get3A_1415[%get3A_1416, %get3A_1417] {strides = array<i32>} : memref<80x128xf32, #tpu.memory_space<vmem>>, vector<16xf32>,
        %sub3A_1419 = arith.subf %get3A_1418, %get3A_164 : vector<16xf32>
        %mul3A_1420 = arith.mulf %sub3A_1419, %sub3A_1419 : vector<16xf32>
        %add3A_1421 = arith.addf %mul3A_1411, %mul3A_1420 : vector<16xf32>
        %get3A_1422 = arith.constant 0 : i32
        %get3A_1423 = arith.constant 0 : i32
        %get3A_1424 = tpu.memref_slice %arg9[%rem3A_133, %get3A_1422, %get3A_1423] : memref<8x80x128xf32, #tpu.memory_space<vmem>> -> memref<1x80x128xf32, #tpu.memory_space<vmem>>
        %get3A_1425 = tpu.memref_squeeze %get3A_1424 : memref<1x80x128xf32, #tpu.memory_space<vmem>> -> memref<80x128xf32, #tpu.memory_space<vmem>>
        %get3A_1426 = arith.index_cast %add3A_1402 : i32 to index
        %get3A_1427 = arith.constant 32 : index
        %get3A_1428 = tpu.vector_load %get3A_1425[%get3A_1426, %get3A_1427] {strides = array<i32>} : memref<80x128xf32, #tpu.memory_space<vmem>>, vector<16xf32>,
        %sub3A_1429 = arith.subf %get3A_1428, %get3A_167 : vector<16xf32>
        %mul3A_1430 = arith.mulf %sub3A_1429, %sub3A_1429 : vector<16xf32>
        %add3A_1431 = arith.addf %add3A_1421, %mul3A_1430 : vector<16xf32>
        %get3A_1432 = arith.constant 0 : i32
        %get3A_1433 = arith.constant 0 : i32
        %get3A_1434 = tpu.memref_slice %arg9[%rem3A_133, %get3A_1432, %get3A_1433] : memref<8x80x128xf32, #tpu.memory_space<vmem>> -> memref<1x80x128xf32, #tpu.memory_space<vmem>>
        %get3A_1435 = tpu.memref_squeeze %get3A_1434 : memref<1x80x128xf32, #tpu.memory_space<vmem>> -> memref<80x128xf32, #tpu.memory_space<vmem>>
        %get3A_1436 = arith.index_cast %add3A_1402 : i32 to index
        %get3A_1437 = arith.constant 48 : index
        %get3A_1438 = tpu.vector_load %get3A_1435[%get3A_1436, %get3A_1437] {strides = array<i32>} : memref<80x128xf32, #tpu.memory_space<vmem>>, vector<16xf32>,
        %sub3A_1439 = arith.subf %get3A_1438, %get3A_170 : vector<16xf32>
        %mul3A_1440 = arith.mulf %sub3A_1439, %sub3A_1439 : vector<16xf32>
        %add3A_1441 = arith.addf %add3A_1431, %mul3A_1440 : vector<16xf32>
        %get3A_1442 = arith.constant 0 : i32
        %get3A_1443 = arith.constant 0 : i32
        %get3A_1444 = tpu.memref_slice %arg9[%rem3A_133, %get3A_1442, %get3A_1443] : memref<8x80x128xf32, #tpu.memory_space<vmem>> -> memref<1x80x128xf32, #tpu.memory_space<vmem>>
        %get3A_1445 = tpu.memref_squeeze %get3A_1444 : memref<1x80x128xf32, #tpu.memory_space<vmem>> -> memref<80x128xf32, #tpu.memory_space<vmem>>
        %get3A_1446 = arith.index_cast %add3A_1402 : i32 to index
        %get3A_1447 = arith.constant 64 : index
        %get3A_1448 = tpu.vector_load %get3A_1445[%get3A_1446, %get3A_1447] {strides = array<i32>} : memref<80x128xf32, #tpu.memory_space<vmem>>, vector<16xf32>,
        %sub3A_1449 = arith.subf %get3A_1448, %get3A_173 : vector<16xf32>
        %mul3A_1450 = arith.mulf %sub3A_1449, %sub3A_1449 : vector<16xf32>
        %add3A_1451 = arith.addf %add3A_1441, %mul3A_1450 : vector<16xf32>
        %get3A_1452 = arith.constant 0 : i32
        %get3A_1453 = arith.constant 0 : i32
        %get3A_1454 = tpu.memref_slice %arg9[%rem3A_133, %get3A_1452, %get3A_1453] : memref<8x80x128xf32, #tpu.memory_space<vmem>> -> memref<1x80x128xf32, #tpu.memory_space<vmem>>
        %get3A_1455 = tpu.memref_squeeze %get3A_1454 : memref<1x80x128xf32, #tpu.memory_space<vmem>> -> memref<80x128xf32, #tpu.memory_space<vmem>>
        %get3A_1456 = arith.index_cast %add3A_1402 : i32 to index
        %get3A_1457 = arith.constant 80 : index
        %get3A_1458 = tpu.vector_load %get3A_1455[%get3A_1456, %get3A_1457] {strides = array<i32>} : memref<80x128xf32, #tpu.memory_space<vmem>>, vector<16xf32>,
        %sub3A_1459 = arith.subf %get3A_1458, %get3A_176 : vector<16xf32>
        %mul3A_1460 = arith.mulf %sub3A_1459, %sub3A_1459 : vector<16xf32>
        %add3A_1461 = arith.addf %add3A_1451, %mul3A_1460 : vector<16xf32>
        %get3A_1462 = arith.constant 0 : i32
        %get3A_1463 = arith.constant 0 : i32
        %get3A_1464 = tpu.memref_slice %arg9[%rem3A_133, %get3A_1462, %get3A_1463] : memref<8x80x128xf32, #tpu.memory_space<vmem>> -> memref<1x80x128xf32, #tpu.memory_space<vmem>>
        %get3A_1465 = tpu.memref_squeeze %get3A_1464 : memref<1x80x128xf32, #tpu.memory_space<vmem>> -> memref<80x128xf32, #tpu.memory_space<vmem>>
        %get3A_1466 = arith.index_cast %add3A_1402 : i32 to index
        %get3A_1467 = arith.constant 96 : index
        %get3A_1468 = tpu.vector_load %get3A_1465[%get3A_1466, %get3A_1467] {strides = array<i32>} : memref<80x128xf32, #tpu.memory_space<vmem>>, vector<16xf32>,
        %sub3A_1469 = arith.subf %get3A_1468, %get3A_179 : vector<16xf32>
        %mul3A_1470 = arith.mulf %sub3A_1469, %sub3A_1469 : vector<16xf32>
        %add3A_1471 = arith.addf %add3A_1461, %mul3A_1470 : vector<16xf32>
        %get3A_1472 = arith.constant 0 : i32
        %get3A_1473 = arith.constant 0 : i32
        %get3A_1474 = tpu.memref_slice %arg9[%rem3A_133, %get3A_1472, %get3A_1473] : memref<8x80x128xf32, #tpu.memory_space<vmem>> -> memref<1x80x128xf32, #tpu.memory_space<vmem>>
        %get3A_1475 = tpu.memref_squeeze %get3A_1474 : memref<1x80x128xf32, #tpu.memory_space<vmem>> -> memref<80x128xf32, #tpu.memory_space<vmem>>
        %get3A_1476 = arith.index_cast %add3A_1402 : i32 to index
        %get3A_1477 = arith.constant 112 : index
        %get3A_1478 = tpu.vector_load %get3A_1475[%get3A_1476, %get3A_1477] {strides = array<i32>} : memref<80x128xf32, #tpu.memory_space<vmem>>, vector<16xf32>,
        %sub3A_1479 = arith.subf %get3A_1478, %get3A_182 : vector<16xf32>
        %mul3A_1480 = arith.mulf %sub3A_1479, %sub3A_1479 : vector<16xf32>
        %add3A_1481 = arith.addf %add3A_1471, %mul3A_1480 : vector<16xf32>
        %reduce_sum3A_1482 = arith.constant true
        %reduce_sum3A_1483 = vector.broadcast %reduce_sum3A_1482 : i1 to vector<16xi1>
        %reduce_sum3A_1484 = tpu.scan <sum>, %add3A_1481 masked %reduce_sum3A_1483 : vector<16xf32>, vector<16xi1> -> vector<16xf32>
        %reduce_sum3A_1485 = vector.extract %reduce_sum3A_1484[15] : f32 from vector<16xf32>
        %mul3A_1486 = arith.constant 20 : i32
        %mul3A_1487 = arith.muli %scan3A_156, %mul3A_1486 : i32
        %add3A_1488 = arith.constant 15 : i32
        %add3A_1489 = arith.addi %mul3A_1487, %add3A_1488 : i32
        %get3A_1490 = arith.constant 0 : i32
        %get3A_1491 = arith.constant 0 : i32
        %get3A_1492 = tpu.memref_slice %arg9[%rem3A_133, %get3A_1490, %get3A_1491] : memref<8x80x128xf32, #tpu.memory_space<vmem>> -> memref<1x80x128xf32, #tpu.memory_space<vmem>>
        %get3A_1493 = tpu.memref_squeeze %get3A_1492 : memref<1x80x128xf32, #tpu.memory_space<vmem>> -> memref<80x128xf32, #tpu.memory_space<vmem>>
        %get3A_1494 = arith.index_cast %add3A_1489 : i32 to index
        %get3A_1495 = arith.constant 0 : index
        %get3A_1496 = tpu.vector_load %get3A_1493[%get3A_1494, %get3A_1495] {strides = array<i32>} : memref<80x128xf32, #tpu.memory_space<vmem>>, vector<16xf32>,
        %sub3A_1497 = arith.subf %get3A_1496, %get3A_161 : vector<16xf32>
        %mul3A_1498 = arith.mulf %sub3A_1497, %sub3A_1497 : vector<16xf32>
        %get3A_1499 = arith.constant 0 : i32
        %get3A_1500 = arith.constant 0 : i32
        %get3A_1501 = tpu.memref_slice %arg9[%rem3A_133, %get3A_1499, %get3A_1500] : memref<8x80x128xf32, #tpu.memory_space<vmem>> -> memref<1x80x128xf32, #tpu.memory_space<vmem>>
        %get3A_1502 = tpu.memref_squeeze %get3A_1501 : memref<1x80x128xf32, #tpu.memory_space<vmem>> -> memref<80x128xf32, #tpu.memory_space<vmem>>
        %get3A_1503 = arith.index_cast %add3A_1489 : i32 to index
        %get3A_1504 = arith.constant 16 : index
        %get3A_1505 = tpu.vector_load %get3A_1502[%get3A_1503, %get3A_1504] {strides = array<i32>} : memref<80x128xf32, #tpu.memory_space<vmem>>, vector<16xf32>,
        %sub3A_1506 = arith.subf %get3A_1505, %get3A_164 : vector<16xf32>
        %mul3A_1507 = arith.mulf %sub3A_1506, %sub3A_1506 : vector<16xf32>
        %add3A_1508 = arith.addf %mul3A_1498, %mul3A_1507 : vector<16xf32>
        %get3A_1509 = arith.constant 0 : i32
        %get3A_1510 = arith.constant 0 : i32
        %get3A_1511 = tpu.memref_slice %arg9[%rem3A_133, %get3A_1509, %get3A_1510] : memref<8x80x128xf32, #tpu.memory_space<vmem>> -> memref<1x80x128xf32, #tpu.memory_space<vmem>>
        %get3A_1512 = tpu.memref_squeeze %get3A_1511 : memref<1x80x128xf32, #tpu.memory_space<vmem>> -> memref<80x128xf32, #tpu.memory_space<vmem>>
        %get3A_1513 = arith.index_cast %add3A_1489 : i32 to index
        %get3A_1514 = arith.constant 32 : index
        %get3A_1515 = tpu.vector_load %get3A_1512[%get3A_1513, %get3A_1514] {strides = array<i32>} : memref<80x128xf32, #tpu.memory_space<vmem>>, vector<16xf32>,
        %sub3A_1516 = arith.subf %get3A_1515, %get3A_167 : vector<16xf32>
        %mul3A_1517 = arith.mulf %sub3A_1516, %sub3A_1516 : vector<16xf32>
        %add3A_1518 = arith.addf %add3A_1508, %mul3A_1517 : vector<16xf32>
        %get3A_1519 = arith.constant 0 : i32
        %get3A_1520 = arith.constant 0 : i32
        %get3A_1521 = tpu.memref_slice %arg9[%rem3A_133, %get3A_1519, %get3A_1520] : memref<8x80x128xf32, #tpu.memory_space<vmem>> -> memref<1x80x128xf32, #tpu.memory_space<vmem>>
        %get3A_1522 = tpu.memref_squeeze %get3A_1521 : memref<1x80x128xf32, #tpu.memory_space<vmem>> -> memref<80x128xf32, #tpu.memory_space<vmem>>
        %get3A_1523 = arith.index_cast %add3A_1489 : i32 to index
        %get3A_1524 = arith.constant 48 : index
        %get3A_1525 = tpu.vector_load %get3A_1522[%get3A_1523, %get3A_1524] {strides = array<i32>} : memref<80x128xf32, #tpu.memory_space<vmem>>, vector<16xf32>,
        %sub3A_1526 = arith.subf %get3A_1525, %get3A_170 : vector<16xf32>
        %mul3A_1527 = arith.mulf %sub3A_1526, %sub3A_1526 : vector<16xf32>
        %add3A_1528 = arith.addf %add3A_1518, %mul3A_1527 : vector<16xf32>
        %get3A_1529 = arith.constant 0 : i32
        %get3A_1530 = arith.constant 0 : i32
        %get3A_1531 = tpu.memref_slice %arg9[%rem3A_133, %get3A_1529, %get3A_1530] : memref<8x80x128xf32, #tpu.memory_space<vmem>> -> memref<1x80x128xf32, #tpu.memory_space<vmem>>
        %get3A_1532 = tpu.memref_squeeze %get3A_1531 : memref<1x80x128xf32, #tpu.memory_space<vmem>> -> memref<80x128xf32, #tpu.memory_space<vmem>>
        %get3A_1533 = arith.index_cast %add3A_1489 : i32 to index
        %get3A_1534 = arith.constant 64 : index
        %get3A_1535 = tpu.vector_load %get3A_1532[%get3A_1533, %get3A_1534] {strides = array<i32>} : memref<80x128xf32, #tpu.memory_space<vmem>>, vector<16xf32>,
        %sub3A_1536 = arith.subf %get3A_1535, %get3A_173 : vector<16xf32>
        %mul3A_1537 = arith.mulf %sub3A_1536, %sub3A_1536 : vector<16xf32>
        %add3A_1538 = arith.addf %add3A_1528, %mul3A_1537 : vector<16xf32>
        %get3A_1539 = arith.constant 0 : i32
        %get3A_1540 = arith.constant 0 : i32
        %get3A_1541 = tpu.memref_slice %arg9[%rem3A_133, %get3A_1539, %get3A_1540] : memref<8x80x128xf32, #tpu.memory_space<vmem>> -> memref<1x80x128xf32, #tpu.memory_space<vmem>>
        %get3A_1542 = tpu.memref_squeeze %get3A_1541 : memref<1x80x128xf32, #tpu.memory_space<vmem>> -> memref<80x128xf32, #tpu.memory_space<vmem>>
        %get3A_1543 = arith.index_cast %add3A_1489 : i32 to index
        %get3A_1544 = arith.constant 80 : index
        %get3A_1545 = tpu.vector_load %get3A_1542[%get3A_1543, %get3A_1544] {strides = array<i32>} : memref<80x128xf32, #tpu.memory_space<vmem>>, vector<16xf32>,
        %sub3A_1546 = arith.subf %get3A_1545, %get3A_176 : vector<16xf32>
        %mul3A_1547 = arith.mulf %sub3A_1546, %sub3A_1546 : vector<16xf32>
        %add3A_1548 = arith.addf %add3A_1538, %mul3A_1547 : vector<16xf32>
        %get3A_1549 = arith.constant 0 : i32
        %get3A_1550 = arith.constant 0 : i32
        %get3A_1551 = tpu.memref_slice %arg9[%rem3A_133, %get3A_1549, %get3A_1550] : memref<8x80x128xf32, #tpu.memory_space<vmem>> -> memref<1x80x128xf32, #tpu.memory_space<vmem>>
        %get3A_1552 = tpu.memref_squeeze %get3A_1551 : memref<1x80x128xf32, #tpu.memory_space<vmem>> -> memref<80x128xf32, #tpu.memory_space<vmem>>
        %get3A_1553 = arith.index_cast %add3A_1489 : i32 to index
        %get3A_1554 = arith.constant 96 : index
        %get3A_1555 = tpu.vector_load %get3A_1552[%get3A_1553, %get3A_1554] {strides = array<i32>} : memref<80x128xf32, #tpu.memory_space<vmem>>, vector<16xf32>,
        %sub3A_1556 = arith.subf %get3A_1555, %get3A_179 : vector<16xf32>
        %mul3A_1557 = arith.mulf %sub3A_1556, %sub3A_1556 : vector<16xf32>
        %add3A_1558 = arith.addf %add3A_1548, %mul3A_1557 : vector<16xf32>
        %get3A_1559 = arith.constant 0 : i32
        %get3A_1560 = arith.constant 0 : i32
        %get3A_1561 = tpu.memref_slice %arg9[%rem3A_133, %get3A_1559, %get3A_1560] : memref<8x80x128xf32, #tpu.memory_space<vmem>> -> memref<1x80x128xf32, #tpu.memory_space<vmem>>
        %get3A_1562 = tpu.memref_squeeze %get3A_1561 : memref<1x80x128xf32, #tpu.memory_space<vmem>> -> memref<80x128xf32, #tpu.memory_space<vmem>>
        %get3A_1563 = arith.index_cast %add3A_1489 : i32 to index
        %get3A_1564 = arith.constant 112 : index
        %get3A_1565 = tpu.vector_load %get3A_1562[%get3A_1563, %get3A_1564] {strides = array<i32>} : memref<80x128xf32, #tpu.memory_space<vmem>>, vector<16xf32>,
        %sub3A_1566 = arith.subf %get3A_1565, %get3A_182 : vector<16xf32>
        %mul3A_1567 = arith.mulf %sub3A_1566, %sub3A_1566 : vector<16xf32>
        %add3A_1568 = arith.addf %add3A_1558, %mul3A_1567 : vector<16xf32>
        %reduce_sum3A_1569 = arith.constant true
        %reduce_sum3A_1570 = vector.broadcast %reduce_sum3A_1569 : i1 to vector<16xi1>
        %reduce_sum3A_1571 = tpu.scan <sum>, %add3A_1568 masked %reduce_sum3A_1570 : vector<16xf32>, vector<16xi1> -> vector<16xf32>
        %reduce_sum3A_1572 = vector.extract %reduce_sum3A_1571[15] : f32 from vector<16xf32>
        %mul3A_1573 = arith.constant 20 : i32
        %mul3A_1574 = arith.muli %scan3A_156, %mul3A_1573 : i32
        %add3A_1575 = arith.constant 16 : i32
        %add3A_1576 = arith.addi %mul3A_1574, %add3A_1575 : i32
        %get3A_1577 = arith.constant 0 : i32
        %get3A_1578 = arith.constant 0 : i32
        %get3A_1579 = tpu.memref_slice %arg9[%rem3A_133, %get3A_1577, %get3A_1578] : memref<8x80x128xf32, #tpu.memory_space<vmem>> -> memref<1x80x128xf32, #tpu.memory_space<vmem>>
        %get3A_1580 = tpu.memref_squeeze %get3A_1579 : memref<1x80x128xf32, #tpu.memory_space<vmem>> -> memref<80x128xf32, #tpu.memory_space<vmem>>
        %get3A_1581 = arith.index_cast %add3A_1576 : i32 to index
        %get3A_1582 = arith.constant 0 : index
        %get3A_1583 = tpu.vector_load %get3A_1580[%get3A_1581, %get3A_1582] {strides = array<i32>} : memref<80x128xf32, #tpu.memory_space<vmem>>, vector<16xf32>,
        %sub3A_1584 = arith.subf %get3A_1583, %get3A_161 : vector<16xf32>
        %mul3A_1585 = arith.mulf %sub3A_1584, %sub3A_1584 : vector<16xf32>
        %get3A_1586 = arith.constant 0 : i32
        %get3A_1587 = arith.constant 0 : i32
        %get3A_1588 = tpu.memref_slice %arg9[%rem3A_133, %get3A_1586, %get3A_1587] : memref<8x80x128xf32, #tpu.memory_space<vmem>> -> memref<1x80x128xf32, #tpu.memory_space<vmem>>
        %get3A_1589 = tpu.memref_squeeze %get3A_1588 : memref<1x80x128xf32, #tpu.memory_space<vmem>> -> memref<80x128xf32, #tpu.memory_space<vmem>>
        %get3A_1590 = arith.index_cast %add3A_1576 : i32 to index
        %get3A_1591 = arith.constant 16 : index
        %get3A_1592 = tpu.vector_load %get3A_1589[%get3A_1590, %get3A_1591] {strides = array<i32>} : memref<80x128xf32, #tpu.memory_space<vmem>>, vector<16xf32>,
        %sub3A_1593 = arith.subf %get3A_1592, %get3A_164 : vector<16xf32>
        %mul3A_1594 = arith.mulf %sub3A_1593, %sub3A_1593 : vector<16xf32>
        %add3A_1595 = arith.addf %mul3A_1585, %mul3A_1594 : vector<16xf32>
        %get3A_1596 = arith.constant 0 : i32
        %get3A_1597 = arith.constant 0 : i32
        %get3A_1598 = tpu.memref_slice %arg9[%rem3A_133, %get3A_1596, %get3A_1597] : memref<8x80x128xf32, #tpu.memory_space<vmem>> -> memref<1x80x128xf32, #tpu.memory_space<vmem>>
        %get3A_1599 = tpu.memref_squeeze %get3A_1598 : memref<1x80x128xf32, #tpu.memory_space<vmem>> -> memref<80x128xf32, #tpu.memory_space<vmem>>
        %get3A_1600 = arith.index_cast %add3A_1576 : i32 to index
        %get3A_1601 = arith.constant 32 : index
        %get3A_1602 = tpu.vector_load %get3A_1599[%get3A_1600, %get3A_1601] {strides = array<i32>} : memref<80x128xf32, #tpu.memory_space<vmem>>, vector<16xf32>,
        %sub3A_1603 = arith.subf %get3A_1602, %get3A_167 : vector<16xf32>
        %mul3A_1604 = arith.mulf %sub3A_1603, %sub3A_1603 : vector<16xf32>
        %add3A_1605 = arith.addf %add3A_1595, %mul3A_1604 : vector<16xf32>
        %get3A_1606 = arith.constant 0 : i32
        %get3A_1607 = arith.constant 0 : i32
        %get3A_1608 = tpu.memref_slice %arg9[%rem3A_133, %get3A_1606, %get3A_1607] : memref<8x80x128xf32, #tpu.memory_space<vmem>> -> memref<1x80x128xf32, #tpu.memory_space<vmem>>
        %get3A_1609 = tpu.memref_squeeze %get3A_1608 : memref<1x80x128xf32, #tpu.memory_space<vmem>> -> memref<80x128xf32, #tpu.memory_space<vmem>>
        %get3A_1610 = arith.index_cast %add3A_1576 : i32 to index
        %get3A_1611 = arith.constant 48 : index
        %get3A_1612 = tpu.vector_load %get3A_1609[%get3A_1610, %get3A_1611] {strides = array<i32>} : memref<80x128xf32, #tpu.memory_space<vmem>>, vector<16xf32>,
        %sub3A_1613 = arith.subf %get3A_1612, %get3A_170 : vector<16xf32>
        %mul3A_1614 = arith.mulf %sub3A_1613, %sub3A_1613 : vector<16xf32>
        %add3A_1615 = arith.addf %add3A_1605, %mul3A_1614 : vector<16xf32>
        %get3A_1616 = arith.constant 0 : i32
        %get3A_1617 = arith.constant 0 : i32
        %get3A_1618 = tpu.memref_slice %arg9[%rem3A_133, %get3A_1616, %get3A_1617] : memref<8x80x128xf32, #tpu.memory_space<vmem>> -> memref<1x80x128xf32, #tpu.memory_space<vmem>>
        %get3A_1619 = tpu.memref_squeeze %get3A_1618 : memref<1x80x128xf32, #tpu.memory_space<vmem>> -> memref<80x128xf32, #tpu.memory_space<vmem>>
        %get3A_1620 = arith.index_cast %add3A_1576 : i32 to index
        %get3A_1621 = arith.constant 64 : index
        %get3A_1622 = tpu.vector_load %get3A_1619[%get3A_1620, %get3A_1621] {strides = array<i32>} : memref<80x128xf32, #tpu.memory_space<vmem>>, vector<16xf32>,
        %sub3A_1623 = arith.subf %get3A_1622, %get3A_173 : vector<16xf32>
        %mul3A_1624 = arith.mulf %sub3A_1623, %sub3A_1623 : vector<16xf32>
        %add3A_1625 = arith.addf %add3A_1615, %mul3A_1624 : vector<16xf32>
        %get3A_1626 = arith.constant 0 : i32
        %get3A_1627 = arith.constant 0 : i32
        %get3A_1628 = tpu.memref_slice %arg9[%rem3A_133, %get3A_1626, %get3A_1627] : memref<8x80x128xf32, #tpu.memory_space<vmem>> -> memref<1x80x128xf32, #tpu.memory_space<vmem>>
        %get3A_1629 = tpu.memref_squeeze %get3A_1628 : memref<1x80x128xf32, #tpu.memory_space<vmem>> -> memref<80x128xf32, #tpu.memory_space<vmem>>
        %get3A_1630 = arith.index_cast %add3A_1576 : i32 to index
        %get3A_1631 = arith.constant 80 : index
        %get3A_1632 = tpu.vector_load %get3A_1629[%get3A_1630, %get3A_1631] {strides = array<i32>} : memref<80x128xf32, #tpu.memory_space<vmem>>, vector<16xf32>,
        %sub3A_1633 = arith.subf %get3A_1632, %get3A_176 : vector<16xf32>
        %mul3A_1634 = arith.mulf %sub3A_1633, %sub3A_1633 : vector<16xf32>
        %add3A_1635 = arith.addf %add3A_1625, %mul3A_1634 : vector<16xf32>
        %get3A_1636 = arith.constant 0 : i32
        %get3A_1637 = arith.constant 0 : i32
        %get3A_1638 = tpu.memref_slice %arg9[%rem3A_133, %get3A_1636, %get3A_1637] : memref<8x80x128xf32, #tpu.memory_space<vmem>> -> memref<1x80x128xf32, #tpu.memory_space<vmem>>
        %get3A_1639 = tpu.memref_squeeze %get3A_1638 : memref<1x80x128xf32, #tpu.memory_space<vmem>> -> memref<80x128xf32, #tpu.memory_space<vmem>>
        %get3A_1640 = arith.index_cast %add3A_1576 : i32 to index
        %get3A_1641 = arith.constant 96 : index
        %get3A_1642 = tpu.vector_load %get3A_1639[%get3A_1640, %get3A_1641] {strides = array<i32>} : memref<80x128xf32, #tpu.memory_space<vmem>>, vector<16xf32>,
        %sub3A_1643 = arith.subf %get3A_1642, %get3A_179 : vector<16xf32>
        %mul3A_1644 = arith.mulf %sub3A_1643, %sub3A_1643 : vector<16xf32>
        %add3A_1645 = arith.addf %add3A_1635, %mul3A_1644 : vector<16xf32>
        %get3A_1646 = arith.constant 0 : i32
        %get3A_1647 = arith.constant 0 : i32
        %get3A_1648 = tpu.memref_slice %arg9[%rem3A_133, %get3A_1646, %get3A_1647] : memref<8x80x128xf32, #tpu.memory_space<vmem>> -> memref<1x80x128xf32, #tpu.memory_space<vmem>>
        %get3A_1649 = tpu.memref_squeeze %get3A_1648 : memref<1x80x128xf32, #tpu.memory_space<vmem>> -> memref<80x128xf32, #tpu.memory_space<vmem>>
        %get3A_1650 = arith.index_cast %add3A_1576 : i32 to index
        %get3A_1651 = arith.constant 112 : index
        %get3A_1652 = tpu.vector_load %get3A_1649[%get3A_1650, %get3A_1651] {strides = array<i32>} : memref<80x128xf32, #tpu.memory_space<vmem>>, vector<16xf32>,
        %sub3A_1653 = arith.subf %get3A_1652, %get3A_182 : vector<16xf32>
        %mul3A_1654 = arith.mulf %sub3A_1653, %sub3A_1653 : vector<16xf32>
        %add3A_1655 = arith.addf %add3A_1645, %mul3A_1654 : vector<16xf32>
        %reduce_sum3A_1656 = arith.constant true
        %reduce_sum3A_1657 = vector.broadcast %reduce_sum3A_1656 : i1 to vector<16xi1>
        %reduce_sum3A_1658 = tpu.scan <sum>, %add3A_1655 masked %reduce_sum3A_1657 : vector<16xf32>, vector<16xi1> -> vector<16xf32>
        %reduce_sum3A_1659 = vector.extract %reduce_sum3A_1658[15] : f32 from vector<16xf32>
        %mul3A_1660 = arith.constant 20 : i32
        %mul3A_1661 = arith.muli %scan3A_156, %mul3A_1660 : i32
        %add3A_1662 = arith.constant 17 : i32
        %add3A_1663 = arith.addi %mul3A_1661, %add3A_1662 : i32
        %get3A_1664 = arith.constant 0 : i32
        %get3A_1665 = arith.constant 0 : i32
        %get3A_1666 = tpu.memref_slice %arg9[%rem3A_133, %get3A_1664, %get3A_1665] : memref<8x80x128xf32, #tpu.memory_space<vmem>> -> memref<1x80x128xf32, #tpu.memory_space<vmem>>
        %get3A_1667 = tpu.memref_squeeze %get3A_1666 : memref<1x80x128xf32, #tpu.memory_space<vmem>> -> memref<80x128xf32, #tpu.memory_space<vmem>>
        %get3A_1668 = arith.index_cast %add3A_1663 : i32 to index
        %get3A_1669 = arith.constant 0 : index
        %get3A_1670 = tpu.vector_load %get3A_1667[%get3A_1668, %get3A_1669] {strides = array<i32>} : memref<80x128xf32, #tpu.memory_space<vmem>>, vector<16xf32>,
        %sub3A_1671 = arith.subf %get3A_1670, %get3A_161 : vector<16xf32>
        %mul3A_1672 = arith.mulf %sub3A_1671, %sub3A_1671 : vector<16xf32>
        %get3A_1673 = arith.constant 0 : i32
        %get3A_1674 = arith.constant 0 : i32
        %get3A_1675 = tpu.memref_slice %arg9[%rem3A_133, %get3A_1673, %get3A_1674] : memref<8x80x128xf32, #tpu.memory_space<vmem>> -> memref<1x80x128xf32, #tpu.memory_space<vmem>>
        %get3A_1676 = tpu.memref_squeeze %get3A_1675 : memref<1x80x128xf32, #tpu.memory_space<vmem>> -> memref<80x128xf32, #tpu.memory_space<vmem>>
        %get3A_1677 = arith.index_cast %add3A_1663 : i32 to index
        %get3A_1678 = arith.constant 16 : index
        %get3A_1679 = tpu.vector_load %get3A_1676[%get3A_1677, %get3A_1678] {strides = array<i32>} : memref<80x128xf32, #tpu.memory_space<vmem>>, vector<16xf32>,
        %sub3A_1680 = arith.subf %get3A_1679, %get3A_164 : vector<16xf32>
        %mul3A_1681 = arith.mulf %sub3A_1680, %sub3A_1680 : vector<16xf32>
        %add3A_1682 = arith.addf %mul3A_1672, %mul3A_1681 : vector<16xf32>
        %get3A_1683 = arith.constant 0 : i32
        %get3A_1684 = arith.constant 0 : i32
        %get3A_1685 = tpu.memref_slice %arg9[%rem3A_133, %get3A_1683, %get3A_1684] : memref<8x80x128xf32, #tpu.memory_space<vmem>> -> memref<1x80x128xf32, #tpu.memory_space<vmem>>
        %get3A_1686 = tpu.memref_squeeze %get3A_1685 : memref<1x80x128xf32, #tpu.memory_space<vmem>> -> memref<80x128xf32, #tpu.memory_space<vmem>>
        %get3A_1687 = arith.index_cast %add3A_1663 : i32 to index
        %get3A_1688 = arith.constant 32 : index
        %get3A_1689 = tpu.vector_load %get3A_1686[%get3A_1687, %get3A_1688] {strides = array<i32>} : memref<80x128xf32, #tpu.memory_space<vmem>>, vector<16xf32>,
        %sub3A_1690 = arith.subf %get3A_1689, %get3A_167 : vector<16xf32>
        %mul3A_1691 = arith.mulf %sub3A_1690, %sub3A_1690 : vector<16xf32>
        %add3A_1692 = arith.addf %add3A_1682, %mul3A_1691 : vector<16xf32>
        %get3A_1693 = arith.constant 0 : i32
        %get3A_1694 = arith.constant 0 : i32
        %get3A_1695 = tpu.memref_slice %arg9[%rem3A_133, %get3A_1693, %get3A_1694] : memref<8x80x128xf32, #tpu.memory_space<vmem>> -> memref<1x80x128xf32, #tpu.memory_space<vmem>>
        %get3A_1696 = tpu.memref_squeeze %get3A_1695 : memref<1x80x128xf32, #tpu.memory_space<vmem>> -> memref<80x128xf32, #tpu.memory_space<vmem>>
        %get3A_1697 = arith.index_cast %add3A_1663 : i32 to index
        %get3A_1698 = arith.constant 48 : index
        %get3A_1699 = tpu.vector_load %get3A_1696[%get3A_1697, %get3A_1698] {strides = array<i32>} : memref<80x128xf32, #tpu.memory_space<vmem>>, vector<16xf32>,
        %sub3A_1700 = arith.subf %get3A_1699, %get3A_170 : vector<16xf32>
        %mul3A_1701 = arith.mulf %sub3A_1700, %sub3A_1700 : vector<16xf32>
        %add3A_1702 = arith.addf %add3A_1692, %mul3A_1701 : vector<16xf32>
        %get3A_1703 = arith.constant 0 : i32
        %get3A_1704 = arith.constant 0 : i32
        %get3A_1705 = tpu.memref_slice %arg9[%rem3A_133, %get3A_1703, %get3A_1704] : memref<8x80x128xf32, #tpu.memory_space<vmem>> -> memref<1x80x128xf32, #tpu.memory_space<vmem>>
        %get3A_1706 = tpu.memref_squeeze %get3A_1705 : memref<1x80x128xf32, #tpu.memory_space<vmem>> -> memref<80x128xf32, #tpu.memory_space<vmem>>
        %get3A_1707 = arith.index_cast %add3A_1663 : i32 to index
        %get3A_1708 = arith.constant 64 : index
        %get3A_1709 = tpu.vector_load %get3A_1706[%get3A_1707, %get3A_1708] {strides = array<i32>} : memref<80x128xf32, #tpu.memory_space<vmem>>, vector<16xf32>,
        %sub3A_1710 = arith.subf %get3A_1709, %get3A_173 : vector<16xf32>
        %mul3A_1711 = arith.mulf %sub3A_1710, %sub3A_1710 : vector<16xf32>
        %add3A_1712 = arith.addf %add3A_1702, %mul3A_1711 : vector<16xf32>
        %get3A_1713 = arith.constant 0 : i32
        %get3A_1714 = arith.constant 0 : i32
        %get3A_1715 = tpu.memref_slice %arg9[%rem3A_133, %get3A_1713, %get3A_1714] : memref<8x80x128xf32, #tpu.memory_space<vmem>> -> memref<1x80x128xf32, #tpu.memory_space<vmem>>
        %get3A_1716 = tpu.memref_squeeze %get3A_1715 : memref<1x80x128xf32, #tpu.memory_space<vmem>> -> memref<80x128xf32, #tpu.memory_space<vmem>>
        %get3A_1717 = arith.index_cast %add3A_1663 : i32 to index
        %get3A_1718 = arith.constant 80 : index
        %get3A_1719 = tpu.vector_load %get3A_1716[%get3A_1717, %get3A_1718] {strides = array<i32>} : memref<80x128xf32, #tpu.memory_space<vmem>>, vector<16xf32>,
        %sub3A_1720 = arith.subf %get3A_1719, %get3A_176 : vector<16xf32>
        %mul3A_1721 = arith.mulf %sub3A_1720, %sub3A_1720 : vector<16xf32>
        %add3A_1722 = arith.addf %add3A_1712, %mul3A_1721 : vector<16xf32>
        %get3A_1723 = arith.constant 0 : i32
        %get3A_1724 = arith.constant 0 : i32
        %get3A_1725 = tpu.memref_slice %arg9[%rem3A_133, %get3A_1723, %get3A_1724] : memref<8x80x128xf32, #tpu.memory_space<vmem>> -> memref<1x80x128xf32, #tpu.memory_space<vmem>>
        %get3A_1726 = tpu.memref_squeeze %get3A_1725 : memref<1x80x128xf32, #tpu.memory_space<vmem>> -> memref<80x128xf32, #tpu.memory_space<vmem>>
        %get3A_1727 = arith.index_cast %add3A_1663 : i32 to index
        %get3A_1728 = arith.constant 96 : index
        %get3A_1729 = tpu.vector_load %get3A_1726[%get3A_1727, %get3A_1728] {strides = array<i32>} : memref<80x128xf32, #tpu.memory_space<vmem>>, vector<16xf32>,
        %sub3A_1730 = arith.subf %get3A_1729, %get3A_179 : vector<16xf32>
        %mul3A_1731 = arith.mulf %sub3A_1730, %sub3A_1730 : vector<16xf32>
        %add3A_1732 = arith.addf %add3A_1722, %mul3A_1731 : vector<16xf32>
        %get3A_1733 = arith.constant 0 : i32
        %get3A_1734 = arith.constant 0 : i32
        %get3A_1735 = tpu.memref_slice %arg9[%rem3A_133, %get3A_1733, %get3A_1734] : memref<8x80x128xf32, #tpu.memory_space<vmem>> -> memref<1x80x128xf32, #tpu.memory_space<vmem>>
        %get3A_1736 = tpu.memref_squeeze %get3A_1735 : memref<1x80x128xf32, #tpu.memory_space<vmem>> -> memref<80x128xf32, #tpu.memory_space<vmem>>
        %get3A_1737 = arith.index_cast %add3A_1663 : i32 to index
        %get3A_1738 = arith.constant 112 : index
        %get3A_1739 = tpu.vector_load %get3A_1736[%get3A_1737, %get3A_1738] {strides = array<i32>} : memref<80x128xf32, #tpu.memory_space<vmem>>, vector<16xf32>,
        %sub3A_1740 = arith.subf %get3A_1739, %get3A_182 : vector<16xf32>
        %mul3A_1741 = arith.mulf %sub3A_1740, %sub3A_1740 : vector<16xf32>
        %add3A_1742 = arith.addf %add3A_1732, %mul3A_1741 : vector<16xf32>
        %reduce_sum3A_1743 = arith.constant true
        %reduce_sum3A_1744 = vector.broadcast %reduce_sum3A_1743 : i1 to vector<16xi1>
        %reduce_sum3A_1745 = tpu.scan <sum>, %add3A_1742 masked %reduce_sum3A_1744 : vector<16xf32>, vector<16xi1> -> vector<16xf32>
        %reduce_sum3A_1746 = vector.extract %reduce_sum3A_1745[15] : f32 from vector<16xf32>
        %mul3A_1747 = arith.constant 20 : i32
        %mul3A_1748 = arith.muli %scan3A_156, %mul3A_1747 : i32
        %add3A_1749 = arith.constant 18 : i32
        %add3A_1750 = arith.addi %mul3A_1748, %add3A_1749 : i32
        %get3A_1751 = arith.constant 0 : i32
        %get3A_1752 = arith.constant 0 : i32
        %get3A_1753 = tpu.memref_slice %arg9[%rem3A_133, %get3A_1751, %get3A_1752] : memref<8x80x128xf32, #tpu.memory_space<vmem>> -> memref<1x80x128xf32, #tpu.memory_space<vmem>>
        %get3A_1754 = tpu.memref_squeeze %get3A_1753 : memref<1x80x128xf32, #tpu.memory_space<vmem>> -> memref<80x128xf32, #tpu.memory_space<vmem>>
        %get3A_1755 = arith.index_cast %add3A_1750 : i32 to index
        %get3A_1756 = arith.constant 0 : index
        %get3A_1757 = tpu.vector_load %get3A_1754[%get3A_1755, %get3A_1756] {strides = array<i32>} : memref<80x128xf32, #tpu.memory_space<vmem>>, vector<16xf32>,
        %sub3A_1758 = arith.subf %get3A_1757, %get3A_161 : vector<16xf32>
        %mul3A_1759 = arith.mulf %sub3A_1758, %sub3A_1758 : vector<16xf32>
        %get3A_1760 = arith.constant 0 : i32
        %get3A_1761 = arith.constant 0 : i32
        %get3A_1762 = tpu.memref_slice %arg9[%rem3A_133, %get3A_1760, %get3A_1761] : memref<8x80x128xf32, #tpu.memory_space<vmem>> -> memref<1x80x128xf32, #tpu.memory_space<vmem>>
        %get3A_1763 = tpu.memref_squeeze %get3A_1762 : memref<1x80x128xf32, #tpu.memory_space<vmem>> -> memref<80x128xf32, #tpu.memory_space<vmem>>
        %get3A_1764 = arith.index_cast %add3A_1750 : i32 to index
        %get3A_1765 = arith.constant 16 : index
        %get3A_1766 = tpu.vector_load %get3A_1763[%get3A_1764, %get3A_1765] {strides = array<i32>} : memref<80x128xf32, #tpu.memory_space<vmem>>, vector<16xf32>,
        %sub3A_1767 = arith.subf %get3A_1766, %get3A_164 : vector<16xf32>
        %mul3A_1768 = arith.mulf %sub3A_1767, %sub3A_1767 : vector<16xf32>
        %add3A_1769 = arith.addf %mul3A_1759, %mul3A_1768 : vector<16xf32>
        %get3A_1770 = arith.constant 0 : i32
        %get3A_1771 = arith.constant 0 : i32
        %get3A_1772 = tpu.memref_slice %arg9[%rem3A_133, %get3A_1770, %get3A_1771] : memref<8x80x128xf32, #tpu.memory_space<vmem>> -> memref<1x80x128xf32, #tpu.memory_space<vmem>>
        %get3A_1773 = tpu.memref_squeeze %get3A_1772 : memref<1x80x128xf32, #tpu.memory_space<vmem>> -> memref<80x128xf32, #tpu.memory_space<vmem>>
        %get3A_1774 = arith.index_cast %add3A_1750 : i32 to index
        %get3A_1775 = arith.constant 32 : index
        %get3A_1776 = tpu.vector_load %get3A_1773[%get3A_1774, %get3A_1775] {strides = array<i32>} : memref<80x128xf32, #tpu.memory_space<vmem>>, vector<16xf32>,
        %sub3A_1777 = arith.subf %get3A_1776, %get3A_167 : vector<16xf32>
        %mul3A_1778 = arith.mulf %sub3A_1777, %sub3A_1777 : vector<16xf32>
        %add3A_1779 = arith.addf %add3A_1769, %mul3A_1778 : vector<16xf32>
        %get3A_1780 = arith.constant 0 : i32
        %get3A_1781 = arith.constant 0 : i32
        %get3A_1782 = tpu.memref_slice %arg9[%rem3A_133, %get3A_1780, %get3A_1781] : memref<8x80x128xf32, #tpu.memory_space<vmem>> -> memref<1x80x128xf32, #tpu.memory_space<vmem>>
        %get3A_1783 = tpu.memref_squeeze %get3A_1782 : memref<1x80x128xf32, #tpu.memory_space<vmem>> -> memref<80x128xf32, #tpu.memory_space<vmem>>
        %get3A_1784 = arith.index_cast %add3A_1750 : i32 to index
        %get3A_1785 = arith.constant 48 : index
        %get3A_1786 = tpu.vector_load %get3A_1783[%get3A_1784, %get3A_1785] {strides = array<i32>} : memref<80x128xf32, #tpu.memory_space<vmem>>, vector<16xf32>,
        %sub3A_1787 = arith.subf %get3A_1786, %get3A_170 : vector<16xf32>
        %mul3A_1788 = arith.mulf %sub3A_1787, %sub3A_1787 : vector<16xf32>
        %add3A_1789 = arith.addf %add3A_1779, %mul3A_1788 : vector<16xf32>
        %get3A_1790 = arith.constant 0 : i32
        %get3A_1791 = arith.constant 0 : i32
        %get3A_1792 = tpu.memref_slice %arg9[%rem3A_133, %get3A_1790, %get3A_1791] : memref<8x80x128xf32, #tpu.memory_space<vmem>> -> memref<1x80x128xf32, #tpu.memory_space<vmem>>
        %get3A_1793 = tpu.memref_squeeze %get3A_1792 : memref<1x80x128xf32, #tpu.memory_space<vmem>> -> memref<80x128xf32, #tpu.memory_space<vmem>>
        %get3A_1794 = arith.index_cast %add3A_1750 : i32 to index
        %get3A_1795 = arith.constant 64 : index
        %get3A_1796 = tpu.vector_load %get3A_1793[%get3A_1794, %get3A_1795] {strides = array<i32>} : memref<80x128xf32, #tpu.memory_space<vmem>>, vector<16xf32>,
        %sub3A_1797 = arith.subf %get3A_1796, %get3A_173 : vector<16xf32>
        %mul3A_1798 = arith.mulf %sub3A_1797, %sub3A_1797 : vector<16xf32>
        %add3A_1799 = arith.addf %add3A_1789, %mul3A_1798 : vector<16xf32>
        %get3A_1800 = arith.constant 0 : i32
        %get3A_1801 = arith.constant 0 : i32
        %get3A_1802 = tpu.memref_slice %arg9[%rem3A_133, %get3A_1800, %get3A_1801] : memref<8x80x128xf32, #tpu.memory_space<vmem>> -> memref<1x80x128xf32, #tpu.memory_space<vmem>>
        %get3A_1803 = tpu.memref_squeeze %get3A_1802 : memref<1x80x128xf32, #tpu.memory_space<vmem>> -> memref<80x128xf32, #tpu.memory_space<vmem>>
        %get3A_1804 = arith.index_cast %add3A_1750 : i32 to index
        %get3A_1805 = arith.constant 80 : index
        %get3A_1806 = tpu.vector_load %get3A_1803[%get3A_1804, %get3A_1805] {strides = array<i32>} : memref<80x128xf32, #tpu.memory_space<vmem>>, vector<16xf32>,
        %sub3A_1807 = arith.subf %get3A_1806, %get3A_176 : vector<16xf32>
        %mul3A_1808 = arith.mulf %sub3A_1807, %sub3A_1807 : vector<16xf32>
        %add3A_1809 = arith.addf %add3A_1799, %mul3A_1808 : vector<16xf32>
        %get3A_1810 = arith.constant 0 : i32
        %get3A_1811 = arith.constant 0 : i32
        %get3A_1812 = tpu.memref_slice %arg9[%rem3A_133, %get3A_1810, %get3A_1811] : memref<8x80x128xf32, #tpu.memory_space<vmem>> -> memref<1x80x128xf32, #tpu.memory_space<vmem>>
        %get3A_1813 = tpu.memref_squeeze %get3A_1812 : memref<1x80x128xf32, #tpu.memory_space<vmem>> -> memref<80x128xf32, #tpu.memory_space<vmem>>
        %get3A_1814 = arith.index_cast %add3A_1750 : i32 to index
        %get3A_1815 = arith.constant 96 : index
        %get3A_1816 = tpu.vector_load %get3A_1813[%get3A_1814, %get3A_1815] {strides = array<i32>} : memref<80x128xf32, #tpu.memory_space<vmem>>, vector<16xf32>,
        %sub3A_1817 = arith.subf %get3A_1816, %get3A_179 : vector<16xf32>
        %mul3A_1818 = arith.mulf %sub3A_1817, %sub3A_1817 : vector<16xf32>
        %add3A_1819 = arith.addf %add3A_1809, %mul3A_1818 : vector<16xf32>
        %get3A_1820 = arith.constant 0 : i32
        %get3A_1821 = arith.constant 0 : i32
        %get3A_1822 = tpu.memref_slice %arg9[%rem3A_133, %get3A_1820, %get3A_1821] : memref<8x80x128xf32, #tpu.memory_space<vmem>> -> memref<1x80x128xf32, #tpu.memory_space<vmem>>
        %get3A_1823 = tpu.memref_squeeze %get3A_1822 : memref<1x80x128xf32, #tpu.memory_space<vmem>> -> memref<80x128xf32, #tpu.memory_space<vmem>>
        %get3A_1824 = arith.index_cast %add3A_1750 : i32 to index
        %get3A_1825 = arith.constant 112 : index
        %get3A_1826 = tpu.vector_load %get3A_1823[%get3A_1824, %get3A_1825] {strides = array<i32>} : memref<80x128xf32, #tpu.memory_space<vmem>>, vector<16xf32>,
        %sub3A_1827 = arith.subf %get3A_1826, %get3A_182 : vector<16xf32>
        %mul3A_1828 = arith.mulf %sub3A_1827, %sub3A_1827 : vector<16xf32>
        %add3A_1829 = arith.addf %add3A_1819, %mul3A_1828 : vector<16xf32>
        %reduce_sum3A_1830 = arith.constant true
        %reduce_sum3A_1831 = vector.broadcast %reduce_sum3A_1830 : i1 to vector<16xi1>
        %reduce_sum3A_1832 = tpu.scan <sum>, %add3A_1829 masked %reduce_sum3A_1831 : vector<16xf32>, vector<16xi1> -> vector<16xf32>
        %reduce_sum3A_1833 = vector.extract %reduce_sum3A_1832[15] : f32 from vector<16xf32>
        %mul3A_1834 = arith.constant 20 : i32
        %mul3A_1835 = arith.muli %scan3A_156, %mul3A_1834 : i32
        %add3A_1836 = arith.constant 19 : i32
        %add3A_1837 = arith.addi %mul3A_1835, %add3A_1836 : i32
        %get3A_1838 = arith.constant 0 : i32
        %get3A_1839 = arith.constant 0 : i32
        %get3A_1840 = tpu.memref_slice %arg9[%rem3A_133, %get3A_1838, %get3A_1839] : memref<8x80x128xf32, #tpu.memory_space<vmem>> -> memref<1x80x128xf32, #tpu.memory_space<vmem>>
        %get3A_1841 = tpu.memref_squeeze %get3A_1840 : memref<1x80x128xf32, #tpu.memory_space<vmem>> -> memref<80x128xf32, #tpu.memory_space<vmem>>
        %get3A_1842 = arith.index_cast %add3A_1837 : i32 to index
        %get3A_1843 = arith.constant 0 : index
        %get3A_1844 = tpu.vector_load %get3A_1841[%get3A_1842, %get3A_1843] {strides = array<i32>} : memref<80x128xf32, #tpu.memory_space<vmem>>, vector<16xf32>,
        %sub3A_1845 = arith.subf %get3A_1844, %get3A_161 : vector<16xf32>
        %mul3A_1846 = arith.mulf %sub3A_1845, %sub3A_1845 : vector<16xf32>
        %get3A_1847 = arith.constant 0 : i32
        %get3A_1848 = arith.constant 0 : i32
        %get3A_1849 = tpu.memref_slice %arg9[%rem3A_133, %get3A_1847, %get3A_1848] : memref<8x80x128xf32, #tpu.memory_space<vmem>> -> memref<1x80x128xf32, #tpu.memory_space<vmem>>
        %get3A_1850 = tpu.memref_squeeze %get3A_1849 : memref<1x80x128xf32, #tpu.memory_space<vmem>> -> memref<80x128xf32, #tpu.memory_space<vmem>>
        %get3A_1851 = arith.index_cast %add3A_1837 : i32 to index
        %get3A_1852 = arith.constant 16 : index
        %get3A_1853 = tpu.vector_load %get3A_1850[%get3A_1851, %get3A_1852] {strides = array<i32>} : memref<80x128xf32, #tpu.memory_space<vmem>>, vector<16xf32>,
        %sub3A_1854 = arith.subf %get3A_1853, %get3A_164 : vector<16xf32>
        %mul3A_1855 = arith.mulf %sub3A_1854, %sub3A_1854 : vector<16xf32>
        %add3A_1856 = arith.addf %mul3A_1846, %mul3A_1855 : vector<16xf32>
        %get3A_1857 = arith.constant 0 : i32
        %get3A_1858 = arith.constant 0 : i32
        %get3A_1859 = tpu.memref_slice %arg9[%rem3A_133, %get3A_1857, %get3A_1858] : memref<8x80x128xf32, #tpu.memory_space<vmem>> -> memref<1x80x128xf32, #tpu.memory_space<vmem>>
        %get3A_1860 = tpu.memref_squeeze %get3A_1859 : memref<1x80x128xf32, #tpu.memory_space<vmem>> -> memref<80x128xf32, #tpu.memory_space<vmem>>
        %get3A_1861 = arith.index_cast %add3A_1837 : i32 to index
        %get3A_1862 = arith.constant 32 : index
        %get3A_1863 = tpu.vector_load %get3A_1860[%get3A_1861, %get3A_1862] {strides = array<i32>} : memref<80x128xf32, #tpu.memory_space<vmem>>, vector<16xf32>,
        %sub3A_1864 = arith.subf %get3A_1863, %get3A_167 : vector<16xf32>
        %mul3A_1865 = arith.mulf %sub3A_1864, %sub3A_1864 : vector<16xf32>
        %add3A_1866 = arith.addf %add3A_1856, %mul3A_1865 : vector<16xf32>
        %get3A_1867 = arith.constant 0 : i32
        %get3A_1868 = arith.constant 0 : i32
        %get3A_1869 = tpu.memref_slice %arg9[%rem3A_133, %get3A_1867, %get3A_1868] : memref<8x80x128xf32, #tpu.memory_space<vmem>> -> memref<1x80x128xf32, #tpu.memory_space<vmem>>
        %get3A_1870 = tpu.memref_squeeze %get3A_1869 : memref<1x80x128xf32, #tpu.memory_space<vmem>> -> memref<80x128xf32, #tpu.memory_space<vmem>>
        %get3A_1871 = arith.index_cast %add3A_1837 : i32 to index
        %get3A_1872 = arith.constant 48 : index
        %get3A_1873 = tpu.vector_load %get3A_1870[%get3A_1871, %get3A_1872] {strides = array<i32>} : memref<80x128xf32, #tpu.memory_space<vmem>>, vector<16xf32>,
        %sub3A_1874 = arith.subf %get3A_1873, %get3A_170 : vector<16xf32>
        %mul3A_1875 = arith.mulf %sub3A_1874, %sub3A_1874 : vector<16xf32>
        %add3A_1876 = arith.addf %add3A_1866, %mul3A_1875 : vector<16xf32>
        %get3A_1877 = arith.constant 0 : i32
        %get3A_1878 = arith.constant 0 : i32
        %get3A_1879 = tpu.memref_slice %arg9[%rem3A_133, %get3A_1877, %get3A_1878] : memref<8x80x128xf32, #tpu.memory_space<vmem>> -> memref<1x80x128xf32, #tpu.memory_space<vmem>>
        %get3A_1880 = tpu.memref_squeeze %get3A_1879 : memref<1x80x128xf32, #tpu.memory_space<vmem>> -> memref<80x128xf32, #tpu.memory_space<vmem>>
        %get3A_1881 = arith.index_cast %add3A_1837 : i32 to index
        %get3A_1882 = arith.constant 64 : index
        %get3A_1883 = tpu.vector_load %get3A_1880[%get3A_1881, %get3A_1882] {strides = array<i32>} : memref<80x128xf32, #tpu.memory_space<vmem>>, vector<16xf32>,
        %sub3A_1884 = arith.subf %get3A_1883, %get3A_173 : vector<16xf32>
        %mul3A_1885 = arith.mulf %sub3A_1884, %sub3A_1884 : vector<16xf32>
        %add3A_1886 = arith.addf %add3A_1876, %mul3A_1885 : vector<16xf32>
        %get3A_1887 = arith.constant 0 : i32
        %get3A_1888 = arith.constant 0 : i32
        %get3A_1889 = tpu.memref_slice %arg9[%rem3A_133, %get3A_1887, %get3A_1888] : memref<8x80x128xf32, #tpu.memory_space<vmem>> -> memref<1x80x128xf32, #tpu.memory_space<vmem>>
        %get3A_1890 = tpu.memref_squeeze %get3A_1889 : memref<1x80x128xf32, #tpu.memory_space<vmem>> -> memref<80x128xf32, #tpu.memory_space<vmem>>
        %get3A_1891 = arith.index_cast %add3A_1837 : i32 to index
        %get3A_1892 = arith.constant 80 : index
        %get3A_1893 = tpu.vector_load %get3A_1890[%get3A_1891, %get3A_1892] {strides = array<i32>} : memref<80x128xf32, #tpu.memory_space<vmem>>, vector<16xf32>,
        %sub3A_1894 = arith.subf %get3A_1893, %get3A_176 : vector<16xf32>
        %mul3A_1895 = arith.mulf %sub3A_1894, %sub3A_1894 : vector<16xf32>
        %add3A_1896 = arith.addf %add3A_1886, %mul3A_1895 : vector<16xf32>
        %get3A_1897 = arith.constant 0 : i32
        %get3A_1898 = arith.constant 0 : i32
        %get3A_1899 = tpu.memref_slice %arg9[%rem3A_133, %get3A_1897, %get3A_1898] : memref<8x80x128xf32, #tpu.memory_space<vmem>> -> memref<1x80x128xf32, #tpu.memory_space<vmem>>
        %get3A_1900 = tpu.memref_squeeze %get3A_1899 : memref<1x80x128xf32, #tpu.memory_space<vmem>> -> memref<80x128xf32, #tpu.memory_space<vmem>>
        %get3A_1901 = arith.index_cast %add3A_1837 : i32 to index
        %get3A_1902 = arith.constant 96 : index
        %get3A_1903 = tpu.vector_load %get3A_1900[%get3A_1901, %get3A_1902] {strides = array<i32>} : memref<80x128xf32, #tpu.memory_space<vmem>>, vector<16xf32>,
        %sub3A_1904 = arith.subf %get3A_1903, %get3A_179 : vector<16xf32>
        %mul3A_1905 = arith.mulf %sub3A_1904, %sub3A_1904 : vector<16xf32>
        %add3A_1906 = arith.addf %add3A_1896, %mul3A_1905 : vector<16xf32>
        %get3A_1907 = arith.constant 0 : i32
        %get3A_1908 = arith.constant 0 : i32
        %get3A_1909 = tpu.memref_slice %arg9[%rem3A_133, %get3A_1907, %get3A_1908] : memref<8x80x128xf32, #tpu.memory_space<vmem>> -> memref<1x80x128xf32, #tpu.memory_space<vmem>>
        %get3A_1910 = tpu.memref_squeeze %get3A_1909 : memref<1x80x128xf32, #tpu.memory_space<vmem>> -> memref<80x128xf32, #tpu.memory_space<vmem>>
        %get3A_1911 = arith.index_cast %add3A_1837 : i32 to index
        %get3A_1912 = arith.constant 112 : index
        %get3A_1913 = tpu.vector_load %get3A_1910[%get3A_1911, %get3A_1912] {strides = array<i32>} : memref<80x128xf32, #tpu.memory_space<vmem>>, vector<16xf32>,
        %sub3A_1914 = arith.subf %get3A_1913, %get3A_182 : vector<16xf32>
        %mul3A_1915 = arith.mulf %sub3A_1914, %sub3A_1914 : vector<16xf32>
        %add3A_1916 = arith.addf %add3A_1906, %mul3A_1915 : vector<16xf32>
        %reduce_sum3A_1917 = arith.constant true
        %reduce_sum3A_1918 = vector.broadcast %reduce_sum3A_1917 : i1 to vector<16xi1>
        %reduce_sum3A_1919 = tpu.scan <sum>, %add3A_1916 masked %reduce_sum3A_1918 : vector<16xf32>, vector<16xi1> -> vector<16xf32>
        %reduce_sum3A_1920 = vector.extract %reduce_sum3A_1919[15] : f32 from vector<16xf32>
        %min3A = arith.minimumf %reduce_sum3A_267, %reduce_sum3A_354 : f32
        %min3A_1921 = arith.minimumf %reduce_sum3A_441, %reduce_sum3A_528 : f32
        %min3A_1922 = arith.minimumf %reduce_sum3A_615, %reduce_sum3A_702 : f32
        %min3A_1923 = arith.minimumf %reduce_sum3A_789, %reduce_sum3A_876 : f32
        %min3A_1924 = arith.minimumf %reduce_sum3A_963, %reduce_sum3A_1050 : f32
        %min3A_1925 = arith.minimumf %reduce_sum3A_1137, %reduce_sum3A_1224 : f32
        %min3A_1926 = arith.minimumf %reduce_sum3A_1311, %reduce_sum3A_1398 : f32
        %min3A_1927 = arith.minimumf %reduce_sum3A_1485, %reduce_sum3A_1572 : f32
        %min3A_1928 = arith.minimumf %reduce_sum3A_1659, %reduce_sum3A_1746 : f32
        %min3A_1929 = arith.minimumf %reduce_sum3A_1833, %reduce_sum3A_1920 : f32
        %min3A_1930 = arith.minimumf %min3A, %min3A_1921 : f32
        %min3A_1931 = arith.minimumf %min3A_1922, %min3A_1923 : f32
        %min3A_1932 = arith.minimumf %min3A_1924, %min3A_1925 : f32
        %min3A_1933 = arith.minimumf %min3A_1926, %min3A_1927 : f32
        %min3A_1934 = arith.minimumf %min3A_1928, %min3A_1929 : f32
        %min3A_1935 = arith.minimumf %min3A_1930, %min3A_1931 : f32
        %min3A_1936 = arith.minimumf %min3A_1932, %min3A_1933 : f32
        %min3A_1937 = arith.minimumf %min3A_1935, %min3A_1936 : f32
        %min3A_1938 = arith.minimumf %min3A_1937, %min3A_1934 : f32
        %iota3A = tpu.iota {dimensions = array<i32: 0>} : vector<16xi32>
        %broadcast_in_dim3A = vector.broadcast %add3A_159 : i32 to vector<16xi32>
        %broadcast_in_dim3A_1939 = vector.broadcast %min3A_1938 : f32 to vector<16xf32>
        %eq3A = arith.constant 0 : i32
        %eq3A_1940 = vector.broadcast %eq3A : i32 to vector<16xi32>
        %eq3A_1941 = arith.cmpi eq, %iota3A, %eq3A_1940 : vector<16xi32>
        tpu.vector_store_idx %arg10[%broadcast_in_dim3A], %broadcast_in_dim3A_1939 masked %eq3A_1941 : memref<128xf32, #tpu.memory_space<vmem>>[vector<16xi32>], vector<16xf32>, vector<16xi1>
      }
      %scan3A_151 = arith.constant 4 : i32
      %add3A_152 = arith.constant 8 : i32
      %add3A_153 = arith.addi %scan3A_132, %add3A_152 : i32
      %lt3A = arith.constant 32 : i32
      %lt3A_154 = arith.cmpi slt, %add3A_153, %lt3A : i32
      %convert_element_type3A = arith.extui %lt3A_154 : i1 to i32
      %cond3A = arith.constant 0 : i32
      %cond3A_155 = arith.cmpi ne, %convert_element_type3A, %cond3A : i32
      scf.if %cond3A_155 {
        %add3A_156 = arith.constant 8 : i32
        %add3A_157 = arith.addi %scan3A_132, %add3A_156 : i32
        %dma_start3A_158 = arith.constant 0 : i32
        %dma_start3A_159 = arith.constant 0 : i32
        %dma_start3A_160 = tpu.memref_slice %arg9[%rem3A_133, %dma_start3A_158, %dma_start3A_159] : memref<8x80x128xf32, #tpu.memory_space<vmem>> -> memref<1x80x128xf32, #tpu.memory_space<vmem>>
        %dma_start3A_161 = tpu.memref_squeeze %dma_start3A_160 : memref<1x80x128xf32, #tpu.memory_space<vmem>> -> memref<80x128xf32, #tpu.memory_space<vmem>>
        %dma_start3A_162 = arith.constant 0 : i32
        %dma_start3A_163 = tpu.memref_slice %arg6[%add3A_157, %dma_start3A_162] : memref<32x80xi32, #tpu.memory_space<vmem>> -> memref<1x80xi32, #tpu.memory_space<vmem>>
        %dma_start3A_164 = tpu.memref_squeeze %dma_start3A_163 : memref<1x80xi32, #tpu.memory_space<vmem>> -> memref<80xi32, #tpu.memory_space<vmem>>
        %dma_start3A_165 = arith.constant 0 : i32
        %dma_start3A_166 = arith.constant 0 : i32
        %dma_start3A_167 = tpu.memref_slice %arg2[%dma_start3A_165, %dma_start3A_166] : memref<100000x128xf32, #tpu.memory_space<hbm>> -> memref<100000x128xf32, #tpu.memory_space<hbm>>
        %dma_start3A_168 = tpu.memref_slice %arg12[%rem3A_133] : memref<8x!tpu.dma_semaphore, #tpu.memory_space<semaphore_mem>> -> memref<1x!tpu.dma_semaphore, #tpu.memory_space<semaphore_mem>>
        %dma_start3A_169 = tpu.memref_squeeze %dma_start3A_168 : memref<1x!tpu.dma_semaphore, #tpu.memory_space<semaphore_mem>> -> memref<!tpu.dma_semaphore, #tpu.memory_space<semaphore_mem>>
        tpu.enqueue_indirect_dma source(%dma_start3A_167 : memref<100000x128xf32, #tpu.memory_space<hbm>>) target(%dma_start3A_161 : memref<80x128xf32, #tpu.memory_space<vmem>>) offsets(%dma_start3A_164 : memref<80xi32, #tpu.memory_space<vmem>>) semaphore(%dma_start3A_169 : memref<!tpu.dma_semaphore, #tpu.memory_space<semaphore_mem>>)
      } else {
      }
    }
    %scan3A_129 = arith.constant 32 : i32
    %mul3A_130 = arith.constant 128 : i32
    %mul3A_131 = arith.muli %add3A, %mul3A_130 : i32
    "tpu.region"() ({
      %run_scoped3A = tpu.sem_alloc : memref<!tpu.dma_semaphore, #tpu.memory_space<semaphore_mem>>
      %dma_start3A_132 = tpu.memref_slice %arg5[%mul3A_131] : memref<4096xf32, #tpu.memory_space<hbm>> -> memref<128xf32, #tpu.memory_space<hbm>>
      %dma_start3A_133 = tpu.memref_slice %arg5[%mul3A_131] : memref<4096xf32, #tpu.memory_space<hbm>> -> memref<128xf32, #tpu.memory_space<hbm>>
      tpu.enqueue_dma source(%arg10 : memref<128xf32, #tpu.memory_space<vmem>>) target(%dma_start3A_133 : memref<128xf32, #tpu.memory_space<hbm>>) target_semaphore(%run_scoped3A : memref<!tpu.dma_semaphore, #tpu.memory_space<semaphore_mem>>)
      %dma_wait3A_134 = tpu.memref_slice %arg5[%mul3A_131] : memref<4096xf32, #tpu.memory_space<hbm>> -> memref<128xf32, #tpu.memory_space<hbm>>
      %dma_wait3A_135 = tpu.memref_slice %arg5[%mul3A_131] : memref<4096xf32, #tpu.memory_space<hbm>> -> memref<128xf32, #tpu.memory_space<hbm>>
      tpu.wait_dma2 semaphore(%run_scoped3A : memref<!tpu.dma_semaphore, #tpu.memory_space<semaphore_mem>>) src(%arg10 : memref<128xf32, #tpu.memory_space<vmem>>) dst(%dma_wait3A_135 : memref<128xf32, #tpu.memory_space<hbm>>)
      tpu.yield
    }) : () -> ()
    return
  }
}

module attributes {stable_mosaic.version = 14 : i64} {
  func.func @_tc_head_body(%arg0: memref<4096x128xf32, #tpu.memory_space<vmem>>, %arg1: memref<4096x128xf32, #tpu.memory_space<vmem>>, %arg2: memref<4096x128xf32, #tpu.memory_space<vmem>>, %arg3: memref<4096x128xf32, #tpu.memory_space<vmem>>, %arg4: memref<4096x128xf32, #tpu.memory_space<vmem>>, %arg5: memref<128x128xf32, #tpu.memory_space<vmem>>, %arg6: memref<128x128xf32, #tpu.memory_space<vmem>>, %arg7: memref<128x128xf32, #tpu.memory_space<vmem>>, %arg8: memref<128x128xf32, #tpu.memory_space<vmem>>, %arg9: memref<128x128xf32, #tpu.memory_space<vmem>>, %arg10: memref<128x128xf32, #tpu.memory_space<vmem>>, %arg11: memref<16x128xf32, #tpu.memory_space<vmem>>, %arg12: memref<1x16xf32, #tpu.memory_space<vmem>>, %arg13: memref<1x128xf32, #tpu.memory_space<vmem>>, %arg14: memref<1x128xf32, #tpu.memory_space<vmem>>, %arg15: memref<1x128xf32, #tpu.memory_space<vmem>>, %arg16: memref<1x128xf32, #tpu.memory_space<vmem>>, %arg17: memref<1x128xf32, #tpu.memory_space<vmem>>, %arg18: memref<1x16xf32, #tpu.memory_space<vmem>>, %arg19: memref<1x1xf32, #tpu.memory_space<vmem>>, %arg20: memref<1x128xf32, #tpu.memory_space<vmem>>, %arg21: memref<1x128xf32, #tpu.memory_space<vmem>>, %arg22: memref<1x128xf32, #tpu.memory_space<vmem>>, %arg23: memref<1x128xf32, #tpu.memory_space<vmem>>, %arg24: memref<1x128xf32, #tpu.memory_space<vmem>>, %arg25: memref<1x128xf32, #tpu.memory_space<vmem>>, %arg26: memref<1x16xf32, #tpu.memory_space<vmem>>, %arg27: memref<1x16xf32, #tpu.memory_space<vmem>>, %arg28: memref<4096x1xf32, #tpu.memory_space<vmem>>, %arg29: memref<4096x1xf32, #tpu.memory_space<vmem>>) attributes {dimension_semantics = [], scalar_prefetch = 0 : i64, scratch_operands = 0 : i64, tpu.core_type = #tpu.core_type<tc>} {
    %get3A = arith.constant 0 : index
    %get3A_0 = arith.constant 0 : index
    %get3A_1 = vector.load %arg0[%get3A, %get3A_0] : memref<4096x128xf32, #tpu.memory_space<vmem>>, vector<4096x128xf32>
    %get3A_2 = arith.constant 0 : index
    %get3A_3 = arith.constant 0 : index
    %get3A_4 = vector.load %arg1[%get3A_2, %get3A_3] : memref<4096x128xf32, #tpu.memory_space<vmem>>, vector<4096x128xf32>
    %get3A_5 = arith.constant 0 : index
    %get3A_6 = arith.constant 0 : index
    %get3A_7 = vector.load %arg2[%get3A_5, %get3A_6] : memref<4096x128xf32, #tpu.memory_space<vmem>>, vector<4096x128xf32>
    %get3A_8 = arith.constant 0 : index
    %get3A_9 = arith.constant 0 : index
    %get3A_10 = vector.load %arg3[%get3A_8, %get3A_9] : memref<4096x128xf32, #tpu.memory_space<vmem>>, vector<4096x128xf32>
    %sub3A = arith.subf %get3A_1, %get3A_4 : vector<4096x128xf32>
    %integer_pow3A = arith.mulf %sub3A, %sub3A : vector<4096x128xf32>
    %reduce_sum3A = arith.constant dense<0.000000e+00> : vector<4096xf32>
    %reduce_sum3A_11 = vector.multi_reduction <add>, %integer_pow3A, %reduce_sum3A [1] : vector<4096x128xf32> to vector<4096xf32>
    %broadcast_in_dim3A = vector.shape_cast %reduce_sum3A_11 : vector<4096xf32> to vector<4096x1xf32>
    %sqrt3A = math.sqrt %broadcast_in_dim3A : vector<4096x1xf32>
    %sub3A_12 = arith.subf %get3A_4, %get3A_7 : vector<4096x128xf32>
    %integer_pow3A_13 = arith.mulf %sub3A_12, %sub3A_12 : vector<4096x128xf32>
    %reduce_sum3A_14 = arith.constant dense<0.000000e+00> : vector<4096xf32>
    %reduce_sum3A_15 = vector.multi_reduction <add>, %integer_pow3A_13, %reduce_sum3A_14 [1] : vector<4096x128xf32> to vector<4096xf32>
    %broadcast_in_dim3A_16 = vector.shape_cast %reduce_sum3A_15 : vector<4096xf32> to vector<4096x1xf32>
    %sqrt3A_17 = math.sqrt %broadcast_in_dim3A_16 : vector<4096x1xf32>
    %add3A = arith.addf %sqrt3A, %sqrt3A_17 : vector<4096x1xf32>
    %sub3A_18 = arith.subf %get3A_7, %get3A_10 : vector<4096x128xf32>
    %integer_pow3A_19 = arith.mulf %sub3A_18, %sub3A_18 : vector<4096x128xf32>
    %reduce_sum3A_20 = arith.constant dense<0.000000e+00> : vector<4096xf32>
    %reduce_sum3A_21 = vector.multi_reduction <add>, %integer_pow3A_19, %reduce_sum3A_20 [1] : vector<4096x128xf32> to vector<4096xf32>
    %broadcast_in_dim3A_22 = vector.shape_cast %reduce_sum3A_21 : vector<4096xf32> to vector<4096x1xf32>
    %sqrt3A_23 = math.sqrt %broadcast_in_dim3A_22 : vector<4096x1xf32>
    %add3A_24 = arith.addf %add3A, %sqrt3A_23 : vector<4096x1xf32>
    %div3A = arith.constant 3.000000e+00 : f32
    %div3A_25 = vector.broadcast %div3A : f32 to vector<4096x1xf32>
    %div3A_26 = arith.divf %add3A_24, %div3A_25 : vector<4096x1xf32>
    %reduce_min3A = vector.shape_cast %div3A_26 : vector<4096x1xf32> to vector<1x4096x1xf32>
    %reduce_min3A_27 = arith.constant dense<0x7F800000> : vector<1xf32>
    %reduce_min3A_28 = vector.multi_reduction <minimumf>, %reduce_min3A, %reduce_min3A_27 [1, 2] : vector<1x4096x1xf32> to vector<1xf32>
    %reduce_min3A_29 = vector.shape_cast %reduce_min3A_28 : vector<1xf32> to vector<1x1x1xf32>
    %reduce_min3A_30 = vector.extract %reduce_min3A_29[0, 0, 0] : f32 from vector<1x1x1xf32>
    %reduce_max3A = vector.shape_cast %div3A_26 : vector<4096x1xf32> to vector<1x4096x1xf32>
    %reduce_max3A_31 = arith.constant dense<0xFF800000> : vector<1xf32>
    %reduce_max3A_32 = vector.multi_reduction <maximumf>, %reduce_max3A, %reduce_max3A_31 [1, 2] : vector<1x4096x1xf32> to vector<1xf32>
    %reduce_max3A_33 = vector.shape_cast %reduce_max3A_32 : vector<1xf32> to vector<1x1x1xf32>
    %reduce_max3A_34 = vector.extract %reduce_max3A_33[0, 0, 0] : f32 from vector<1x1x1xf32>
    %sub3A_35 = vector.broadcast %reduce_min3A_30 : f32 to vector<4096x1xf32>
    %sub3A_36 = arith.subf %div3A_26, %sub3A_35 : vector<4096x1xf32>
    %sub3A_37 = arith.subf %reduce_max3A_34, %reduce_min3A_30 : f32
    %div3A_38 = vector.broadcast %sub3A_37 : f32 to vector<4096x1xf32>
    %div3A_39 = arith.divf %sub3A_36, %div3A_38 : vector<4096x1xf32>
    %swap3A = arith.constant 0 : index
    %swap3A_40 = arith.constant 0 : index
    %swap3A_41 = vector.load %arg29[%swap3A, %swap3A_40] : memref<4096x1xf32, #tpu.memory_space<vmem>>, vector<4096x1xf32>
    tpu.vector_store %arg29[%swap3A, %swap3A_40], %div3A_39 {strides = array<i32>} : memref<4096x1xf32, #tpu.memory_space<vmem>>, vector<4096x1xf32>,
    %mul3A = arith.constant 0.0320586041 : f32
    %mul3A_42 = vector.broadcast %mul3A : f32 to vector<4096x128xf32>
    %mul3A_43 = arith.mulf %get3A_1, %mul3A_42 : vector<4096x128xf32>
    %mul3A_44 = arith.constant 0.0871443152 : f32
    %mul3A_45 = vector.broadcast %mul3A_44 : f32 to vector<4096x128xf32>
    %mul3A_46 = arith.mulf %get3A_4, %mul3A_45 : vector<4096x128xf32>
    %add3A_47 = arith.addf %mul3A_43, %mul3A_46 : vector<4096x128xf32>
    %mul3A_48 = arith.constant 0.236882821 : f32
    %mul3A_49 = vector.broadcast %mul3A_48 : f32 to vector<4096x128xf32>
    %mul3A_50 = arith.mulf %get3A_7, %mul3A_49 : vector<4096x128xf32>
    %add3A_51 = arith.addf %add3A_47, %mul3A_50 : vector<4096x128xf32>
    %mul3A_52 = arith.constant 0.643914282 : f32
    %mul3A_53 = vector.broadcast %mul3A_52 : f32 to vector<4096x128xf32>
    %mul3A_54 = arith.mulf %get3A_10, %mul3A_53 : vector<4096x128xf32>
    %add3A_55 = arith.addf %add3A_51, %mul3A_54 : vector<4096x128xf32>
    %get3A_56 = arith.constant 0 : index
    %get3A_57 = arith.constant 0 : index
    %get3A_58 = vector.load %arg5[%get3A_56, %get3A_57] : memref<128x128xf32, #tpu.memory_space<vmem>>, vector<128x128xf32>
    %dot_general3A = arith.constant dense<0.000000e+00> : vector<4096x128xf32>
    %dot_general3A_59 = tpu.matmul %add3A_55, %get3A_58, %dot_general3A {dimension_numbers = #tpu.dot_dimension_numbers<[1], [1], [0], [0], [0, 0, 1, 0], [], []>, transpose_lhs_hint = false} : vector<4096x128xf32>, vector<128x128xf32>, vector<4096x128xf32> -> vector<4096x128xf32>
    %get3A_60 = arith.constant 0 : index
    %get3A_61 = arith.constant 0 : index
    %get3A_62 = vector.load %arg13[%get3A_60, %get3A_61] : memref<1x128xf32, #tpu.memory_space<vmem>>, vector<1x128xf32>
    %add3A_63 = vector.broadcast %get3A_62 : vector<1x128xf32> to vector<4096x128xf32>
    %add3A_64 = arith.addf %dot_general3A_59, %add3A_63 : vector<4096x128xf32>
    %get3A_65 = arith.constant 0 : index
    %get3A_66 = arith.constant 0 : index
    %get3A_67 = vector.load %arg20[%get3A_65, %get3A_66] : memref<1x128xf32, #tpu.memory_space<vmem>>, vector<1x128xf32>
    %get3A_68 = arith.constant 0 : index
    %get3A_69 = arith.constant 0 : index
    %get3A_70 = vector.load %arg21[%get3A_68, %get3A_69] : memref<1x128xf32, #tpu.memory_space<vmem>>, vector<1x128xf32>
    %reduce_sum3A_71 = arith.constant dense<0.000000e+00> : vector<128xf32>
    %reduce_sum3A_72 = vector.multi_reduction <add>, %add3A_64, %reduce_sum3A_71 [0] : vector<4096x128xf32> to vector<128xf32>
    %div3A_73 = arith.constant 4.096000e+03 : f32
    %div3A_74 = vector.broadcast %div3A_73 : f32 to vector<128xf32>
    %div3A_75 = arith.divf %reduce_sum3A_72, %div3A_74 : vector<128xf32>
    %jit3A = arith.constant 0 : i32
    %reduce_sum3A_76 = arith.constant dense<0.000000e+00> : vector<128xf32>
    %reduce_sum3A_77 = vector.multi_reduction <add>, %add3A_64, %reduce_sum3A_76 [0] : vector<4096x128xf32> to vector<128xf32>
    %broadcast_in_dim3A_78 = vector.shape_cast %reduce_sum3A_77 : vector<128xf32> to vector<1x128xf32>
    %div3A_79 = arith.constant 4.096000e+03 : f32
    %div3A_80 = vector.broadcast %div3A_79 : f32 to vector<1x128xf32>
    %div3A_81 = arith.divf %broadcast_in_dim3A_78, %div3A_80 : vector<1x128xf32>
    %sub3A_82 = vector.broadcast %div3A_81 : vector<1x128xf32> to vector<4096x128xf32>
    %sub3A_83 = arith.subf %add3A_64, %sub3A_82 : vector<4096x128xf32>
    %square3A = arith.mulf %sub3A_83, %sub3A_83 : vector<4096x128xf32>
    %convert_element_type3A = arith.sitofp %jit3A : i32 to f32
    %sub3A_84 = arith.constant 4.096000e+03 : f32
    %sub3A_85 = arith.subf %sub3A_84, %convert_element_type3A : f32
    %reduce_sum3A_86 = arith.constant dense<0.000000e+00> : vector<128xf32>
    %reduce_sum3A_87 = vector.multi_reduction <add>, %square3A, %reduce_sum3A_86 [0] : vector<4096x128xf32> to vector<128xf32>
    %div3A_88 = vector.broadcast %sub3A_85 : f32 to vector<128xf32>
    %div3A_89 = arith.divf %reduce_sum3A_87, %div3A_88 : vector<128xf32>
    %gt3A = arith.constant 0.000000e+00 : f32
    %gt3A_90 = arith.cmpf ogt, %sub3A_85, %gt3A : f32
    %jit3A_91 = arith.constant 0x7FC00000 : f32
    %broadcast_in_dim3A_92 = vector.broadcast %jit3A_91 : f32 to vector<128xf32>
    %select_n3A = arith.select %gt3A_90, %div3A_89, %broadcast_in_dim3A_92 : vector<128xf32>
    %broadcast_in_dim3A_93 = vector.shape_cast %div3A_75 : vector<128xf32> to vector<1x128xf32>
    %sub3A_94 = vector.broadcast %broadcast_in_dim3A_93 : vector<1x128xf32> to vector<4096x128xf32>
    %sub3A_95 = arith.subf %add3A_64, %sub3A_94 : vector<4096x128xf32>
    %mul3A_96 = vector.broadcast %get3A_67 : vector<1x128xf32> to vector<4096x128xf32>
    %mul3A_97 = arith.mulf %mul3A_96, %sub3A_95 : vector<4096x128xf32>
    %add3A_98 = arith.constant 9.99999974E-6 : f32
    %add3A_99 = vector.broadcast %add3A_98 : f32 to vector<128xf32>
    %add3A_100 = arith.addf %select_n3A, %add3A_99 : vector<128xf32>
    %sqrt3A_101 = math.sqrt %add3A_100 : vector<128xf32>
    %broadcast_in_dim3A_102 = vector.shape_cast %sqrt3A_101 : vector<128xf32> to vector<1x128xf32>
    %div3A_103 = vector.broadcast %broadcast_in_dim3A_102 : vector<1x128xf32> to vector<4096x128xf32>
    %div3A_104 = arith.divf %mul3A_97, %div3A_103 : vector<4096x128xf32>
    %add3A_105 = vector.broadcast %get3A_70 : vector<1x128xf32> to vector<4096x128xf32>
    %add3A_106 = arith.addf %div3A_104, %add3A_105 : vector<4096x128xf32>
    %max3A = arith.constant 0.000000e+00 : f32
    %max3A_107 = vector.broadcast %max3A : f32 to vector<4096x128xf32>
    %max3A_108 = arith.maximumf %add3A_106, %max3A_107 : vector<4096x128xf32>
    %get3A_109 = arith.constant 0 : index
    %get3A_110 = arith.constant 0 : index
    %get3A_111 = vector.load %arg6[%get3A_109, %get3A_110] : memref<128x128xf32, #tpu.memory_space<vmem>>, vector<128x128xf32>
    %dot_general3A_112 = arith.constant dense<0.000000e+00> : vector<4096x128xf32>
    %dot_general3A_113 = tpu.matmul %max3A_108, %get3A_111, %dot_general3A_112 {dimension_numbers = #tpu.dot_dimension_numbers<[1], [1], [0], [0], [0, 0, 1, 0], [], []>, transpose_lhs_hint = false} : vector<4096x128xf32>, vector<128x128xf32>, vector<4096x128xf32> -> vector<4096x128xf32>
    %get3A_114 = arith.constant 0 : index
    %get3A_115 = arith.constant 0 : index
    %get3A_116 = vector.load %arg14[%get3A_114, %get3A_115] : memref<1x128xf32, #tpu.memory_space<vmem>>, vector<1x128xf32>
    %add3A_117 = vector.broadcast %get3A_116 : vector<1x128xf32> to vector<4096x128xf32>
    %add3A_118 = arith.addf %dot_general3A_113, %add3A_117 : vector<4096x128xf32>
    %get3A_119 = arith.constant 0 : index
    %get3A_120 = arith.constant 0 : index
    %get3A_121 = vector.load %arg4[%get3A_119, %get3A_120] : memref<4096x128xf32, #tpu.memory_space<vmem>>, vector<4096x128xf32>
    %get3A_122 = arith.constant 0 : index
    %get3A_123 = arith.constant 0 : index
    %get3A_124 = vector.load %arg7[%get3A_122, %get3A_123] : memref<128x128xf32, #tpu.memory_space<vmem>>, vector<128x128xf32>
    %dot_general3A_125 = arith.constant dense<0.000000e+00> : vector<4096x128xf32>
    %dot_general3A_126 = tpu.matmul %get3A_121, %get3A_124, %dot_general3A_125 {dimension_numbers = #tpu.dot_dimension_numbers<[1], [1], [0], [0], [0, 0, 1, 0], [], []>, transpose_lhs_hint = false} : vector<4096x128xf32>, vector<128x128xf32>, vector<4096x128xf32> -> vector<4096x128xf32>
    %get3A_127 = arith.constant 0 : index
    %get3A_128 = arith.constant 0 : index
    %get3A_129 = vector.load %arg15[%get3A_127, %get3A_128] : memref<1x128xf32, #tpu.memory_space<vmem>>, vector<1x128xf32>
    %add3A_130 = vector.broadcast %get3A_129 : vector<1x128xf32> to vector<4096x128xf32>
    %add3A_131 = arith.addf %dot_general3A_126, %add3A_130 : vector<4096x128xf32>
    %get3A_132 = arith.constant 0 : index
    %get3A_133 = arith.constant 0 : index
    %get3A_134 = vector.load %arg22[%get3A_132, %get3A_133] : memref<1x128xf32, #tpu.memory_space<vmem>>, vector<1x128xf32>
    %get3A_135 = arith.constant 0 : index
    %get3A_136 = arith.constant 0 : index
    %get3A_137 = vector.load %arg23[%get3A_135, %get3A_136] : memref<1x128xf32, #tpu.memory_space<vmem>>, vector<1x128xf32>
    %reduce_sum3A_138 = arith.constant dense<0.000000e+00> : vector<128xf32>
    %reduce_sum3A_139 = vector.multi_reduction <add>, %add3A_131, %reduce_sum3A_138 [0] : vector<4096x128xf32> to vector<128xf32>
    %div3A_140 = arith.constant 4.096000e+03 : f32
    %div3A_141 = vector.broadcast %div3A_140 : f32 to vector<128xf32>
    %div3A_142 = arith.divf %reduce_sum3A_139, %div3A_141 : vector<128xf32>
    %jit3A_143 = arith.constant 0 : i32
    %reduce_sum3A_144 = arith.constant dense<0.000000e+00> : vector<128xf32>
    %reduce_sum3A_145 = vector.multi_reduction <add>, %add3A_131, %reduce_sum3A_144 [0] : vector<4096x128xf32> to vector<128xf32>
    %broadcast_in_dim3A_146 = vector.shape_cast %reduce_sum3A_145 : vector<128xf32> to vector<1x128xf32>
    %div3A_147 = arith.constant 4.096000e+03 : f32
    %div3A_148 = vector.broadcast %div3A_147 : f32 to vector<1x128xf32>
    %div3A_149 = arith.divf %broadcast_in_dim3A_146, %div3A_148 : vector<1x128xf32>
    %sub3A_150 = vector.broadcast %div3A_149 : vector<1x128xf32> to vector<4096x128xf32>
    %sub3A_151 = arith.subf %add3A_131, %sub3A_150 : vector<4096x128xf32>
    %square3A_152 = arith.mulf %sub3A_151, %sub3A_151 : vector<4096x128xf32>
    %convert_element_type3A_153 = arith.sitofp %jit3A_143 : i32 to f32
    %sub3A_154 = arith.constant 4.096000e+03 : f32
    %sub3A_155 = arith.subf %sub3A_154, %convert_element_type3A_153 : f32
    %reduce_sum3A_156 = arith.constant dense<0.000000e+00> : vector<128xf32>
    %reduce_sum3A_157 = vector.multi_reduction <add>, %square3A_152, %reduce_sum3A_156 [0] : vector<4096x128xf32> to vector<128xf32>
    %div3A_158 = vector.broadcast %sub3A_155 : f32 to vector<128xf32>
    %div3A_159 = arith.divf %reduce_sum3A_157, %div3A_158 : vector<128xf32>
    %gt3A_160 = arith.constant 0.000000e+00 : f32
    %gt3A_161 = arith.cmpf ogt, %sub3A_155, %gt3A_160 : f32
    %jit3A_162 = arith.constant 0x7FC00000 : f32
    %broadcast_in_dim3A_163 = vector.broadcast %jit3A_162 : f32 to vector<128xf32>
    %select_n3A_164 = arith.select %gt3A_161, %div3A_159, %broadcast_in_dim3A_163 : vector<128xf32>
    %broadcast_in_dim3A_165 = vector.shape_cast %div3A_142 : vector<128xf32> to vector<1x128xf32>
    %sub3A_166 = vector.broadcast %broadcast_in_dim3A_165 : vector<1x128xf32> to vector<4096x128xf32>
    %sub3A_167 = arith.subf %add3A_131, %sub3A_166 : vector<4096x128xf32>
    %mul3A_168 = vector.broadcast %get3A_134 : vector<1x128xf32> to vector<4096x128xf32>
    %mul3A_169 = arith.mulf %mul3A_168, %sub3A_167 : vector<4096x128xf32>
    %add3A_170 = arith.constant 9.99999974E-6 : f32
    %add3A_171 = vector.broadcast %add3A_170 : f32 to vector<128xf32>
    %add3A_172 = arith.addf %select_n3A_164, %add3A_171 : vector<128xf32>
    %sqrt3A_173 = math.sqrt %add3A_172 : vector<128xf32>
    %broadcast_in_dim3A_174 = vector.shape_cast %sqrt3A_173 : vector<128xf32> to vector<1x128xf32>
    %div3A_175 = vector.broadcast %broadcast_in_dim3A_174 : vector<1x128xf32> to vector<4096x128xf32>
    %div3A_176 = arith.divf %mul3A_169, %div3A_175 : vector<4096x128xf32>
    %add3A_177 = vector.broadcast %get3A_137 : vector<1x128xf32> to vector<4096x128xf32>
    %add3A_178 = arith.addf %div3A_176, %add3A_177 : vector<4096x128xf32>
    %max3A_179 = arith.constant 0.000000e+00 : f32
    %max3A_180 = vector.broadcast %max3A_179 : f32 to vector<4096x128xf32>
    %max3A_181 = arith.maximumf %add3A_178, %max3A_180 : vector<4096x128xf32>
    %get3A_182 = arith.constant 0 : index
    %get3A_183 = arith.constant 0 : index
    %get3A_184 = vector.load %arg8[%get3A_182, %get3A_183] : memref<128x128xf32, #tpu.memory_space<vmem>>, vector<128x128xf32>
    %dot_general3A_185 = arith.constant dense<0.000000e+00> : vector<4096x128xf32>
    %dot_general3A_186 = tpu.matmul %max3A_181, %get3A_184, %dot_general3A_185 {dimension_numbers = #tpu.dot_dimension_numbers<[1], [1], [0], [0], [0, 0, 1, 0], [], []>, transpose_lhs_hint = false} : vector<4096x128xf32>, vector<128x128xf32>, vector<4096x128xf32> -> vector<4096x128xf32>
    %get3A_187 = arith.constant 0 : index
    %get3A_188 = arith.constant 0 : index
    %get3A_189 = vector.load %arg16[%get3A_187, %get3A_188] : memref<1x128xf32, #tpu.memory_space<vmem>>, vector<1x128xf32>
    %add3A_190 = vector.broadcast %get3A_189 : vector<1x128xf32> to vector<4096x128xf32>
    %add3A_191 = arith.addf %dot_general3A_186, %add3A_190 : vector<4096x128xf32>
    %get3A_192 = arith.constant 0 : index
    %get3A_193 = arith.constant 0 : index
    %get3A_194 = vector.load %arg9[%get3A_192, %get3A_193] : memref<128x128xf32, #tpu.memory_space<vmem>>, vector<128x128xf32>
    %dot_general3A_195 = arith.constant dense<0.000000e+00> : vector<4096x128xf32>
    %dot_general3A_196 = tpu.matmul %add3A_118, %get3A_194, %dot_general3A_195 {dimension_numbers = #tpu.dot_dimension_numbers<[1], [1], [0], [0], [0, 0, 1, 0], [], []>, transpose_lhs_hint = false} : vector<4096x128xf32>, vector<128x128xf32>, vector<4096x128xf32> -> vector<4096x128xf32>
    %get3A_197 = arith.constant 0 : index
    %get3A_198 = arith.constant 0 : index
    %get3A_199 = vector.load %arg10[%get3A_197, %get3A_198] : memref<128x128xf32, #tpu.memory_space<vmem>>, vector<128x128xf32>
    %dot_general3A_200 = arith.constant dense<0.000000e+00> : vector<4096x128xf32>
    %dot_general3A_201 = tpu.matmul %add3A_191, %get3A_199, %dot_general3A_200 {dimension_numbers = #tpu.dot_dimension_numbers<[1], [1], [0], [0], [0, 0, 1, 0], [], []>, transpose_lhs_hint = false} : vector<4096x128xf32>, vector<128x128xf32>, vector<4096x128xf32> -> vector<4096x128xf32>
    %add3A_202 = arith.addf %dot_general3A_196, %dot_general3A_201 : vector<4096x128xf32>
    %get3A_203 = arith.constant 0 : index
    %get3A_204 = arith.constant 0 : index
    %get3A_205 = vector.load %arg17[%get3A_203, %get3A_204] : memref<1x128xf32, #tpu.memory_space<vmem>>, vector<1x128xf32>
    %add3A_206 = vector.broadcast %get3A_205 : vector<1x128xf32> to vector<4096x128xf32>
    %add3A_207 = arith.addf %add3A_202, %add3A_206 : vector<4096x128xf32>
    %get3A_208 = arith.constant 0 : index
    %get3A_209 = arith.constant 0 : index
    %get3A_210 = vector.load %arg24[%get3A_208, %get3A_209] : memref<1x128xf32, #tpu.memory_space<vmem>>, vector<1x128xf32>
    %get3A_211 = arith.constant 0 : index
    %get3A_212 = arith.constant 0 : index
    %get3A_213 = vector.load %arg25[%get3A_211, %get3A_212] : memref<1x128xf32, #tpu.memory_space<vmem>>, vector<1x128xf32>
    %reduce_sum3A_214 = arith.constant dense<0.000000e+00> : vector<128xf32>
    %reduce_sum3A_215 = vector.multi_reduction <add>, %add3A_207, %reduce_sum3A_214 [0] : vector<4096x128xf32> to vector<128xf32>
    %div3A_216 = arith.constant 4.096000e+03 : f32
    %div3A_217 = vector.broadcast %div3A_216 : f32 to vector<128xf32>
    %div3A_218 = arith.divf %reduce_sum3A_215, %div3A_217 : vector<128xf32>
    %jit3A_219 = arith.constant 0 : i32
    %reduce_sum3A_220 = arith.constant dense<0.000000e+00> : vector<128xf32>
    %reduce_sum3A_221 = vector.multi_reduction <add>, %add3A_207, %reduce_sum3A_220 [0] : vector<4096x128xf32> to vector<128xf32>
    %broadcast_in_dim3A_222 = vector.shape_cast %reduce_sum3A_221 : vector<128xf32> to vector<1x128xf32>
    %div3A_223 = arith.constant 4.096000e+03 : f32
    %div3A_224 = vector.broadcast %div3A_223 : f32 to vector<1x128xf32>
    %div3A_225 = arith.divf %broadcast_in_dim3A_222, %div3A_224 : vector<1x128xf32>
    %sub3A_226 = vector.broadcast %div3A_225 : vector<1x128xf32> to vector<4096x128xf32>
    %sub3A_227 = arith.subf %add3A_207, %sub3A_226 : vector<4096x128xf32>
    %square3A_228 = arith.mulf %sub3A_227, %sub3A_227 : vector<4096x128xf32>
    %convert_element_type3A_229 = arith.sitofp %jit3A_219 : i32 to f32
    %sub3A_230 = arith.constant 4.096000e+03 : f32
    %sub3A_231 = arith.subf %sub3A_230, %convert_element_type3A_229 : f32
    %reduce_sum3A_232 = arith.constant dense<0.000000e+00> : vector<128xf32>
    %reduce_sum3A_233 = vector.multi_reduction <add>, %square3A_228, %reduce_sum3A_232 [0] : vector<4096x128xf32> to vector<128xf32>
    %div3A_234 = vector.broadcast %sub3A_231 : f32 to vector<128xf32>
    %div3A_235 = arith.divf %reduce_sum3A_233, %div3A_234 : vector<128xf32>
    %gt3A_236 = arith.constant 0.000000e+00 : f32
    %gt3A_237 = arith.cmpf ogt, %sub3A_231, %gt3A_236 : f32
    %jit3A_238 = arith.constant 0x7FC00000 : f32
    %broadcast_in_dim3A_239 = vector.broadcast %jit3A_238 : f32 to vector<128xf32>
    %select_n3A_240 = arith.select %gt3A_237, %div3A_235, %broadcast_in_dim3A_239 : vector<128xf32>
    %broadcast_in_dim3A_241 = vector.shape_cast %div3A_218 : vector<128xf32> to vector<1x128xf32>
    %sub3A_242 = vector.broadcast %broadcast_in_dim3A_241 : vector<1x128xf32> to vector<4096x128xf32>
    %sub3A_243 = arith.subf %add3A_207, %sub3A_242 : vector<4096x128xf32>
    %mul3A_244 = vector.broadcast %get3A_210 : vector<1x128xf32> to vector<4096x128xf32>
    %mul3A_245 = arith.mulf %mul3A_244, %sub3A_243 : vector<4096x128xf32>
    %add3A_246 = arith.constant 9.99999974E-6 : f32
    %add3A_247 = vector.broadcast %add3A_246 : f32 to vector<128xf32>
    %add3A_248 = arith.addf %select_n3A_240, %add3A_247 : vector<128xf32>
    %sqrt3A_249 = math.sqrt %add3A_248 : vector<128xf32>
    %broadcast_in_dim3A_250 = vector.shape_cast %sqrt3A_249 : vector<128xf32> to vector<1x128xf32>
    %div3A_251 = vector.broadcast %broadcast_in_dim3A_250 : vector<1x128xf32> to vector<4096x128xf32>
    %div3A_252 = arith.divf %mul3A_245, %div3A_251 : vector<4096x128xf32>
    %add3A_253 = vector.broadcast %get3A_213 : vector<1x128xf32> to vector<4096x128xf32>
    %add3A_254 = arith.addf %div3A_252, %add3A_253 : vector<4096x128xf32>
    %max3A_255 = arith.constant 0.000000e+00 : f32
    %max3A_256 = vector.broadcast %max3A_255 : f32 to vector<4096x128xf32>
    %max3A_257 = arith.maximumf %add3A_254, %max3A_256 : vector<4096x128xf32>
    %get3A_258 = arith.constant 0 : index
    %get3A_259 = arith.constant 0 : index
    %get3A_260 = vector.load %arg11[%get3A_258, %get3A_259] : memref<16x128xf32, #tpu.memory_space<vmem>>, vector<16x128xf32>
    %dot_general3A_261 = arith.constant dense<0.000000e+00> : vector<4096x16xf32>
    %dot_general3A_262 = tpu.matmul %max3A_257, %get3A_260, %dot_general3A_261 {dimension_numbers = #tpu.dot_dimension_numbers<[1], [1], [0], [0], [0, 0, 1, 0], [], []>, transpose_lhs_hint = false} : vector<4096x128xf32>, vector<16x128xf32>, vector<4096x16xf32> -> vector<4096x16xf32>
    %get3A_263 = arith.constant 0 : index
    %get3A_264 = arith.constant 0 : index
    %get3A_265 = vector.load %arg18[%get3A_263, %get3A_264] : memref<1x16xf32, #tpu.memory_space<vmem>>, vector<1x16xf32>
    %add3A_266 = vector.broadcast %get3A_265 : vector<1x16xf32> to vector<4096x16xf32>
    %add3A_267 = arith.addf %dot_general3A_262, %add3A_266 : vector<4096x16xf32>
    %get3A_268 = arith.constant 0 : index
    %get3A_269 = arith.constant 0 : index
    %get3A_270 = vector.load %arg26[%get3A_268, %get3A_269] : memref<1x16xf32, #tpu.memory_space<vmem>>, vector<1x16xf32>
    %get3A_271 = arith.constant 0 : index
    %get3A_272 = arith.constant 0 : index
    %get3A_273 = vector.load %arg27[%get3A_271, %get3A_272] : memref<1x16xf32, #tpu.memory_space<vmem>>, vector<1x16xf32>
    %reduce_sum3A_274 = arith.constant dense<0.000000e+00> : vector<16xf32>
    %reduce_sum3A_275 = vector.multi_reduction <add>, %add3A_267, %reduce_sum3A_274 [0] : vector<4096x16xf32> to vector<16xf32>
    %div3A_276 = arith.constant 4.096000e+03 : f32
    %div3A_277 = vector.broadcast %div3A_276 : f32 to vector<16xf32>
    %div3A_278 = arith.divf %reduce_sum3A_275, %div3A_277 : vector<16xf32>
    %jit3A_279 = arith.constant 0 : i32
    %reduce_sum3A_280 = arith.constant dense<0.000000e+00> : vector<16xf32>
    %reduce_sum3A_281 = vector.multi_reduction <add>, %add3A_267, %reduce_sum3A_280 [0] : vector<4096x16xf32> to vector<16xf32>
    %broadcast_in_dim3A_282 = vector.shape_cast %reduce_sum3A_281 : vector<16xf32> to vector<1x16xf32>
    %div3A_283 = arith.constant 4.096000e+03 : f32
    %div3A_284 = vector.broadcast %div3A_283 : f32 to vector<1x16xf32>
    %div3A_285 = arith.divf %broadcast_in_dim3A_282, %div3A_284 : vector<1x16xf32>
    %sub3A_286 = vector.broadcast %div3A_285 : vector<1x16xf32> to vector<4096x16xf32>
    %sub3A_287 = arith.subf %add3A_267, %sub3A_286 : vector<4096x16xf32>
    %square3A_288 = arith.mulf %sub3A_287, %sub3A_287 : vector<4096x16xf32>
    %convert_element_type3A_289 = arith.sitofp %jit3A_279 : i32 to f32
    %sub3A_290 = arith.constant 4.096000e+03 : f32
    %sub3A_291 = arith.subf %sub3A_290, %convert_element_type3A_289 : f32
    %reduce_sum3A_292 = arith.constant dense<0.000000e+00> : vector<16xf32>
    %reduce_sum3A_293 = vector.multi_reduction <add>, %square3A_288, %reduce_sum3A_292 [0] : vector<4096x16xf32> to vector<16xf32>
    %div3A_294 = vector.broadcast %sub3A_291 : f32 to vector<16xf32>
    %div3A_295 = arith.divf %reduce_sum3A_293, %div3A_294 : vector<16xf32>
    %gt3A_296 = arith.constant 0.000000e+00 : f32
    %gt3A_297 = arith.cmpf ogt, %sub3A_291, %gt3A_296 : f32
    %jit3A_298 = arith.constant 0x7FC00000 : f32
    %broadcast_in_dim3A_299 = vector.broadcast %jit3A_298 : f32 to vector<16xf32>
    %select_n3A_300 = arith.select %gt3A_297, %div3A_295, %broadcast_in_dim3A_299 : vector<16xf32>
    %broadcast_in_dim3A_301 = vector.shape_cast %div3A_278 : vector<16xf32> to vector<1x16xf32>
    %sub3A_302 = vector.broadcast %broadcast_in_dim3A_301 : vector<1x16xf32> to vector<4096x16xf32>
    %sub3A_303 = arith.subf %add3A_267, %sub3A_302 : vector<4096x16xf32>
    %mul3A_304 = vector.broadcast %get3A_270 : vector<1x16xf32> to vector<4096x16xf32>
    %mul3A_305 = arith.mulf %mul3A_304, %sub3A_303 : vector<4096x16xf32>
    %add3A_306 = arith.constant 9.99999974E-6 : f32
    %add3A_307 = vector.broadcast %add3A_306 : f32 to vector<16xf32>
    %add3A_308 = arith.addf %select_n3A_300, %add3A_307 : vector<16xf32>
    %sqrt3A_309 = math.sqrt %add3A_308 : vector<16xf32>
    %broadcast_in_dim3A_310 = vector.shape_cast %sqrt3A_309 : vector<16xf32> to vector<1x16xf32>
    %div3A_311 = vector.broadcast %broadcast_in_dim3A_310 : vector<1x16xf32> to vector<4096x16xf32>
    %div3A_312 = arith.divf %mul3A_305, %div3A_311 : vector<4096x16xf32>
    %add3A_313 = vector.broadcast %get3A_273 : vector<1x16xf32> to vector<4096x16xf32>
    %add3A_314 = arith.addf %div3A_312, %add3A_313 : vector<4096x16xf32>
    %max3A_315 = arith.constant 0.000000e+00 : f32
    %max3A_316 = vector.broadcast %max3A_315 : f32 to vector<4096x16xf32>
    %max3A_317 = arith.maximumf %add3A_314, %max3A_316 : vector<4096x16xf32>
    %get3A_318 = arith.constant 0 : index
    %get3A_319 = arith.constant 0 : index
    %get3A_320 = vector.load %arg12[%get3A_318, %get3A_319] : memref<1x16xf32, #tpu.memory_space<vmem>>, vector<1x16xf32>
    %mul3A_321 = vector.broadcast %get3A_320 : vector<1x16xf32> to vector<4096x16xf32>
    %mul3A_322 = arith.mulf %max3A_317, %mul3A_321 : vector<4096x16xf32>
    %reduce_sum3A_323 = arith.constant dense<0.000000e+00> : vector<4096xf32>
    %reduce_sum3A_324 = vector.multi_reduction <add>, %mul3A_322, %reduce_sum3A_323 [1] : vector<4096x16xf32> to vector<4096xf32>
    %broadcast_in_dim3A_325 = vector.shape_cast %reduce_sum3A_324 : vector<4096xf32> to vector<4096x1xf32>
    %get3A_326 = arith.constant 0 : index
    %get3A_327 = arith.constant 0 : index
    %get3A_328 = vector.load %arg19[%get3A_326, %get3A_327] : memref<1x1xf32, #tpu.memory_space<vmem>>, vector<1x1xf32>
    %get3A_329 = vector.extract %get3A_328[0, 0] : f32 from vector<1x1xf32>
    %add3A_330 = vector.broadcast %get3A_329 : f32 to vector<4096x1xf32>
    %add3A_331 = arith.addf %broadcast_in_dim3A_325, %add3A_330 : vector<4096x1xf32>
    %swap3A_332 = arith.constant 0 : index
    %swap3A_333 = arith.constant 0 : index
    %swap3A_334 = vector.load %arg28[%swap3A_332, %swap3A_333] : memref<4096x1xf32, #tpu.memory_space<vmem>>, vector<4096x1xf32>
    tpu.vector_store %arg28[%swap3A_332, %swap3A_333], %add3A_331 {strides = array<i32>} : memref<4096x1xf32, #tpu.memory_space<vmem>>, vector<4096x1xf32>,
    return
  }
}

module attributes {stable_mosaic.version = 14 : i64} {
  func.func @_tc_combine_body(%arg0: memref<32x128xf32, #tpu.memory_space<vmem>>, %arg1: memref<32x128xf32, #tpu.memory_space<vmem>>, %arg2: memref<32x128xf32, #tpu.memory_space<vmem>>, %arg3: memref<32x128xf32, #tpu.memory_space<vmem>>) attributes {dimension_semantics = [], scalar_prefetch = 0 : i64, scratch_operands = 0 : i64, tpu.core_type = #tpu.core_type<tc>} {
    %get3A = arith.constant 0 : index
    %get3A_0 = arith.constant 0 : index
    %get3A_1 = vector.load %arg2[%get3A, %get3A_0] : memref<32x128xf32, #tpu.memory_space<vmem>>, vector<32x128xf32>
    %sqrt3A = math.sqrt %get3A_1 : vector<32x128xf32>
    %reduce_min3A = vector.shape_cast %sqrt3A : vector<32x128xf32> to vector<1x32x128xf32>
    %reduce_min3A_2 = arith.constant dense<0x7F800000> : vector<1xf32>
    %reduce_min3A_3 = vector.multi_reduction <minimumf>, %reduce_min3A, %reduce_min3A_2 [1, 2] : vector<1x32x128xf32> to vector<1xf32>
    %reduce_min3A_4 = vector.shape_cast %reduce_min3A_3 : vector<1xf32> to vector<1x1x1xf32>
    %reduce_min3A_5 = vector.extract %reduce_min3A_4[0, 0, 0] : f32 from vector<1x1x1xf32>
    %reduce_max3A = vector.shape_cast %sqrt3A : vector<32x128xf32> to vector<1x32x128xf32>
    %reduce_max3A_6 = arith.constant dense<0xFF800000> : vector<1xf32>
    %reduce_max3A_7 = vector.multi_reduction <maximumf>, %reduce_max3A, %reduce_max3A_6 [1, 2] : vector<1x32x128xf32> to vector<1xf32>
    %reduce_max3A_8 = vector.shape_cast %reduce_max3A_7 : vector<1xf32> to vector<1x1x1xf32>
    %reduce_max3A_9 = vector.extract %reduce_max3A_8[0, 0, 0] : f32 from vector<1x1x1xf32>
    %sub3A = vector.broadcast %reduce_min3A_5 : f32 to vector<32x128xf32>
    %sub3A_10 = arith.subf %sqrt3A, %sub3A : vector<32x128xf32>
    %sub3A_11 = arith.subf %reduce_max3A_9, %reduce_min3A_5 : f32
    %div3A = vector.broadcast %sub3A_11 : f32 to vector<32x128xf32>
    %div3A_12 = arith.divf %sub3A_10, %div3A : vector<32x128xf32>
    %mul3A = arith.constant 6.000000e+00 : f32
    %mul3A_13 = vector.broadcast %mul3A : f32 to vector<32x128xf32>
    %mul3A_14 = arith.mulf %mul3A_13, %div3A_12 : vector<32x128xf32>
    %mul3A_15 = arith.constant -6.000000e+00 : f32
    %mul3A_16 = vector.broadcast %mul3A_15 : f32 to vector<32x128xf32>
    %mul3A_17 = arith.mulf %mul3A_16, %div3A_12 : vector<32x128xf32>
    %exp3A = math.exp %mul3A_17 : vector<32x128xf32>
    %mul3A_18 = arith.mulf %mul3A_14, %exp3A : vector<32x128xf32>
    %get3A_19 = arith.constant 0 : index
    %get3A_20 = arith.constant 0 : index
    %get3A_21 = vector.load %arg0[%get3A_19, %get3A_20] : memref<32x128xf32, #tpu.memory_space<vmem>>, vector<32x128xf32>
    %get3A_22 = arith.constant 0 : index
    %get3A_23 = arith.constant 0 : index
    %get3A_24 = vector.load %arg1[%get3A_22, %get3A_23] : memref<32x128xf32, #tpu.memory_space<vmem>>, vector<32x128xf32>
    %mul3A_25 = arith.mulf %mul3A_18, %get3A_24 : vector<32x128xf32>
    %add3A = arith.addf %get3A_21, %mul3A_25 : vector<32x128xf32>
    %swap3A = arith.constant 0 : index
    %swap3A_26 = arith.constant 0 : index
    %swap3A_27 = vector.load %arg3[%swap3A, %swap3A_26] : memref<32x128xf32, #tpu.memory_space<vmem>>, vector<32x128xf32>
    tpu.vector_store %arg3[%swap3A, %swap3A_26], %add3A {strides = array<i32>} : memref<32x128xf32, #tpu.memory_space<vmem>>, vector<32x128xf32>,
    return
  }
}

</mosaic_0001>

<sc_bundles>
// kernel: kernel.5.cloned.1.call-start
scs
__scs_entry_jumppad:
0x0: {  	(pc) =	sbr.rel $0x88, $3  }
0x1: {  	(tag) =	ssettag $0x0;
	lr =	simm.s32 $0x1  }
0x2: {  	[smem:$0x3F83] =	sst lr;
	_ =	strace $0xD0000000  }
0x3: {  	_ = 	snop  }
0x4: {  	_ = 	snop  }
0x5: {  	_ = 	snop  }
0x6: {  	_ = 	snop  }
0x7: {  	_ = 	snop  }
__scs_overlays_trampoline_lowered:
0x8: {  	[smem:$0x3F92] =	sst s0  }
0x9: {  	[smem:$0x3F93] =	sst s1  }
0xa: {  	[smem:$0x3F94] =	sst s2  }
0xb: {  	[smem:$0x3F95] =	sst s3  }
0xc: {  	[smem:$0x3F96] =	sst s4  }
0xd: {  	[smem:$0x3F97] =	sst s5  }
0xe: {  	[smem:$0x3F98] =	sst s6  }
0xf: {  	[smem:$0x3F99] =	sst s7  }
0x10: {  	[smem:$0x3F9A] =	sst s8  }
0x11: {  	[smem:$0x3F9B] =	sst s9;
	s0 =	simm.s32 @!p0 $0x0  }
0x12: {  	s1 =	sld [smem:$0x3F81];
	s0 =	simm.s32 @p0 $0x1  }
0x13: {  	[smem:$0x3F9C] =	sst s0;
	s0 =	simm.s32 @!p1 $0x0  }
0x14: {  	s2 =	sld [smem:$0x3F80];
	s0 =	simm.s32 @p1 $0x1  }
0x15: {  	[smem:$0x3F9D] =	sst s0;
	s0 =	simm.s32 @!p2 $0x0  }
0x16: {  	s3 =	sld [smem:$0x3FDB];
	s0 =	simm.s32 @p2 $0x1  }
0x17: {  	s4 =	simm.s32 $0x1BF5;
	[smem:$0x3F9F] =	sst s0  }
0x18: {  	s0 =	sld [smem:$0x3F82];
	_ =	swait.ge [sflag:s4], $0x0  }
0x19: {  	s7 =	sld [smem:$0x3F83]  }
0x1a: {  	s8 =	sadd.s32 $0xFFFFE003, lr  }
0x1b: {  	s9 =	sadd.s32 $0xFFFFFEF7, lr;
	s5 =	simm.s32 $0xFFFFFFFF;
	p2 =	slt.u32 s8, $0xFFFFF086  }
0x1c: {  	p1 =	slt.u32 s9, $0xF7A;
	s5 =	simm.s32 @!p2 $0x0  }
0x1d: {  	s5 =	simm.s32 @p1 $0x1;
	p0 =	seq.s32 s7, s2  }
0x1e: {  	s7 =	smul.u32 @!p0 $0xF7A, s2;
	p2 =	seq.s32 @!p0 s5, $0x0  }
0x1f: {  	s9 =	smul.u32 $0xF7A, s1;
	s8 =	simm.s32 @!p0 $0x1BF5;
	p2 =	por !p2, p0  }
0x20: {  	[sflag:s8] =	ssyncset.s32 @!p0 $0xFFFFF086;
	s6 =	sadd.s32 @!p0 s3, s7;
	s7 =	simm.s32 @!p0 $0x108  }
0x21: {  	s3 =	sadd.s32 s3, s9;
	s6 =	sadd.s32 @!p0 $0x88, s6;
	s7 =	simm.s32 @p2 $0x1082  }
0x22: {  	[simem:s7], [sflag:s8] =	dma.local @!p0 [hbm:s6], $0xF7A  }
0x23: {  	s9 =	sor.u32 $0xD0000000, s2;
	s6 =	simm.s32 $0x108;
	_ =	swait.ge @!p0 [sflag:s8], $0x0  }
0x24: {  	s3 =	sadd.s32 $0x88, s3;
	s6 =	simm.s32 @!p1 $0x1082;
	[sflag:s4] =	ssyncset.s32 $0xFFFFF086  }
0x25: {  	[simem:s6], [sflag:s4] =	dma.local [hbm:s3], $0xF7A  }
0x26: {  	[smem:$0x3F83] =	sst s1;
	(tag) =	ssettag s2;
	_ =	strace s9  }
0x27: {  	s1 =	sld [smem:$0x3F93]  }
0x28: {  	s2 =	sld [smem:$0x3F94]  }
0x29: {  	s4 =	sld [smem:$0x3F96]  }
0x2a: {  	p0 =	seq.s32 s5, $0x0;
	s5 =	sld [smem:$0x3F97]  }
0x2b: {  	s6 =	sld [smem:$0x3F98]  }
0x2c: {  	s7 =	sld [smem:$0x3F99]  }
0x2d: {  	s3 =	simm.s32 $0x108;
	s8 =	sld [smem:$0x3F9A]  }
0x2e: {  	s3 =	simm.s32 @!p0 $0x1082;
	s9 =	sld [smem:$0x3F9B]  }
0x2f: {  	lr =	sadd.s32 s0, s3;
	s0 =	sld [smem:$0x3F92]  }
0x30: {  	s3 =	sld [smem:$0x3F95]  }
0x31: {  	[smem:$0x3F9E] =	sst s10  }
0x32: {  	s10 =	sld [smem:$0x3F9C];
	_ =	sdelay $0x3  }
0x33: {  	p0 =	seq.s32 s10, $0x1;
	s10 =	sld [smem:$0x3F9E];
	_ =	sdelay $0x3  }
0x34: {  	[smem:$0x3F9E] =	sst s10  }
0x35: {  	s10 =	sld [smem:$0x3F9D];
	_ =	sdelay $0x3  }
0x36: {  	p1 =	seq.s32 s10, $0x1;
	s10 =	sld [smem:$0x3F9E];
	_ =	sdelay $0x3  }
0x37: {  	[smem:$0x3F9E] =	sst s10  }
0x38: {  	s10 =	sld [smem:$0x3F9F]  }
0x39: {  	_ = 	snop;
	(pc) =	sbr.ind lr, $3  }
0x3a: {  	_ = 	snop  }
0x3b: {  	_ = 	snop  }
0x3c: {  	p2 =	seq.s32 s10, $0x1;
	s10 =	sld [smem:$0x3F9E]  }
0x3d: {  	_ =	shalt  }
0x3e: {  	_ =	shalt  }
0x3f: {  	_ =	shalt  }
0x40: {  	_ =	shalt  }
0x41: {  	_ =	shalt  }
0x42: {  	_ =	shalt  }
0x43: {  	_ =	shalt  }
0x44: {  	_ =	shalt  }
0x45: {  	_ =	shalt  }
0x46: {  	_ =	shalt  }
0x47: {  	_ =	shalt  }
0x48: {  	_ =	shalt  }
0x49: {  	_ =	shalt  }
0x4a: {  	_ =	shalt  }
0x4b: {  	_ =	shalt  }
0x4c: {  	_ =	shalt  }
0x4d: {  	_ =	shalt  }
0x4e: {  	_ =	shalt  }
0x4f: {  	_ =	shalt  }
0x50: {  	_ =	shalt  }
0x51: {  	_ =	shalt  }
0x52: {  	_ =	shalt  }
0x53: {  	_ =	shalt  }
0x54: {  	_ =	shalt  }
0x55: {  	_ =	shalt  }
0x56: {  	_ =	shalt  }
0x57: {  	_ =	shalt  }
0x58: {  	_ =	shalt  }
0x59: {  	_ =	shalt  }
0x5a: {  	_ =	shalt  }
0x5b: {  	_ =	shalt  }
0x5c: {  	_ =	shalt  }
0x5d: {  	_ =	shalt  }
0x5e: {  	_ =	shalt  }
0x5f: {  	_ =	shalt  }
0x60: {  	_ =	shalt  }
0x61: {  	_ =	shalt  }
0x62: {  	_ =	shalt  }
0x63: {  	_ =	shalt  }
0x64: {  	_ =	shalt  }
0x65: {  	_ =	shalt  }
0x66: {  	_ =	shalt  }
0x67: {  	_ =	shalt  }
0x68: {  	_ =	shalt  }
0x69: {  	_ =	shalt  }
0x6a: {  	_ =	shalt  }
0x6b: {  	_ =	shalt  }
0x6c: {  	_ =	shalt  }
0x6d: {  	_ =	shalt  }
0x6e: {  	_ =	shalt  }
0x6f: {  	_ =	shalt  }
0x70: {  	_ =	shalt  }
0x71: {  	_ =	shalt  }
0x72: {  	_ =	shalt  }
0x73: {  	_ =	shalt  }
0x74: {  	_ =	shalt  }
0x75: {  	_ =	shalt  }
0x76: {  	_ =	shalt  }
0x77: {  	_ =	shalt  }
0x78: {  	_ =	shalt  }
0x79: {  	_ =	shalt  }
0x7a: {  	_ =	shalt  }
0x7b: {  	_ =	shalt  }
0x7c: {  	_ =	shalt  }
0x7d: {  	_ =	shalt  }
0x7e: {  	_ =	shalt  }
0x7f: {  	_ =	shalt  }
0x80: {  	_ =	shalt  }
0x81: {  	_ =	shalt  }
0x82: {  	_ =	shalt  }
0x83: {  	_ =	shalt  }
0x84: {  	_ =	shalt  }
0x85: {  	_ =	shalt  }
0x86: {  	_ =	shalt  }
0x87: {  	_ =	shalt  }
.Lfunc_end0:
.L_simem_size_0:
called_computation_lowered:
.L_overlay_start_0:
0x88: {  	s2 =	sld [smem:$0x3FD9]  }
0x89: {  	s3 =	sld [smem:$0x3FFE];
	_ =	sdelay $0x1  }
0x8a: {  	s1 =	srdreg.scid  }
0x8b: {  	s0 =	sand.u32 $0x1, s1  }
0x8c: {  	s17 =	sshll.u32 s0, $0xA;
	s2 =	sadd.s32 s3, s2  }
0x8d: {  	s2 =	sadd.s32 s2, s17  }
0x8e: {  	[smem:$0x3FAA] =	sst s2  }
0x8f: {  	_ = 	snop  }
0x90: {  	s2 =	sld [smem:$0x3FC4]  }
0x91: {  	s18 =	sld [smem:$0x3FC2]  }
0x92: {  	s4 =	sld [smem:$0x3FD0];
	(tm) =	ssettm $0x1  }
0x93: {  	s5 =	sld [smem:$0x3FFB];
	_ =	sdelay $0x3  }
0x94: {  	_ =	strace s5  }
0x95: {  	s5 =	sld [smem:$0x3FFC];
	_ =	sdelay $0x3  }
0x96: {  	_ =	strace s5  }
0x97: {  	s5 =	sld [smem:$0x3FFD];
	_ =	sdelay $0x3  }
0x98: {  	_ =	strace s5  }
0x99: {  	_ =	strace $0x8FFFFFFF  }
0x9a: {  	s19 =	sld [smem:$0x3FDB];
	_ =	sdelay $0x1  }
0x9b: {  	s6 =	simm.s32 $_scs_section_size  }
0x9c: {  	s7 =	simm.s32 $_size__tile_overlayer_lowered;
	s8 =	simm.s32 $_tile_overlayer_lowered  }
0x9d: {  	s22 =	simm.s32 $0x1BFF;
	s21 =	sshll.u32 s8, $0x1;
	s5 =	sadd.s32 s6, s19  }
0x9e: {  	s9 =	simm.s32 $0x0;
	s20 =	sshll.u32 s7, $0x1;
	s7 =	sadd.s32 s21, s5  }
0x9f: {  	[timem:s9], [sflag:s22] =	dma.local [hbm:s7], s20  }
0xa0: {  	_ =	swait.ge [sflag:s22], s20  }
0xa1: {  	s6 =	ssub.s32 $0x0, s20;
	[sflag:s22] =	ssyncset.done $0x0  }
0xa2: {  	[sflag:s22] =	ssyncadd.s32 s6;
	_ =	sdelay $0x1  }
0xa3: {  	s23 =	simm.s32 $0x1B8B  }
0xa4: {  	_ =	swait.ge [sflag:s23], $0x1  }
0xa5: {  	[sflag:s23] =	ssyncset.done $0x0  }
0xa6: {  	s25 =	simm.s32 $0x1B8E;
	s24 =	sld [smem:$0x3FFE];
	[sflag:s23] =	ssyncadd.s32 $0xFFFFFFFF  }
0xa7: {  	s26 =	simm.s32 $execute0_lowered;
	[smem:$0x3FD2] =	sst s25  }
0xa8: {  	s7 =	sshll.u32 s26, $0x1;
	_ =	strace $0x80000046;
	[dreg:$0x1] =	wrdreg $0xFFFFFFFF  }
0xa9: {  	s28 =	simm.s32 $_size_execute0_lowered;
	s5 =	sadd.s32 s5, s7;
	[dreg:$0x0] =	wrdreg $0x0  }
0xaa: {  	s7 =	sshll.u32 s28, $0x1;
	[dreg:$0x2] =	wrdreg s5  }
0xab: {  	[dreg:$0x3] =	wrdreg s7  }
0xac: {  	[dreg:$0x4] =	wrdreg $0xC0  }
0xad: {  	_ =	task [dreg:s9], $0x5FFFF  }
0xae: {  	[dreg:$0x1] =	wrdreg $0xFFFFFFFF  }
0xaf: {  	[dreg:$0x0] =	wrdreg $0x60  }
0xb0: {  	[dreg:$0x2] =	wrdreg s2  }
0xb1: {  	[dreg:$0x3] =	wrdreg s24  }
0xb2: {  	[dreg:$0x4] =	wrdreg s18  }
0xb3: {  	[dreg:$0x5] =	wrdreg s4  }
0xb4: {  	[dreg:$0x6] =	wrdreg $0x9  }
0xb5: {  	_ =	task.clear_ibuf [dreg:s9], $0x7FFFF;
	_ =	strace $0x90000046  }
0xb6: {  	s29 =	simm.s32 $0x9;
	_ =	strace $0x80000048  }
0xb7: {  	_ =	swait.ge [sflag:s29], $0x1  }
0xb8: {  	[sflag:s29] =	ssyncadd.s32 $0xFFFFFFFF  }
0xb9: {  	_ =	strace $0x90000048  }
0xba: {  	_ =	sfence  }
0xbb: {  	s30 =	sld [smem:$0x0];
	_ =	sdelay $0x2  }
0xbc: {  	s31 =	sshll.u32 s1, $0xD;
	s1 =	sshrl.u32 s1, $0x2  }
0xbd: {  	s3 =	sand.u32 $0x4000, s31;
	s1 =	sadd.s32 s1, s30  }
0xbe: {  	s0 =	sor.u32 s3, s0;
	s1 =	sshll.u32 s1, $0x11  }
0xbf: {  	s0 =	sor.u32 s1, s0  }
0xc0: {  	s0 =	sadd.s32 $0x8F2B, s0  }
0xc1: {  	[sflag:s0] =	ssyncadd.remote.s32 $0x1  }
0xc2: {  	_ =	sfence.sel $0xFFFF  }
0xc3: {  	[dreg:$0x0] =	wrdreg $0xFFFFFFFF;
	(pc) =	sbr.abs _section_cstart, $3  }
0xc4: {  	[dreg:$0x1] =	wrdreg $0xFFFFFFFF  }
0xc5: {  	_ =	task.clear_ibuf [dreg:s9], $0x2FFFF;
	_ =	strace $0x9FFFFFFF  }
0xc6: {  	(tm) =	ssettm $0x7FFFFFFF  }
0xc7: {  	_ =	shalt  }
tec
execute0_lowered:
.L_overlay_start_1:
0x0: {  	(tag) =	ssettag $0x1  }
0x1: {  	s1 =	rddreg [dreg:$0x0]  }
0x2: {  	s0 =	rddreg [dreg:$0x1]  }
0x3: {  	s2 =	rddreg [dreg:$0x2]  }
0x4: {  	s6 =	rddreg [dreg:$0x3]  }
0x5: {  	s4 =	srdreg.scid;
	s3 =	stileid.u32  }
0x6: {  	s9 =	simm.s32 $0x0;
	s4 =	sand.u32 $0x1, s4;
	s5 =	sshll.u32 s3, $0x1  }
0x7: {  	[smem:$0x7FF] =	sst s9;
	s5 =	sor.u32 s4, s5  }
0x8: {  	_ =	strace $0x80000047;
	s4 =	ssub.s32 $0x2, s4;
	s8 =	sshll.u32 s5, $0x4  }
0x9: {  	s7 =	sshll.u32 s5, $0x9;
	s28 =	sshrl.u32 s4, $0x1;
	s2 =	sadd.s32 s2, s8  }
0xa: {  	s0 =	sadd.s32 s7, s0;
	s30 =	sadd.s32 s6, s8;
	[dreg:$0x5] =	wrdreg s2  }
0xb: {  	s7 =	ssub.s32 s4, s28;
	s0 =	sadd.s32 $0x3400, s0;
	[dreg:$0x7] =	wrdreg s30  }
0xc: {  	s29 =	simm.s32 $0x19080;
	s31 =	smax.u32 s7, $0x1;
	[dreg:$0x6] =	wrdreg s0  }
0xd: {  	s3 =	simm.s32 $0xA;
	s2 =	simm.s32 $0x0;
	[dreg:$0x8] =	wrdreg s31  }
.LBB2_1:
0xe: {  	[dreg:$0x9] =	wrdreg s2  }
0xf: {  	s0 =	rddreg [dreg:$0x5];
	s11 =	simm.s32 $0x1000  }
0x10: {  	[tilespmem:s11], [sflag:$0xA] =	stream.linear.gather [hbm4b:s0+s9], $0x80, $0x38;
	[tilespmem:$0x19100] =	vst v63  }
0x11: {  	_ =	swait.ge [sflag:s3], $0x80  }
0x12: {  	[sflag:s3] =	ssyncset.done $0x0  }
0x13: {  	s4 =	simm.s32 $0x80;
	s12 =	simm.s32 $0x1080;
	[sflag:s3] =	ssyncadd.s32 $0xFFFFFF80  }
0x14: {  	[tilespmem:s12], [sflag:$0x1] =	stream.indirect.gather [hbm4b:s1+s4], $0x80, s11, s4, $0xb8;
	[tilespmem:$0x19100] =	vst v63  }
0x15: {  	s13 =	rddreg [dreg:$0x6]  }
0x16: {  	[tilespmem:s9], [sflag:$0xA] =	stream.linear.gather [hbm4b:s13+s9], $0x1000, $0x38;
	[tilespmem:$0x19100] =	vst v63  }
0x17: {  	_ =	swait.ge [sflag:s3], $0x1000  }
0x18: {  	[sflag:s3] =	ssyncset.done $0x0  }
0x19: {  	s14 =	simm.s32 $0x50;
	s15 =	simm.s32 $0x5080;
	[sflag:s3] =	ssyncadd.s32 $0xFFFFF000  }
0x1a: {  	[tilespmem:s15], [sflag:$0x2] =	stream.indirect.gather [hbm4b:s1+s14], $0x80, s9, s14, $0xb8;
	[tilespmem:$0x19100] =	vst v63  }
0x1b: {  	s16 =	simm.s32 $0x7880  }
0x1c: {  	[tilespmem:s16], [sflag:$0x3] =	stream.indirect.gather [hbm4b:s1+s14], $0x80, s4, s14, $0xb8;
	[tilespmem:$0x19100] =	vst v63  }
0x1d: {  	s17 =	simm.s32 $0x100;
	s18 =	simm.s32 $0xA080  }
0x1e: {  	[tilespmem:s18], [sflag:$0x4] =	stream.indirect.gather [hbm4b:s1+s14], $0x80, s17, s14, $0xb8;
	[tilespmem:$0x19100] =	vst v63  }
0x1f: {  	s19 =	simm.s32 $0x180;
	s20 =	simm.s32 $0xC880  }
0x20: {  	[tilespmem:s20], [sflag:$0x5] =	stream.indirect.gather [hbm4b:s1+s14], $0x80, s19, s14, $0xb8;
	[tilespmem:$0x19100] =	vst v63  }
0x21: {  	s21 =	simm.s32 $0x200;
	s22 =	simm.s32 $0xF080  }
0x22: {  	[tilespmem:s22], [sflag:$0x6] =	stream.indirect.gather [hbm4b:s1+s14], $0x80, s21, s14, $0xb8;
	[tilespmem:$0x19100] =	vst v63  }
0x23: {  	s23 =	simm.s32 $0x280;
	s24 =	simm.s32 $0x11880  }
0x24: {  	[tilespmem:s24], [sflag:$0x7] =	stream.indirect.gather [hbm4b:s1+s14], $0x80, s23, s14, $0xb8;
	[tilespmem:$0x19100] =	vst v63  }
0x25: {  	s25 =	simm.s32 $0x300;
	s26 =	simm.s32 $0x14080  }
0x26: {  	[tilespmem:s26], [sflag:$0x8] =	stream.indirect.gather [hbm4b:s1+s14], $0x80, s25, s14, $0xb8;
	[tilespmem:$0x19100] =	vst v63  }
0x27: {  	s28 =	simm.s32 $0x380;
	s30 =	simm.s32 $0x16880;
	s31 =	simm.s32 $0x1  }
0x28: {  	[tilespmem:s30], [sflag:$0x9] =	stream.indirect.gather [hbm4b:s1+s14], $0x80, s28, s14, $0xb8;
	[tilespmem:$0x19100] =	vst v63  }
0x29: {  	_ =	swait.ge [sflag:s31], $0x4000  }
0x2a: {  	s2 =	simm.s32 $0x0;
	s0 =	simm.s32 $0x0;
	[sflag:s31] =	ssyncset.done $0x0  }
0x2b: {  	s11 =	simm.s32 $0x0;
	s17 =	simm.s32 $0x10C0;
	[sflag:s31] =	ssyncadd.s32 $0xFFFFC000  }
.LBB2_2:
0x2c: {  	s13 =	sand.u32 $0x7, s0  }
0x2d: {  	s15 =	sand.u32 $0x7, s11;
	s14 =	smul.u32 $0xA000, s13  }
0x2e: {  	s13 =	sadd.s32 $0x2, s15;
	s16 =	smul.u32 $0xA000, s15  }
0x2f: {  	s31 =	smov.u32 s17;
	_ =	swait.ge [sflag:s13], $0x2800;
	s14 =	sshrl.u32 s14, $0x2  }
0x30: {  	[sflag:s13] =	ssyncset.done $0x0;
	s30 =	sshrl.u32 s16, $0x2;
	s16 =	simm.s32 $0x0  }
0x31: {  	s15 =	sadd.s32 $0x5580, s14;
	[sflag:s13] =	ssyncadd.s32 $0xFFFFD800;
	s14 =	sadd.s32 $0x5080, s30  }
.LBB2_3:
0x32: {  	v7 =	vld [tilespmem:s31+$0xFFFFFFC0]  }
0x33: {  	v6 =	vld [tilespmem:s31+$0xFFFFFFD0]  }
0x34: {  	v5 =	vld [tilespmem:s31+$0xFFFFFFE0]  }
0x35: {  	v4 =	vld [tilespmem:s31+$0xFFFFFFF0]  }
0x36: {  	v0 =	vld [tilespmem:s15+$0xFFFFFB00]  }
0x37: {  	v8 =	vld [tilespmem:s15+$0xFFFFFB10]  }
0x38: {  	v3 =	vld [tilespmem:s31+$0x0]  }
0x39: {  	v9 =	vld [tilespmem:s15+$0xFFFFFB20]  }
0x3a: {  	v2 =	vld [tilespmem:s31+$0x10]  }
0x3b: {  	v10 =	vld [tilespmem:s15+$0xFFFFFB30]  }
0x3c: {  	v1 =	vld [tilespmem:s31+$0x20]  }
0x3d: {  	v12 =	vld [tilespmem:s15+$0xFFFFFB40]  }
0x3e: {  	v13 =	vld [tilespmem:s15+$0xFFFFFB50]  }
0x3f: {  	v38 =	vld [tilespmem:s15+$0xFFFFFB60]  }
0x40: {  	v14 =	vld [tilespmem:s15+$0xFFFFFB80]  }
0x41: {  	v41 =	vld [tilespmem:s15+$0xFFFFFB90]  }
0x42: {  	v15 =	vld [tilespmem:s15+$0xFFFFFB70]  }
0x43: {  	v44 =	vld [tilespmem:s15+$0xFFFFFBA0]  }
0x44: {  	v16 =	vld [tilespmem:s15+$0xFFFFFBB0]  }
0x45: {  	v47 =	vld [tilespmem:s15+$0xFFFFFC00]  }
0x46: {  	v17 =	vld [tilespmem:s15+$0xFFFFFC10]  }
0x47: {  	v49 =	vld [tilespmem:s15+$0xFFFFFBC0]  }
0x48: {  	v18 =	vld [tilespmem:s15+$0xFFFFFC20]  }
0x49: {  	v51 =	vld [tilespmem:s15+$0xFFFFFBD0]  }
0x4a: {  	v53 =	vld [tilespmem:s15+$0xFFFFFC30]  }
0x4b: {  	v19 =	vld [tilespmem:s15+$0xFFFFFBE0];
	v11 =	vsub.f32 v0, v7;
	v8 =	vsub.f32 v8, v6  }
0x4c: {  	v55 =	vld [tilespmem:s15+$0xFFFFFC40];
	v9 =	vsub.f32 v9, v5;
	v10 =	vsub.f32 v10, v4  }
0x4d: {  	v20 =	vld [tilespmem:s15+$0xFFFFFBF0];
	v40 =	vsub.f32 v12, v3;
	v43 =	vsub.f32 v13, v2  }
0x4e: {  	v61 =	vld [tilespmem:s15+$0xFFFFFC60];
	v46 =	vsub.f32 v38, v1;
	v14 =	vsub.f32 v14, v7  }
0x4f: {  	v22 =	vld [tilespmem:s15+$0xFFFFFC80];
	v12 =	vsub.f32 v41, v6;
	v13 =	vsub.f32 v44, v5  }
0x50: {  	v33 =	vld [tilespmem:s15+$0xFFFFFD20];
	v52 =	vsub.f32 v16, v4;
	v17 =	vsub.f32 v17, v6  }
0x51: {  	v35 =	vld [tilespmem:s15+$0xFFFFFCC0];
	v18 =	vsub.f32 v18, v5;
	v56 =	vsub.f32 v51, v2  }
0x52: {  	v36 =	vld [tilespmem:s15+$0xFFFFFD30];
	v16 =	vsub.f32 v53, v4;
	v60 =	vsub.f32 v19, v1  }
0x53: {  	v57 =	vld [tilespmem:s15+$0xFFFFFC50];
	v27 =	vsub.f32 v61, v1;
	v11 =	vmul.f32 v11, v11;
	v8 =	vmul.f32 v8, v8  }
0x54: {  	v28 =	vld [tilespmem:s15+$0xFFFFFD00];
	v32 =	vsub.f32 v22, v7;
	v9 =	vmul.f32 v9, v9;
	v39 =	vmul.f32 v10, v10  }
0x55: {  	v62 =	vld [tilespmem:s15+$0xFFFFFC70];
	v19 =	vsub.f32 v33, v5;
	v42 =	vmul.f32 v40, v40;
	v45 =	vmul.f32 v43, v43  }
0x56: {  	v23 =	vld [tilespmem:s15+$0xFFFFFC90];
	v38 =	vsub.f32 v35, v3;
	v48 =	vmul.f32 v46, v46;
	v14 =	vmul.f32 v14, v14  }
0x57: {  	v0 =	vld [tilespmem:s31+$0x30];
	v41 =	vsub.f32 v36, v4;
	v12 =	vmul.f32 v12, v12;
	v13 =	vmul.f32 v13, v13  }
0x58: {  	v25 =	vld [tilespmem:s15+$0xFFFFFCA0];
	v54 =	vmul.f32 v52, v52;
	v10 =	vsub.f32 v49, v3;
	v17 =	vmul.f32 v17, v17  }
0x59: {  	v22 =	vld [tilespmem:s15+$0xFFFFFCE0];
	v58 =	vmul.f32 v18, v18;
	v59 =	vmul.f32 v56, v56;
	v18 =	vsub.f32 v28, v7  }
0x5a: {  	v44 =	vld [tilespmem:s15+$0xFFFFFD60];
	v16 =	vmul.f32 v16, v16;
	v8 =	vadd.f32 v8, v11;
	v12 =	vadd.f32 v12, v14  }
0x5b: {  	v29 =	vld [tilespmem:s15+$0xFFFFFD10];
	v63 =	vmul.f32 v60, v60;
	v11 =	vsub.f32 v47, v7;
	v14 =	vsub.f32 v55, v3  }
0x5c: {  	v31 =	vld [tilespmem:s15+$0xFFFFFCB0];
	v30 =	vmul.f32 v27, v27;
	v50 =	vsub.f32 v15, v0;
	v21 =	vsub.f32 v20, v0  }
0x5d: {  	v37 =	vld [tilespmem:s15+$0xFFFFFD40];
	v40 =	vmul.f32 v19, v19;
	v15 =	vsub.f32 v57, v2;
	v34 =	vsub.f32 v62, v0  }
0x5e: {  	v10 =	vmul.f32 v10, v10;
	v20 =	vld [tilespmem:s15+$0xFFFFFDD0];
	v8 =	vadd.f32 v9, v8;
	v12 =	vadd.f32 v13, v12  }
0x5f: {  	v47 =	vsub.f32 v22, v1;
	v53 =	vsub.f32 v44, v1;
	v22 =	vld [tilespmem:s15+$0xFFFFFDE0];
	v11 =	vmul.f32 v11, v11  }
0x60: {  	v61 =	vld [tilespmem:s15+$0xFFFFFDA0];
	v18 =	vmul.f32 v18, v18;
	v8 =	vadd.f32 v39, v8;
	v12 =	vadd.f32 v54, v12  }
0x61: {  	v13 =	vsub.f32 v25, v5;
	v24 =	vmul.f32 v21, v21;
	v21 =	vld [tilespmem:s15+$0xFFFFFCD0];
	v11 =	vadd.f32 v17, v11  }
0x62: {  	v14 =	vmul.f32 v14, v14;
	v39 =	vld [tilespmem:s15+$0xFFFFFD50];
	v8 =	vadd.f32 v42, v8;
	v10 =	vadd.f32 v10, v12  }
0x63: {  	v33 =	vld [tilespmem:s15+$0xFFFFFE80];
	v26 =	vmul.f32 v15, v15;
	v11 =	vadd.f32 v58, v11;
	v28 =	vsub.f32 v20, v2  }
0x64: {  	v35 =	vld [tilespmem:s15+$0xFFFFFE90];
	v15 =	vmul.f32 v32, v32;
	v32 =	vsub.f32 v22, v1;
	v8 =	vadd.f32 v45, v8  }
0x65: {  	v56 =	vld [tilespmem:s15+$0xFFFFFD80];
	v9 =	vmul.f32 v50, v50;
	v10 =	vadd.f32 v59, v10;
	v11 =	vadd.f32 v16, v11  }
0x66: {  	v25 =	vld [tilespmem:s15+$0xFFFFFE10];
	v57 =	vmul.f32 v53, v53;
	v16 =	vsub.f32 v23, v6;
	v43 =	vsub.f32 v21, v2  }
0x67: {  	v13 =	vmul.f32 v13, v13;
	v23 =	vld [tilespmem:s15+$0xFFFFFCF0];
	v17 =	vsub.f32 v39, v2;
	v8 =	vadd.f32 v48, v8  }
0x68: {  	v12 =	vmul.f32 v34, v34;
	v59 =	vld [tilespmem:s15+$0xFFFFFD90];
	v10 =	vadd.f32 v63, v10;
	v11 =	vadd.f32 v14, v11  }
0x69: {  	v16 =	vmul.f32 v16, v16;
	v14 =	vsub.f32 v31, v4;
	v48 =	vld [tilespmem:s15+$0xFFFFFD70];
	v8 =	vadd.f32 v9, v8  }
0x6a: {  	v46 =	vmul.f32 v43, v43;
	v43 =	vld [tilespmem:s15+$0xFFFFFE60];
	v10 =	vadd.f32 v24, v10;
	v11 =	vadd.f32 v26, v11  }
0x6b: {  	v53 =	vld [tilespmem:s15+$0xFFFFFF10];
	v42 =	vmul.f32 v38, v38;
	v9 =	vsub.f32 v29, v6;
	v15 =	vadd.f32 v16, v15  }
0x6c: {  	v38 =	vld [tilespmem:s15+$0xFFFFFEA0];
	v52 =	vmul.f32 v17, v17;
	v16 =	vsub.f32 v37, v3;
	v51 =	vsub.f32 v23, v0  }
0x6d: {  	v26 =	vld [tilespmem:s15+$0xFFFFFDF0];
	v17 =	vsub.f32 v59, v6;
	v11 =	vadd.f32 v30, v11;
	v9 =	vmul.f32 v9, v9  }
0x6e: {  	v14 =	vmul.f32 v14, v14;
	v23 =	vld [tilespmem:s15+$0xFFFFFE00];
	v13 =	vadd.f32 v13, v15;
	v58 =	vsub.f32 v48, v0  }
0x6f: {  	(xrf2) =	vadd.scan.msk.f32 $0xffff, v8;
	v30 =	vld [tilespmem:s15+$0xFFFFFE30];
	v55 =	vmul.f32 v51, v51;
	v51 =	vsub.f32 v43, v1;
	v9 =	vadd.f32 v9, v18  }
0x70: {  	v45 =	vmul.f32 v41, v41;
	v29 =	vld [tilespmem:s15+$0xFFFFFE20];
	v13 =	vadd.f32 v14, v13;
	v54 =	vadd.f32 v12, v11  }
0x71: {  	(xrf2) =	vadd.scan.msk.f32 $0xffff, v10;
	v48 =	vld [tilespmem:s15+$0xFFFFFED0];
	v12 =	vmul.f32 v17, v17;
	v11 =	vsub.f32 v61, v5;
	v17 =	vsub.f32 v38, v5  }
0x72: {  	v36 =	vmul.f32 v32, v32;
	v32 =	vld [tilespmem:s15+$0xFFFFFFB0];
	v39 =	vsub.f32 v26, v0;
	v9 =	vadd.f32 v40, v9  }
0x73: {  	v50 =	vmul.f32 v47, v47;
	v13 =	vadd.f32 v42, v13;
	v14 =	vsub.f32 v23, v7;
	v40 =	vld [tilespmem:s15+$0xFFFFFE50]  }
0x74: {  	v16 =	vmul.f32 v16, v16;
	v42 =	vld [tilespmem:s15+$0xFFFFFEB0];
	v41 =	vsub.f32 v30, v4;
	v9 =	vadd.f32 v45, v9  }
0x75: {  	v31 =	vmul.f32 v28, v28;
	v49 =	vadd.f32 v46, v13;
	v13 =	vsub.f32 v29, v5;
	v46 =	vld [tilespmem:s15+$0xFFFFFE70]  }
0x76: {  	v63 =	vld [tilespmem:s15+$0xFFFFFDB0];
	v60 =	vmul.f32 v58, v58;
	(xrf2) =	vadd.scan.msk.f32 $0xffff, v54;
	v15 =	vsub.f32 v48, v2;
	v9 =	vadd.f32 v16, v9  }
0x77: {  	v18 =	vld [tilespmem:s15+$0xFFFFFDC0];
	v11 =	vmul.f32 v11, v11;
	v8 =	vadd.f32 v50, v49;
	v16 =	vsub.f32 v56, v7  }
0x78: {  	v37 =	vld [tilespmem:s15+$0xFFFFFE40];
	v17 =	vmul.f32 v17, v17;
	v47 =	vsub.f32 v40, v2;
	v9 =	vadd.f32 v52, v9  }
0x79: {  	v56 =	vld [tilespmem:s15+$0xFFFFFEF0];
	v8 =	vadd.f32 v55, v8;
	v19, _, _ =	vpop (xrf2);
	v10 =	vmul.f32 v16, v16;
	v16 =	vsub.f32 v42, v4  }
0x7a: {  	v38 =	vld [tilespmem:s15+$0xFFFFFFE0];
	v54 =	vmul.f32 v51, v51;
	(v2sf) =	vpush v19, $0xF;
	v55 =	vsub.f32 v46, v0  }
0x7b: {  	v14 =	vmul.f32 v14, v14;
	v45 =	vld [tilespmem:s15+$0xFFFFFEC0];
	v21, _, _ =	vpop (xrf2);
	v9 =	vadd.f32 v57, v9;
	v10 =	vadd.f32 v12, v10  }
0x7c: {  	v44 =	vmul.f32 v41, v41;
	v52 =	vld [tilespmem:s15+$0xFFFFFF00];
	(xrf2) =	vadd.scan.msk.f32 $0xffff, v8;
	(v2sf) =	vpush v21, $0xF;
	v8 =	vsub.f32 v18, v3  }
0x7d: {  	v29 =	vld [tilespmem:s15+$0xFFFFFFA0];
	v13 =	vmul.f32 v13, v13;
	v12 =	vsub.f32 v33, v7;
	v18 =	vsub.f32 v35, v6  }
0x7e: {  	v49 =	vld [tilespmem:s15+$0xFFFFFEE0];
	v61 =	vmul.f32 v15, v15;
	v30 =	vsub.f32 v56, v0;
	v62 =	vadd.f32 v60, v9  }
0x7f: {  	v50 =	vmul.f32 v47, v47;
	v33 =	vld [tilespmem:s15+$0xFFFFFF60];
	v9 =	vsub.f32 v63, v4;
	v10 =	vadd.f32 v11, v10  }
0x80: {  	v41 =	vld [tilespmem:s15+$0x0];
	v24, _, _ =	vpop (xrf2);
	v11 =	vsub.f32 v25, v6;
	v12 =	vmul.f32 v12, v12;
	v18 =	vmul.f32 v18, v18  }
0x81: {  	v42 =	vld [tilespmem:s15+$0x10];
	v59 =	vmul.f32 v55, v55;
	(v2sf) =	vpush v24, $0xF;
	v23 =	vsub.f32 v52, v7  }
0x82: {  	v55 =	vld [tilespmem:s15+$0x90];
	v52 =	vsub.f32 v38, v1;
	v9 =	vmul.f32 v9, v9;
	v12 =	vadd.f32 v18, v12  }
0x83: {  	v63 =	vld [tilespmem:s15+$0xFFFFFF80];
	(xrf2) =	vadd.scan.msk.f32 $0xffff, v62;
	v11 =	vmul.f32 v11, v11;
	v62 =	vsub.f32 v49, v1;
	v18 =	vsub.f32 v29, v5  }
0x84: {  	v16 =	vmul.f32 v16, v16;
	v57 =	vld [tilespmem:s15+$0xFFFFFF20];
	v40 =	vsub.f32 v33, v1;
	v9 =	vadd.f32 v9, v10  }
0x85: {  	v8 =	vmul.f32 v8, v8;
	v24 =	vld [tilespmem:s15+$0xFFFFFF90];
	v11 =	vadd.f32 v11, v14;
	v10 =	vsub.f32 v37, v3  }
0x86: {  	v47 =	vld [tilespmem:s15+$0x20];
	v28 =	vmul.f32 v23, v23;
	v12 =	vadd.f32 v17, v12;
	v14 =	vsub.f32 v45, v3  }
0x87: {  	v35 =	vld [tilespmem:s15+$0xFFFFFF70];
	v17 =	vsub.f32 v53, v6;
	v26 =	vmul.f32 v62, v62;
	v21 =	vsub.f32 v55, v6  }
0x88: {  	v29 =	vld [tilespmem:s15+$0x60];
	v18 =	vmul.f32 v18, v18;
	v15 =	vsub.f32 v63, v7;
	v8 =	vadd.f32 v8, v9  }
0x89: {  	v37 =	vld [tilespmem:s15+$0xFFFFFFD0];
	v11 =	vadd.f32 v13, v11;
	v12 =	vadd.f32 v16, v12;
	v14 =	vmul.f32 v14, v14  }
0x8a: {  	v45 =	vld [tilespmem:s15+$0xFFFFFFF0];
	v17 =	vmul.f32 v17, v17;
	v16 =	vsub.f32 v57, v5;
	v19 =	vsub.f32 v24, v6  }
0x8b: {  	v60 =	vld [tilespmem:s15+$0xFFFFFF30];
	v43 =	vmul.f32 v40, v40;
	v8 =	vadd.f32 v31, v8;
	v11 =	vadd.f32 v44, v11  }
0x8c: {  	v49 =	vld [tilespmem:s15+$0x30];
	v9 =	vmul.f32 v39, v39;
	v12 =	vadd.f32 v14, v12;
	v14 =	vadd.f32 v17, v28  }
0x8d: {  	v33 =	vld [tilespmem:s15+$0xE0];
	v10 =	vmul.f32 v10, v10;
	v27, _, _ =	vpop (xrf2);
	v17 =	vsub.f32 v32, v4;
	v44 =	vsub.f32 v35, v0  }
0x8e: {  	v53 =	vld [tilespmem:s15+$0x80];
	v15 =	vmul.f32 v15, v15;
	v35 =	vsub.f32 v29, v1;
	(v2sf) =	vpush v27, $0xF  }
0x8f: {  	v63 =	vld [tilespmem:s15+$0x50];
	v16 =	vmul.f32 v16, v16;
	v46 =	vsub.f32 v37, v2;
	v62 =	vsub.f32 v45, v0  }
0x90: {  	v40 =	vld [tilespmem:s15+$0xF0];
	v19 =	vmul.f32 v19, v19;
	v8 =	vadd.f32 v36, v8;
	v10 =	vadd.f32 v10, v11  }
0x91: {  	v57 =	vmul.f32 v52, v52;
	v31 =	vld [tilespmem:s15+$0xFFFFFF50];
	v25 =	vadd.f32 v61, v12;
	v11 =	vsub.f32 v60, v4  }
0x92: {  	v21 =	vmul.f32 v21, v21;
	v28 =	vld [tilespmem:s15+$0xB0];
	v14 =	vadd.f32 v16, v14;
	v15 =	vadd.f32 v19, v15  }
0x93: {  	v24 =	vld [tilespmem:s15+$0x70];
	v12 =	vmul.f32 v30, v30;
	v60 =	vsub.f32 v47, v5;
	v47 =	vsub.f32 v33, v1  }
0x94: {  	v27 =	vld [tilespmem:s15+$0xFFFFFF40];
	v17 =	vmul.f32 v17, v17;
	v10 =	vadd.f32 v50, v10;
	v8 =	vadd.f32 v9, v8  }
0x95: {  	v32 =	vld [tilespmem:s15+$0xD0];
	v48 =	vmul.f32 v44, v44;
	v34, _, _ =	vpop (xrf2);
	v15 =	vadd.f32 v18, v15;
	v18 =	vsub.f32 v42, v6  }
0x96: {  	v37 =	vld [tilespmem:s15+$0x110];
	v38 =	vmul.f32 v35, v35;
	(v2sf) =	vpush v34, $0xF;
	v36 =	vsub.f32 v31, v2  }
0x97: {  	v61 =	vld [tilespmem:s15+$0xA0];
	v11 =	vmul.f32 v11, v11;
	v31 =	vsub.f32 v63, v2;
	v19 =	vsub.f32 v28, v4  }
0x98: {  	v51 =	vmul.f32 v46, v46;
	v42 =	vld [tilespmem:s15+$0x120];
	v58 =	vadd.f32 v54, v10;
	v10 =	vadd.f32 v26, v25  }
0x99: {  	v52 =	vmul.f32 v47, v47;
	v34 =	vld [tilespmem:s15+$0xFFFFFFC0];
	v13 =	vsub.f32 v27, v3;
	v11 =	vadd.f32 v11, v14  }
0x9a: {  	v63 =	vld [tilespmem:s15+$0x1D0];
	v15 =	vadd.f32 v17, v15;
	v54 =	vsub.f32 v41, v7;
	v18 =	vmul.f32 v18, v18  }
0x9b: {  	v27 =	vmul.f32 v60, v60;
	v14 =	vmul.f32 v62, v62;
	v17 =	vsub.f32 v53, v7;
	v60 =	vld [tilespmem:s15+$0x1B0]  }
0x9c: {  	v41 =	vsub.f32 v32, v2;
	v26 =	vld [tilespmem:s15+$0x170];
	v20 =	vsub.f32 v61, v5;
	v13 =	vmul.f32 v13, v13  }
0x9d: {  	v30 =	vld [tilespmem:s15+$0xC0];
	v39 =	vmul.f32 v36, v36;
	v9 =	vadd.f32 v59, v58;
	v10 =	vadd.f32 v12, v10  }
0x9e: {  	v36 =	vld [tilespmem:s15+$0x100];
	v17 =	vmul.f32 v17, v17;
	v55 =	vsub.f32 v42, v5;
	v11 =	vadd.f32 v13, v11  }
0x9f: {  	v44 =	vld [tilespmem:s15+$0x130];
	v19 =	vmul.f32 v19, v19;
	v16 =	vsub.f32 v34, v3;
	v13 =	vsub.f32 v49, v4  }
0xa0: {  	v28 =	vld [tilespmem:s15+$0x1E0];
	v20 =	vmul.f32 v20, v20;
	v17 =	vadd.f32 v21, v17;
	v35 =	vsub.f32 v63, v2  }
0xa1: {  	v58 =	vld [tilespmem:s15+$0x40];
	v59 =	vmul.f32 v54, v54;
	v21 =	vsub.f32 v60, v4;
	v26 =	vsub.f32 v26, v0  }
0xa2: {  	v25 =	vld [tilespmem:s15+$0x160];
	v34 =	vmul.f32 v31, v31;
	v11 =	vadd.f32 v39, v11;
	v17 =	vadd.f32 v20, v17  }
0xa3: {  	v31 =	vld [tilespmem:s15+$0x200];
	v16 =	vmul.f32 v16, v16;
	v39 =	vsub.f32 v24, v0;
	v49 =	vsub.f32 v36, v7  }
0xa4: {  	v53 =	vld [tilespmem:s15+$0x140];
	v46 =	vmul.f32 v41, v41;
	v20 =	vsub.f32 v37, v6;
	v11 =	vadd.f32 v43, v11  }
0xa5: {  	v13 =	vmul.f32 v13, v13;
	v36 =	vld [tilespmem:s15+$0x220];
	v50 =	vadd.f32 v16, v15;
	v16 =	vadd.f32 v18, v59  }
0xa6: {  	v32 =	vld [tilespmem:s15+$0x210];
	v21 =	vmul.f32 v21, v21;
	v15 =	vsub.f32 v58, v3;
	v18 =	vsub.f32 v30, v3  }
0xa7: {  	v61 =	vld [tilespmem:s15+$0x1C0];
	v26 =	vmul.f32 v26, v26;
	v17 =	vadd.f32 v19, v17;
	v30 =	vsub.f32 v25, v1  }
0xa8: {  	v41 =	vld [tilespmem:s15+$0x280];
	v54 =	vmul.f32 v49, v49;
	v42 =	vsub.f32 v31, v7;
	v56 =	vadd.f32 v51, v50  }
0xa9: {  	v58 =	vld [tilespmem:s15+$0x150];
	v11 =	vadd.f32 v48, v11;
	v16 =	vadd.f32 v27, v16;
	v18 =	vmul.f32 v18, v18  }
0xaa: {  	v20 =	vmul.f32 v20, v20;
	v48 =	vld [tilespmem:s15+$0x180];
	v24 =	vsub.f32 v36, v5;
	v12 =	vadd.f32 v57, v56  }
0xab: {  	v43 =	vmul.f32 v39, v39;
	v50 =	vld [tilespmem:s15+$0x190];
	v13 =	vadd.f32 v13, v16;
	v45 =	vadd.f32 v18, v17  }
0xac: {  	v59 =	vmul.f32 v55, v55;
	v27 =	vld [tilespmem:s15+$0x2A0];
	v57 =	vsub.f32 v40, v0;
	v18 =	vadd.f32 v20, v54  }
0xad: {  	v15 =	vmul.f32 v15, v15;
	v36 =	vld [tilespmem:s15+$0x340];
	v17 =	vsub.f32 v53, v3;
	v20 =	vsub.f32 v61, v3  }
0xae: {  	v39 =	vmul.f32 v35, v35;
	v56 =	vld [tilespmem:s15+$0x1A0];
	v40 =	vsub.f32 v28, v1;
	v62 =	vsub.f32 v58, v2  }
0xaf: {  	v33 =	vmul.f32 v30, v30;
	v28 =	vld [tilespmem:s15+$0x260];
	v13 =	vadd.f32 v15, v13;
	v12 =	vadd.f32 v14, v12  }
0xb0: {  	v53 =	vld [tilespmem:s15+$0x2E0];
	v47 =	vmul.f32 v24, v24;
	v51 =	vadd.f32 v46, v45;
	v15 =	vsub.f32 v44, v4  }
0xb1: {  	v54 =	vld [tilespmem:s15+$0x2F0];
	v18 =	vadd.f32 v59, v18;
	v16 =	vmul.f32 v57, v57;
	v19 =	vsub.f32 v48, v7  }
0xb2: {  	v63 =	vld [tilespmem:s15+$0x390];
	v44 =	vmul.f32 v40, v40;
	v23 =	vsub.f32 v50, v6;
	v27 =	vsub.f32 v27, v5  }
0xb3: {  	v37 =	vld [tilespmem:s15+$0x230];
	v29 =	vmul.f32 v62, v62;
	v13 =	vadd.f32 v34, v13;
	v14 =	vadd.f32 v52, v51  }
0xb4: {  	v48 =	vld [tilespmem:s15+$0x2B0];
	v15 =	vmul.f32 v15, v15;
	v40 =	vsub.f32 v36, v3;
	v22 =	vsub.f32 v56, v5  }
0xb5: {  	v62 =	vld [tilespmem:s15+$0x380];
	v19 =	vmul.f32 v19, v19;
	v52 =	vsub.f32 v28, v1;
	v61 =	vsub.f32 v53, v1  }
0xb6: {  	v49 =	vld [tilespmem:s15+$0x2C0];
	v23 =	vmul.f32 v23, v23;
	v35 =	vsub.f32 v54, v0;
	v13 =	vadd.f32 v38, v13  }
0xb7: {  	v17 =	vmul.f32 v17, v17;
	v34 =	vld [tilespmem:s15+$0x1F0];
	v15 =	vadd.f32 v15, v18;
	v14 =	vadd.f32 v16, v14  }
0xb8: {  	v20 =	vmul.f32 v20, v20;
	v45 =	vld [tilespmem:s15+$0x240];
	v16 =	vsub.f32 v37, v4;
	v19 =	vadd.f32 v23, v19  }
0xb9: {  	v37 =	vld [tilespmem:s15+$0x3B0];
	v22 =	vmul.f32 v22, v22;
	v13 =	vadd.f32 v43, v13;
	v15 =	vadd.f32 v17, v15  }
0xba: {  	v57 =	vld [tilespmem:s15+$0x300];
	v51 =	vmul.f32 v27, v27;
	v24 =	vsub.f32 v48, v4;
	v27 =	vsub.f32 v62, v7  }
0xbb: {  	v23 =	vmul.f32 v42, v42;
	v43 =	vld [tilespmem:s15+$0x290];
	v19 =	vadd.f32 v22, v19;
	v22 =	vsub.f32 v32, v6  }
0xbc: {  	v46 =	vld [tilespmem:s15+$0x250];
	v55 =	vmul.f32 v52, v52;
	v18 =	vsub.f32 v34, v0;
	v15 =	vadd.f32 v29, v15  }
0xbd: {  	v50 =	vld [tilespmem:s15+$0x2D0];
	v31 =	vmul.f32 v61, v61;
	v19 =	vadd.f32 v21, v19;
	v21 =	vsub.f32 v41, v7  }
0xbe: {  	v34 =	vld [tilespmem:s15+$0x3A0];
	v22 =	vmul.f32 v22, v22;
	v42 =	vsub.f32 v37, v4;
	v15 =	vadd.f32 v33, v15  }
0xbf: {  	v16 =	vmul.f32 v16, v16;
	v62 =	vld [tilespmem:s15+$0x440];
	v33 =	vsub.f32 v57, v7;
	v38 =	vadd.f32 v20, v19  }
0xc0: {  	v29 =	vld [tilespmem:s15+$0x270];
	v24 =	vmul.f32 v24, v24;
	v22 =	vadd.f32 v22, v23;
	v25 =	vsub.f32 v43, v6  }
0xc1: {  	v48 =	vld [tilespmem:s15+$0x480];
	v27 =	vmul.f32 v27, v27;
	v20 =	vsub.f32 v45, v3;
	v19 =	vsub.f32 v46, v2  }
0xc2: {  	v18 =	vmul.f32 v18, v18;
	v41 =	vld [tilespmem:s15+$0x400];
	v23 =	vsub.f32 v49, v3;
	v15 =	vadd.f32 v26, v15  }
0xc3: {  	v21 =	vmul.f32 v21, v21;
	v43 =	vld [tilespmem:s15+$0x410];
	v26 =	vsub.f32 v34, v5;
	v17 =	vadd.f32 v39, v38  }
0xc4: {  	v46 =	vld [tilespmem:s15+$0x420];
	v34 =	vsub.f32 v62, v3;
	v22 =	vadd.f32 v47, v22;
	v25 =	vmul.f32 v25, v25  }
0xc5: {  	v60 =	vld [tilespmem:s15+$0x320];
	v20 =	vmul.f32 v20, v20;
	v56 =	vsub.f32 v29, v0;
	v17 =	vadd.f32 v44, v17  }
0xc6: {  	v53 =	vld [tilespmem:s15+$0x4A0];
	v19 =	vmul.f32 v19, v19;
	v16 =	vadd.f32 v16, v22;
	v21 =	vadd.f32 v25, v21  }
0xc7: {  	v23 =	vmul.f32 v23, v23;
	v38 =	vld [tilespmem:s15+$0x350];
	v22 =	vsub.f32 v50, v2;
	v25 =	vsub.f32 v41, v7  }
0xc8: {  	v58 =	vld [tilespmem:s15+$0x310];
	v47 =	vmul.f32 v42, v42;
	v7 =	vsub.f32 v48, v7;
	v52 =	vsub.f32 v43, v6  }
0xc9: {  	v59 =	vmul.f32 v56, v56;
	v50 =	vld [tilespmem:s15+$0x490];
	v56 =	vsub.f32 v46, v5;
	v16 =	vadd.f32 v20, v16  }
0xca: {  	v26 =	vmul.f32 v26, v26;
	v21 =	vadd.f32 v51, v21;
	v17 =	vadd.f32 v18, v17  }
0xcb: {  	v44 =	vmul.f32 v40, v40;
	v20 =	vsub.f32 v60, v5;
	v18 =	vsub.f32 v63, v6  }
0xcc: {  	v22 =	vmul.f32 v22, v22;
	v51 =	vld [tilespmem:s15+$0x430];
	v5 =	vsub.f32 v53, v5;
	v45 =	vsub.f32 v38, v2  }
0xcd: {  	v32 =	vld [tilespmem:s15+$0x330];
	v7 =	vmul.f32 v7, v7;
	v16 =	vadd.f32 v19, v16;
	v21 =	vadd.f32 v24, v21  }
0xce: {  	v57 =	vld [tilespmem:s15+$0x4B0];
	v24 =	vsub.f32 v58, v6;
	v18 =	vmul.f32 v18, v18;
	v6 =	vsub.f32 v50, v6  }
0xcf: {  	v39 =	vld [tilespmem:s15+$0x3C0];
	v60 =	vmul.f32 v56, v56;
	v16 =	vadd.f32 v55, v16;
	v21 =	vadd.f32 v23, v21  }
0xd0: {  	v63 =	vld [tilespmem:s15+$0x4C0];
	v23 =	vmul.f32 v33, v33;
	v24 =	vmul.f32 v24, v24;
	v18 =	vadd.f32 v18, v27  }
0xd1: {  	v38 =	vld [tilespmem:s15+$0x460];
	v20 =	vmul.f32 v20, v20;
	v61 =	vsub.f32 v51, v4;
	v16 =	vadd.f32 v59, v16  }
0xd2: {  	v5 =	vmul.f32 v5, v5;
	v30 =	vadd.f32 v22, v21;
	v23 =	vadd.f32 v24, v23  }
0xd3: {  	v36 =	vld [tilespmem:s15+$0x3F0];
	v6 =	vmul.f32 v6, v6;
	v22 =	vsub.f32 v32, v4;
	v18 =	vadd.f32 v26, v18  }
0xd4: {  	v54 =	vld [tilespmem:s15+$0x360];
	v49 =	vmul.f32 v45, v45;
	v24 =	vsub.f32 v39, v3;
	v4 =	vsub.f32 v57, v4  }
0xd5: {  	v21 =	vmul.f32 v35, v35;
	v59 =	vld [tilespmem:s15+$0x3E0];
	v3 =	vsub.f32 v63, v3;
	v6 =	vadd.f32 v6, v7  }
0xd6: {  	v32 =	vld [tilespmem:s15+$0x450];
	v7 =	vsub.f32 v38, v1;
	v20 =	vadd.f32 v20, v23;
	v22 =	vmul.f32 v22, v22  }
0xd7: {  	v35 =	vld [tilespmem:s15+$0x370];
	v19 =	vadd.f32 v31, v30;
	v18 =	vadd.f32 v47, v18;
	v24 =	vmul.f32 v24, v24  }
0xd8: {  	v41 =	vld [tilespmem:s15+$0x4E0];
	v55 =	vmul.f32 v25, v25;
	v5 =	vadd.f32 v5, v6;
	v20 =	vadd.f32 v22, v20  }
0xd9: {  	v33 =	vld [tilespmem:s15+$0x4D0];
	v4 =	vmul.f32 v4, v4;
	v19 =	vadd.f32 v21, v19;
	v18 =	vadd.f32 v24, v18  }
0xda: {  	v30 =	vld [tilespmem:s15+$0x3D0];
	v21 =	vmul.f32 v52, v52;
	v22 =	vsub.f32 v54, v1;
	v23 =	vsub.f32 v59, v1  }
0xdb: {  	v31 =	vmul.f32 v61, v61;
	v4 =	vadd.f32 v4, v5;
	v37 =	vsub.f32 v32, v2  }
0xdc: {  	v3 =	vmul.f32 v3, v3;
	v45 =	vsub.f32 v35, v0;
	v21 =	vadd.f32 v21, v55  }
0xdd: {  	(xrf2) =	vadd.scan.msk.f32 $0xffff, v8;
	v42 =	vld [tilespmem:s15+$0x470];
	v6 =	vmul.f32 v34, v34;
	v1 =	vsub.f32 v41, v1;
	v5 =	vsub.f32 v36, v0  }
0xde: {  	(xrf2) =	vadd.scan.msk.f32 $0xffff, v9;
	v7 =	vmul.f32 v7, v7;
	v20 =	vadd.f32 v44, v20;
	v21 =	vadd.f32 v60, v21  }
0xdf: {  	(xrf2) =	vadd.scan.msk.f32 $0xffff, v10;
	v39 =	vmul.f32 v22, v22;
	v58 =	vsub.f32 v30, v2;
	v2 =	vsub.f32 v33, v2  }
0xe0: {  	(xrf2) =	vadd.scan.msk.f32 $0xffff, v11;
	v44 =	vld [tilespmem:s15+$0x4F0];
	v40 =	vmul.f32 v23, v23;
	v8 =	vmul.f32 v37, v37;
	v21 =	vadd.f32 v31, v21  }
0xe1: {  	(xrf2) =	vadd.scan.msk.f32 $0xffff, v12;
	v3 =	vadd.f32 v3, v4;
	v20 =	vadd.f32 v49, v20;
	v29 =	vmul.f32 v58, v58  }
0xe2: {  	(xrf2) =	vadd.scan.msk.f32 $0xffff, v13;
	v4 =	vsub.f32 v42, v0;
	v2 =	vmul.f32 v2, v2;
	v6 =	vadd.f32 v6, v21  }
0xe3: {  	(xrf2) =	vadd.scan.msk.f32 $0xffff, v14;
	v5 =	vmul.f32 v5, v5;
	v9 =	vadd.f32 v39, v20;
	v18 =	vadd.f32 v29, v18  }
0xe4: {  	(xrf2) =	vadd.scan.msk.f32 $0xffff, v15;
	v2 =	vadd.f32 v2, v3;
	v3 =	vmul.f32 v45, v45;
	v6 =	vadd.f32 v8, v6  }
0xe5: {  	(xrf2) =	vadd.scan.msk.f32 $0xffff, v17;
	v1 =	vmul.f32 v1, v1;
	v0 =	vsub.f32 v44, v0;
	v43 =	vadd.f32 v40, v18  }
0xe6: {  	(xrf2) =	vadd.scan.msk.f32 $0xffff, v16;
	v4 =	vmul.f32 v4, v4;
	v3 =	vadd.f32 v3, v9;
	v6 =	vadd.f32 v7, v6  }
0xe7: {  	v46, _, _ =	vpop (xrf2);
	(xrf2) =	vadd.scan.msk.f32 $0xffff, v19;
	v1 =	vadd.f32 v1, v2;
	v0 =	vmul.f32 v0, v0;
	v5 =	vadd.f32 v5, v43  }
0xe8: {  	(v2sf) =	vpush v46, $0xF;
	v47, _, _ =	vpop (xrf2);
	(xrf2) =	vadd.scan.msk.f32 $0xffff, v3;
	v48 =	vadd.f32 v4, v6  }
0xe9: {  	(v2sf) =	vpush v47, $0xF;
	v49, _, _ =	vpop (xrf2);
	v0 =	vadd.f32 v0, v1;
	(xrf2) =	vadd.scan.msk.f32 $0xffff, v5  }
0xea: {  	(v2sf) =	vpush v49, $0xF;
	v50, _, _ =	vpop (xrf2);
	(xrf2) =	vadd.scan.msk.f32 $0xffff, v48  }
0xeb: {  	(v2sf) =	vpush v50, $0xF;
	v51, _, _ =	vpop (xrf2);
	(xrf2) =	vadd.scan.msk.f32 $0xffff, v0  }
0xec: {  	v52, _, _ =	vpop (xrf2);
	(v2sf) =	vpush v51, $0xF  }
0xed: {  	v53, _, _ =	vpop (xrf2);
	(v2sf) =	vpush v52, $0xF  }
0xee: {  	v54, _, _ =	vpop (xrf2);
	(v2sf) =	vpush v53, $0xF  }
0xef: {  	v55, _, _ =	vpop (xrf2);
	(v2sf) =	vpush v54, $0xF  }
0xf0: {  	v56, _, _ =	vpop (xrf2);
	(v2sf) =	vpush v55, $0xF  }
0xf1: {  	v57, _, _ =	vpop (xrf2);
	(v2sf) =	vpush v56, $0xF  }
0xf2: {  	s18 =	spop (v2sf);
	(v2sf) =	vpush v57, $0xF;
	v58, _, _ =	vpop (xrf2)  }
0xf3: {  	s19 =	spop (v2sf);
	(v2sf) =	vpush v58, $0xF;
	v59, _, _ =	vpop (xrf2)  }
0xf4: {  	s20 =	spop (v2sf);
	(v2sf) =	vpush v59, $0xF;
	v60, _, _ =	vpop (xrf2)  }
0xf5: {  	s21 =	spop (v2sf);
	(v2sf) =	vpush v60, $0xF;
	v61, _, _ =	vpop (xrf2)  }
0xf6: {  	s22 =	spop (v2sf);
	(v2sf) =	vpush v61, $0xF  }
0xf7: {  	s23 =	spop (v2sf)  }
0xf8: {  	s24 =	spop (v2sf)  }
0xf9: {  	s18 =	smin.f32 s18, s19;
	s25 =	spop (v2sf)  }
0xfa: {  	s20 =	smin.f32 s20, s21;
	s26 =	spop (v2sf)  }
0xfb: {  	s21 =	smin.f32 s22, s23;
	s8 =	spop (v2sf)  }
0xfc: {  	s22 =	smin.f32 s24, s25;
	s10 =	spop (v2sf)  }
0xfd: {  	s8 =	smin.f32 s26, s8;
	s4 =	spop (v2sf)  }
0xfe: {  	s26 =	smin.f32 s18, s20;
	s5 =	spop (v2sf)  }
0xff: {  	s4 =	smin.f32 s10, s4;
	s6 =	spop (v2sf)  }
0x100: {  	s4 =	smin.f32 s8, s4;
	s7 =	spop (v2sf)  }
0x101: {  	s5 =	smin.f32 s5, s6;
	s28 =	spop (v2sf)  }
0x102: {  	s23 =	smin.f32 s7, s28;
	s3 =	spop (v2sf)  }
0x103: {  	s28 =	smin.f32 s21, s22;
	s12 =	spop (v2sf)  }
0x104: {  	s5 =	smin.f32 s5, s23;
	s9 =	spop (v2sf)  }
0x105: {  	s25 =	sadd.s32 s16, s2;
	s4 =	smin.f32 s4, s5;
	s30 =	spop (v2sf)  }
0x106: {  	p0 =	sne.s32 s16, $0x3;
	v62 =	vmov s25;
	s3 =	smin.f32 s3, s12;
	s24 =	smin.f32 s9, s30  }
.Ltmp0:
0x107: {  	s30 =	smin.f32 s26, s28;
	(pc) =	sbr.rel @p0 .LBB2_3-.Ltmp0, $4  }
0x108: {  	s3 =	smin.f32 s3, s24;
	s4 =	smin.f32 s30, s4  }
0x109: {  	s3 =	smin.f32 s4, s3  }
0x10a: {  	v63 =	vmov s3  }
0x10b: {  	s31 =	sadd.s32 $0x80, s31;
	s15 =	sadd.s32 $0xA00, s15;
	s16 =	sadd.s32 $0x1, s16;
	[tilespmem:v62+s29+$0x0] =	vst.idx.msk $0x1, v63  }
0x10c: {  	p0 =	sgt.u32 s11, $0x17  }
0x10d: {  	s3 =	sshll.u32 @!p0 s11, $0x7  }
0x10e: {  	s3 =	sand.u32 @!p0 $0x3FFFFF80, s3  }
0x10f: {  	s4 =	simm.s32 @!p0 $0x50;
	s11 =	sadd.s32 $0x1, s11;
	s3 =	sadd.s32 @!p0 $0x400, s3  }
0x110: {  	[tilespmem:s14], [sflag:s13] =	stream.indirect.gather @!p0 [hbm4b:s1+s4], $0x80, s3, s4, $0xb8;
	[tilespmem:$0x19100] =	vst v63  }
0x111: {  	p0 =	sne.s32 s11, $0x20  }
.Ltmp1:
0x112: {  	_ = 	snop;
	(pc) =	sbr.rel @p0 .LBB2_2-.Ltmp1, $2  }
0x113: {  	_ =	sdelay $0x2  }
0x114: {  	s17 =	sadd.s32 $0x200, s17;
	s2 =	sadd.s32 $0x4, s2;
	s0 =	sadd.s32 $0x1, s0  }
0x115: {  	s9 =	simm.s32 $0x0;
	s0 =	rddreg [dreg:$0x7];
	s3 =	simm.s32 $0xA  }
0x116: {  	[hbm4b:s0+s9] =	stream.linear.scatter [tilespmem:s29], [sflag:$0xA], $0x80, $0x38;
	[tilespmem:$0x19100] =	vst v63  }
0x117: {  	_ =	swait.ge [sflag:s3], $0x80  }
0x118: {  	s2 =	rddreg [dreg:$0x9]  }
0x119: {  	s31 =	rddreg [dreg:$0x8];
	s2 =	sadd.s32 $0x1, s2  }
0x11a: {  	p0 =	sne.s32 s2, s31  }
.Ltmp2:
0x11b: {  	_ = 	snop;
	(pc) =	sbr.rel @p0 .LBB2_1-.Ltmp2, $3  }
0x11c: {  	_ =	sdelay $0x1  }
0x11d: {  	[sflag:s3] =	ssyncset.done $0x0  }
0x11e: {  	[sflag:s3] =	ssyncadd.s32 $0xFFFFFF80  }
0x11f: {  	_ =	sfence.sel $0x180000  }
0x120: {  	[bflag:$0x0] =	sbarrier.arrive $0xFFFF  }
0x121: {  	_ =	strace $0x90000047  }
0x122: {  	s0 =	stileid.u32;
	[bflag:$0x2] =	sbarrier.arrive $0xFFFF  }
0x123: {  	p0 =	sne.s32 s0, $0x0;
	s0 =	rddreg [dreg:$0x4]  }
0x124: {  	s0 =	sadd.s32 @!p0 $0x100000, s0  }
0x125: {  	[sflag:s0] =	ssyncadd.tile.s32 @!p0 $0x1;
	_ =	shalt  }
.Lfunc_end2:
_tile_overlayer_lowered:
.L_overlay_start_2:
0x126: {  	(tag) =	ssettag $0x2  }
0x127: {  	s0 =	rddreg [dreg:$0x0];
	s2 =	stileid.u32  }
0x128: {  	s1 =	rddreg [dreg:$0x1];
	p0 =	sne.s32 s2, $0x0  }
0x129: {  	s3 =	rddreg [dreg:$0x2];
	[bflag:$0x3] =	sbarrier.arrive $0xFFFF;
	s2 =	simm.s32 @!p0 $0x1C0A  }
0x12a: {  	[timem:s3], [sflag:s2] =	dma.local @!p0 [hbm:s0], s1  }
0x12b: {  	s0 =	simm.s32 @!p0 $0xA  }
0x12c: {  	_ =	swait.ge @!p0 [sflag:s0], s1  }
0x12d: {  	s1 =	ssub.s32 @!p0 $0x0, s1;
	[sflag:s0] =	ssyncset.done @!p0 $0x0  }
0x12e: {  	[sflag:s0] =	ssyncadd.s32 @!p0 s1  }
0x12f: {  	[bflag:$0x3] =	sbarrier.arrive $0xFFFF  }
0x130: {  	_ =	shalt  }

</sc_bundles>
